<compile_context>
chip_gen: v7x
topology: tpu7x:2x2x1
jax: 0.10.2.dev20260603
libtpu: 0.0.44.dev20260713+nightly
codegen_flags: <defaults>
</compile_context>

<pallas_src>
import functools

import jax
import jax.numpy as jnp
from jax import lax
from jax.experimental import pallas as pl
from jax.experimental.pallas import tpu as pltpu
from jax.experimental.pallas import tpu_sc as plsc

_N = 10000
_E = 320000
_NC = 2
_NS = 16
_NW = _NC * _NS
_C = 128
_NCHB = _E // _C
_NP = 10240
_RPT = _NP // _NS


def _sc_scatter(d_feat, with_deg):
    mesh = plsc.VectorSubcoreMesh(core_axis_name="c", subcore_axis_name="s")
    out_type = [jax.ShapeDtypeStruct((_NC * _NP, d_feat), jnp.float32)]
    scratch = [
        pltpu.VMEM((_C,), jnp.int32),
        pltpu.VMEM((_C,), jnp.int32),
        pltpu.VMEM((_C,), jnp.int32),
        pltpu.VMEM((_C,), jnp.int32),
        pltpu.VMEM((_C, d_feat), jnp.float32),
        pltpu.VMEM((_C, d_feat), jnp.float32),
        pltpu.VMEM_SHARED((_NP, d_feat), jnp.float32),
        pltpu.SemaphoreType.DMA,
        pltpu.SemaphoreType.DMA,
        pltpu.SemaphoreType.DMA,
    ]
    if with_deg:
        out_type.append(jax.ShapeDtypeStruct((_NW, _NP), jnp.float32))
        scratch += [
            pltpu.VMEM((_NP,), jnp.float32),
        ]

    @functools.partial(
        pl.kernel, mesh=mesh, out_type=tuple(out_type),
        scratch_types=scratch,
        compiler_params=pltpu.CompilerParams(needs_layout_passes=False),
    )
    def k(*refs):
        if with_deg:
            (t_hbm, src_hbm, dst_hbm, z_hbm, z1_hbm,
             p_hbm, pd_hbm, srcv0, srcv1, dstv0, dstv1, rows0, rows1, acc,
             i_sem, g_sem, s_sem, deg_v) = refs
        else:
            (t_hbm, src_hbm, dst_hbm, z_hbm,
             p_hbm, srcv0, srcv1, dstv0, dstv1, rows0, rows1, acc,
             i_sem, g_sem, s_sem) = refs
        cid = lax.axis_index("c")
        sid = lax.axis_index("s")
        r0 = sid * _RPT
        bufs = (rows0, rows1)
        srcv = (srcv0, srcv1)
        dstv = (dstv0, dstv1)
        nz = _RPT // _C
        w = cid * _NS + sid
        n_b = 79 - 2 * (w >= 18).astype(jnp.int32)
        base = (77 * w + 2 * jnp.minimum(w, 18)) * _C

        def idx(j, p):
            e0 = base + jnp.minimum(j, n_b - 1) * _C
            return (pltpu.make_async_copy(src_hbm.at[pl.ds(e0, _C)],
                                          srcv[p], i_sem),
                    pltpu.make_async_copy(dst_hbm.at[pl.ds(e0, _C)],
                                          dstv[p], i_sem))

        def gather(p):
            return pltpu.make_async_copy(t_hbm.at[srcv[p]], bufs[p], g_sem)

        def scat_start(p):
            pltpu.make_async_copy(bufs[p], acc.at[dstv[p]],
                                  s_sem).start(add=True)

        def scat_wait(p):
            pltpu.make_async_copy(bufs[p], acc.at[dstv[p]], s_sem).wait()

        def deg_add(p):
            if with_deg:
                for i in range(_C // 16):
                    d16 = dstv[p][pl.ds(i * 16, 16)]
                    plsc.addupdate_scatter(
                        deg_v, [d16], jnp.full((16,), 1.0, jnp.float32))

        pltpu.sync_copy(z_hbm, rows0)
        for kk in range(nz):
            pltpu.make_async_copy(
                rows0, acc.at[pl.ds(r0 + kk * _C, _C)], s_sem).start()
        if with_deg:
            pltpu.sync_copy(z1_hbm, deg_v)
        for kk in range(nz):
            pltpu.make_async_copy(
                rows0, acc.at[pl.ds(r0 + kk * _C, _C)], s_sem).wait()
        plsc.subcore_barrier()

        for d in idx(0, 0):
            d.start()
        for d in idx(0, 0):
            d.wait()
        gather(0).start()
        for d in idx(1, 1):
            d.start()

        def step(j, p):
            gather(p).wait()
            for d in idx(j + 1, 1 - p):
                d.wait()
            gather(1 - p).start()
            scat_start(p)
            deg_add(p)
            scat_wait(p)
            for d in idx(j + 2, p):
                d.start()

        def body(j2, carry):
            j = j2 * 2
            step(j, 0)
            step(j + 1, 1)
            return carry

        lax.fori_loop(0, (n_b - 1) // 2, body, 0)
        jt = n_b - 1
        gather(0).wait()
        for d in idx(jt + 1, 1):
            d.wait()
        scat_start(0)
        deg_add(0)
        scat_wait(0)

        if with_deg:
            pltpu.sync_copy(deg_v, pd_hbm.at[w])
        plsc.subcore_barrier()

        o0 = cid * _NP + r0

        def rd(kk):
            return pltpu.make_async_copy(
                acc.at[pl.ds(r0 + kk * _C, _C)], bufs[kk % 2], g_sem)

        def wr(kk):
            return pltpu.make_async_copy(
                bufs[kk % 2], p_hbm.at[pl.ds(o0 + kk * _C, _C)], s_sem)

        rd(0).start()
        for kk in range(nz):
            rd(kk).wait()
            if kk + 1 < nz:
                rd(kk + 1).start()
            wr(kk).start()
            wr(kk).wait()

    return k


_BR = 1024
_NB = _NP // _BR


def _tc_transform_body(x_ref, w_ref, o_ref):
    o_ref[...] = jnp.dot(x_ref[...], w_ref[...],
                         preferred_element_type=jnp.float32)


def _tc_transform(x, w):
    d_in, d_out = w.shape
    return pl.pallas_call(
        _tc_transform_body,
        grid=(_NB,),
        in_specs=[pl.BlockSpec((_BR, d_in), lambda i: (i, 0)),
                  pl.BlockSpec((d_in, d_out), lambda i: (0, 0))],
        out_specs=pl.BlockSpec((_BR, d_out), lambda i: (i, 0)),
        out_shape=jax.ShapeDtypeStruct((_NP, d_out), jnp.float32),
    )(x, w)


def _combine(h, w_self, b, p0, p1, pd):
    deg = jnp.sum(pd, axis=0)[:, None]
    inv = 1.0 / jnp.maximum(deg, 1.0)
    return (jnp.dot(h, w_self, preferred_element_type=jnp.float32)
            + (p0 + p1) * inv + b)


def _tc_mid_body(h_ref, p0_ref, p1_ref, pd_ref, ws_ref, b_ref,
                 wn_ref, hn_ref, tn_ref):
    z = _combine(h_ref[...], ws_ref[...], b_ref[...], p0_ref[...],
                 p1_ref[...], pd_ref[...])
    hn = jnp.where(z > 0, z, jnp.exp(jnp.minimum(z, 0.0)) - 1.0)
    hn_ref[...] = hn
    tn_ref[...] = jnp.dot(hn, wn_ref[...], preferred_element_type=jnp.float32)


def _tc_mid(h, p, pd, w_self, b, w_next):
    d = h.shape[1]
    dn = w_next.shape[1]
    return pl.pallas_call(
        _tc_mid_body,
        grid=(_NB,),
        in_specs=[pl.BlockSpec((_BR, d), lambda i: (i, 0)),
                  pl.BlockSpec((_BR, d), lambda i: (i, 0)),
                  pl.BlockSpec((_BR, d), lambda i: (_NB + i, 0)),
                  pl.BlockSpec((_NW, _BR), lambda i: (0, i)),
                  pl.BlockSpec((d, d), lambda i: (0, 0)),
                  pl.BlockSpec((1, d), lambda i: (0, 0)),
                  pl.BlockSpec((d, dn), lambda i: (0, 0))],
        out_specs=[pl.BlockSpec((_BR, d), lambda i: (i, 0)),
                   pl.BlockSpec((_BR, dn), lambda i: (i, 0))],
        out_shape=[jax.ShapeDtypeStruct((_NP, d), jnp.float32),
                   jax.ShapeDtypeStruct((_NP, dn), jnp.float32)],
    )(h, p, p, pd, w_self, b.reshape(1, d), w_next)


def _tc_last_body(h_ref, p0_ref, p1_ref, pd_ref, ws_ref, b_ref,
                  o_ref):
    o_ref[...] = _combine(h_ref[...], ws_ref[...], b_ref[...],
                          p0_ref[..., :64], p1_ref[..., :64],
                          pd_ref[...])


def _tc_last(h, p, pd, w_self, b):
    d = h.shape[1]
    dn = w_self.shape[1]
    return pl.pallas_call(
        _tc_last_body,
        grid=(_NB,),
        in_specs=[pl.BlockSpec((_BR, d), lambda i: (i, 0)),
                  pl.BlockSpec((_BR, d), lambda i: (i, 0)),
                  pl.BlockSpec((_BR, d), lambda i: (_NB + i, 0)),
                  pl.BlockSpec((_NW, _BR), lambda i: (0, i)),
                  pl.BlockSpec((d, dn), lambda i: (0, 0)),
                  pl.BlockSpec((1, dn), lambda i: (0, 0))],
        out_specs=pl.BlockSpec((_BR, dn), lambda i: (i, 0)),
        out_shape=jax.ShapeDtypeStruct((_NP, dn), jnp.float32),
    )(h, p, p, pd, w_self, b.reshape(1, dn))


def kernel(x, edge_index,
           W_self0, W_neigh0, b0,
           W_self1, W_neigh1, b1,
           W_self2, W_neigh2, b2):
    src = edge_index[0].astype(jnp.int32)
    dst = edge_index[1].astype(jnp.int32)
    z128 = jnp.zeros((_C, 128), jnp.float32)
    z1 = jnp.zeros((_NP,), jnp.float32)
    xp = jnp.pad(x, ((0, _NP - _N), (0, 0)))

    sc128_deg = _sc_scatter(128, True)
    sc128 = _sc_scatter(128, False)

    t0 = _tc_transform(xp, W_neigh0)
    p, pd = sc128_deg(t0, src, dst, z128, z1)
    h1, t1 = _tc_mid(xp, p, pd, W_self0, b0, W_neigh1)
    (p,) = sc128(t1, src, dst, z128)
    w2p = jnp.pad(W_neigh2, ((0, 0), (0, 64)))
    h2, t2 = _tc_mid(h1, p, pd, W_self1, b1, w2p)
    (p,) = sc128(t2, src, dst, z128)
    return _tc_last(h2, p, pd, W_self2, b2)[:_N]

# --- scband reference (transcript-rebuilt; emitter-appended) ---
"""Pipeline reference for scband-klayer-sage-30133490549162 (READ-ONLY COPY).

The authoritative reference and input builder live on the scoring server;
editing this copy changes nothing except your own understanding.
"""

import jax, jax.numpy as jnp
import numpy as np

N = 10000
E = 320000
D_IN = 128
D_HID = 128
N_CLASSES = 64


def setup_inputs(seed: int = 0) -> dict:
    key = jax.random.key(seed)
    ks = jax.random.split(key, 12)
    x = jax.random.normal(ks[0], (N, D_IN), dtype=jnp.float32)
    edge_index = jax.random.randint(ks[1], (2, E), 0, N, dtype=jnp.int64)
    s_in = 1.0 / np.sqrt(D_IN)
    s_hid = 1.0 / np.sqrt(D_HID)
    # Layer 0: SAGEConv(in_dim -> hidden_dim), activation=ELU
    W_self0 = jax.random.normal(ks[2], (D_IN, D_HID), dtype=jnp.float32) * s_in
    W_neigh0 = jax.random.normal(ks[3], (D_IN, D_HID), dtype=jnp.float32) * s_in
    b0 = jnp.zeros((D_HID,), dtype=jnp.float32)
    # Layer 1: SAGEConv(hidden_dim -> hidden_dim), activation=ELU
    W_self1 = jax.random.normal(ks[4], (D_HID, D_HID), dtype=jnp.float32) * s_hid
    W_neigh1 = jax.random.normal(ks[5], (D_HID, D_HID), dtype=jnp.float32) * s_hid
    b1 = jnp.zeros((D_HID,), dtype=jnp.float32)
    # Layer 2 (graph=False): SAGEConv(hidden_dim -> n_classes), no activation
    W_self2 = jax.random.normal(ks[6], (D_HID, N_CLASSES), dtype=jnp.float32) * s_hid
    W_neigh2 = jax.random.normal(ks[7], (D_HID, N_CLASSES), dtype=jnp.float32) * s_hid
    b2 = jnp.zeros((N_CLASSES,), dtype=jnp.float32)
    return {
        'x': x, 'edge_index': edge_index,
        'W_self0': W_self0, 'W_neigh0': W_neigh0, 'b0': b0,
        'W_self1': W_self1, 'W_neigh1': W_neigh1, 'b1': b1,
        'W_self2': W_self2, 'W_neigh2': W_neigh2, 'b2': b2,
    }


def _sage_conv(x, src, dst, W_self, W_neigh, b, n_nodes):
    # DGL SAGEConv with aggregator 'mean':
    #   h_neigh = mean over incoming edges of src features (0 for zero in-degree)
    #   rst = fc_self(h_dst) + fc_neigh(h_neigh) + bias
    msg = jnp.take(x, src, axis=0)                      # gather [E, d]
    summed = jax.ops.segment_sum(msg, dst, num_segments=n_nodes)
    deg = jax.ops.segment_sum(jnp.ones((src.shape[0],), dtype=x.dtype), dst, num_segments=n_nodes)
    neigh = summed / jnp.clip(deg, 1.0, None)[:, None]
    return x @ W_self + neigh @ W_neigh + b


def reference(x, edge_index,
              W_self0, W_neigh0, b0,
              W_self1, W_neigh1, b1,
              W_self2, W_neigh2, b2):
    src = edge_index[0]
    dst = edge_index[1]
    n = x.shape[0]
    # graph=False branch: sequential SAGEConv layers
    h = jax.nn.elu(_sage_conv(x, src, dst, W_self0, W_neigh0, b0, n))
    h = jax.nn.elu(_sage_conv(h, src, dst, W_self1, W_neigh1, b1, n))
    h = _sage_conv(h, src, dst, W_self2, W_neigh2, b2, n)
    return h

if __name__ == "__main__":
    import jax
    _d = setup_inputs()
    print(jax.jit(kernel)(*tuple(_d.values())))

</pallas_src>

<mosaic_0001>
#map = affine_map<(d0, d1) -> (0, 0)>
#map1 = affine_map<(d0, d1) -> (0)>
module attributes {stable_mosaic.version = 14 : i64} {
  func.func @k(%arg0: i32, %arg1: i32, %arg2: memref<10240x128xf32, #tpu.memory_space<hbm>>, %arg3: memref<320000xi32, #tpu.memory_space<hbm>>, %arg4: memref<320000xi32, #tpu.memory_space<hbm>>, %arg5: memref<128x128xf32, #tpu.memory_space<hbm>>, %arg6: memref<10240xf32, #tpu.memory_space<hbm>>, %arg7: memref<20480x128xf32, #tpu.memory_space<hbm>>, %arg8: memref<32x10240xf32, #tpu.memory_space<hbm>>, %arg9: memref<128xi32, #tpu.memory_space<vmem>>, %arg10: memref<128xi32, #tpu.memory_space<vmem>>, %arg11: memref<128xi32, #tpu.memory_space<vmem>>, %arg12: memref<128xi32, #tpu.memory_space<vmem>>, %arg13: memref<128x128xf32, #tpu.memory_space<vmem>>, %arg14: memref<128x128xf32, #tpu.memory_space<vmem>>, %arg15: memref<10240x128xf32, #tpu.memory_space<vmem_shared>>, %arg16: memref<!tpu.dma_semaphore, #tpu.memory_space<semaphore_mem>>, %arg17: memref<!tpu.dma_semaphore, #tpu.memory_space<semaphore_mem>>, %arg18: memref<!tpu.dma_semaphore, #tpu.memory_space<semaphore_mem>>, %arg19: memref<10240xf32, #tpu.memory_space<vmem>>) attributes {dimension_semantics = [#tpu.dimension_semantics<core_parallel>, #tpu.dimension_semantics<subcore_parallel>], iteration_bounds = array<i64: 2, 16>, scalar_prefetch = 0 : i64, scratch_operands = 11 : i64, tpu.core_type = #tpu.core_type<sc_vector_subcore>, window_params = [{transform_indices = #map}, {transform_indices = #map1}, {transform_indices = #map1}, {transform_indices = #map}, {transform_indices = #map1}, {transform_indices = #map}, {transform_indices = #map}]} {
    %mul3A = arith.constant 640 : i32
    %mul3A_0 = arith.muli %arg1, %mul3A : i32
    %mul3A_1 = arith.constant 16 : i32
    %mul3A_2 = arith.muli %arg0, %mul3A_1 : i32
    %add3A = arith.addi %mul3A_2, %arg1 : i32
    %ge3A = arith.constant 18 : i32
    %ge3A_3 = arith.cmpi sge, %add3A, %ge3A : i32
    %convert_element_type3A = arith.extui %ge3A_3 : i1 to i32
    %mul3A_4 = arith.constant 2 : i32
    %mul3A_5 = arith.muli %mul3A_4, %convert_element_type3A : i32
    %sub3A = arith.constant 79 : i32
    %sub3A_6 = arith.subi %sub3A, %mul3A_5 : i32
    %mul3A_7 = arith.constant 77 : i32
    %mul3A_8 = arith.muli %mul3A_7, %add3A : i32
    %min3A = arith.constant 18 : i32
    %min3A_9 = arith.minsi %add3A, %min3A : i32
    %mul3A_10 = arith.constant 2 : i32
    %mul3A_11 = arith.muli %mul3A_10, %min3A_9 : i32
    %add3A_12 = arith.addi %mul3A_8, %mul3A_11 : i32
    %mul3A_13 = arith.constant 128 : i32
    %mul3A_14 = arith.muli %add3A_12, %mul3A_13 : i32
    "tpu.region"() ({
      %run_scoped3A = tpu.sem_alloc : memref<!tpu.dma_semaphore, #tpu.memory_space<semaphore_mem>>
      tpu.enqueue_dma source(%arg5 : memref<128x128xf32, #tpu.memory_space<hbm>>) target(%arg13 : memref<128x128xf32, #tpu.memory_space<vmem>>) target_semaphore(%run_scoped3A : memref<!tpu.dma_semaphore, #tpu.memory_space<semaphore_mem>>)
      tpu.wait_dma2 semaphore(%run_scoped3A : memref<!tpu.dma_semaphore, #tpu.memory_space<semaphore_mem>>) src(%arg5 : memref<128x128xf32, #tpu.memory_space<hbm>>) dst(%arg13 : memref<128x128xf32, #tpu.memory_space<vmem>>)
      tpu.yield
    }) : () -> ()
    %add3A_15 = arith.constant 0 : i32
    %add3A_16 = arith.addi %mul3A_0, %add3A_15 : i32
    %dma_start3A = arith.constant 0 : i32
    %dma_start3A_17 = tpu.memref_slice %arg15[%add3A_16, %dma_start3A] : memref<10240x128xf32, #tpu.memory_space<vmem_shared>> -> memref<128x128xf32, #tpu.memory_space<vmem_shared>>
    %dma_start3A_18 = arith.constant 0 : i32
    %dma_start3A_19 = tpu.memref_slice %arg15[%add3A_16, %dma_start3A_18] : memref<10240x128xf32, #tpu.memory_space<vmem_shared>> -> memref<128x128xf32, #tpu.memory_space<vmem_shared>>
    tpu.enqueue_dma source(%arg13 : memref<128x128xf32, #tpu.memory_space<vmem>>) target(%dma_start3A_19 : memref<128x128xf32, #tpu.memory_space<vmem_shared>>) target_semaphore(%arg18 : memref<!tpu.dma_semaphore, #tpu.memory_space<semaphore_mem>>)
    %add3A_20 = arith.constant 128 : i32
    %add3A_21 = arith.addi %mul3A_0, %add3A_20 : i32
    %dma_start3A_22 = arith.constant 0 : i32
    %dma_start3A_23 = tpu.memref_slice %arg15[%add3A_21, %dma_start3A_22] : memref<10240x128xf32, #tpu.memory_space<vmem_shared>> -> memref<128x128xf32, #tpu.memory_space<vmem_shared>>
    %dma_start3A_24 = arith.constant 0 : i32
    %dma_start3A_25 = tpu.memref_slice %arg15[%add3A_21, %dma_start3A_24] : memref<10240x128xf32, #tpu.memory_space<vmem_shared>> -> memref<128x128xf32, #tpu.memory_space<vmem_shared>>
    tpu.enqueue_dma source(%arg13 : memref<128x128xf32, #tpu.memory_space<vmem>>) target(%dma_start3A_25 : memref<128x128xf32, #tpu.memory_space<vmem_shared>>) target_semaphore(%arg18 : memref<!tpu.dma_semaphore, #tpu.memory_space<semaphore_mem>>)
    %add3A_26 = arith.constant 256 : i32
    %add3A_27 = arith.addi %mul3A_0, %add3A_26 : i32
    %dma_start3A_28 = arith.constant 0 : i32
    %dma_start3A_29 = tpu.memref_slice %arg15[%add3A_27, %dma_start3A_28] : memref<10240x128xf32, #tpu.memory_space<vmem_shared>> -> memref<128x128xf32, #tpu.memory_space<vmem_shared>>
    %dma_start3A_30 = arith.constant 0 : i32
    %dma_start3A_31 = tpu.memref_slice %arg15[%add3A_27, %dma_start3A_30] : memref<10240x128xf32, #tpu.memory_space<vmem_shared>> -> memref<128x128xf32, #tpu.memory_space<vmem_shared>>
    tpu.enqueue_dma source(%arg13 : memref<128x128xf32, #tpu.memory_space<vmem>>) target(%dma_start3A_31 : memref<128x128xf32, #tpu.memory_space<vmem_shared>>) target_semaphore(%arg18 : memref<!tpu.dma_semaphore, #tpu.memory_space<semaphore_mem>>)
    %add3A_32 = arith.constant 384 : i32
    %add3A_33 = arith.addi %mul3A_0, %add3A_32 : i32
    %dma_start3A_34 = arith.constant 0 : i32
    %dma_start3A_35 = tpu.memref_slice %arg15[%add3A_33, %dma_start3A_34] : memref<10240x128xf32, #tpu.memory_space<vmem_shared>> -> memref<128x128xf32, #tpu.memory_space<vmem_shared>>
    %dma_start3A_36 = arith.constant 0 : i32
    %dma_start3A_37 = tpu.memref_slice %arg15[%add3A_33, %dma_start3A_36] : memref<10240x128xf32, #tpu.memory_space<vmem_shared>> -> memref<128x128xf32, #tpu.memory_space<vmem_shared>>
    tpu.enqueue_dma source(%arg13 : memref<128x128xf32, #tpu.memory_space<vmem>>) target(%dma_start3A_37 : memref<128x128xf32, #tpu.memory_space<vmem_shared>>) target_semaphore(%arg18 : memref<!tpu.dma_semaphore, #tpu.memory_space<semaphore_mem>>)
    %add3A_38 = arith.constant 512 : i32
    %add3A_39 = arith.addi %mul3A_0, %add3A_38 : i32
    %dma_start3A_40 = arith.constant 0 : i32
    %dma_start3A_41 = tpu.memref_slice %arg15[%add3A_39, %dma_start3A_40] : memref<10240x128xf32, #tpu.memory_space<vmem_shared>> -> memref<128x128xf32, #tpu.memory_space<vmem_shared>>
    %dma_start3A_42 = arith.constant 0 : i32
    %dma_start3A_43 = tpu.memref_slice %arg15[%add3A_39, %dma_start3A_42] : memref<10240x128xf32, #tpu.memory_space<vmem_shared>> -> memref<128x128xf32, #tpu.memory_space<vmem_shared>>
    tpu.enqueue_dma source(%arg13 : memref<128x128xf32, #tpu.memory_space<vmem>>) target(%dma_start3A_43 : memref<128x128xf32, #tpu.memory_space<vmem_shared>>) target_semaphore(%arg18 : memref<!tpu.dma_semaphore, #tpu.memory_space<semaphore_mem>>)
    "tpu.region"() ({
      %run_scoped3A = tpu.sem_alloc : memref<!tpu.dma_semaphore, #tpu.memory_space<semaphore_mem>>
      tpu.enqueue_dma source(%arg6 : memref<10240xf32, #tpu.memory_space<hbm>>) target(%arg19 : memref<10240xf32, #tpu.memory_space<vmem>>) target_semaphore(%run_scoped3A : memref<!tpu.dma_semaphore, #tpu.memory_space<semaphore_mem>>)
      tpu.wait_dma2 semaphore(%run_scoped3A : memref<!tpu.dma_semaphore, #tpu.memory_space<semaphore_mem>>) src(%arg6 : memref<10240xf32, #tpu.memory_space<hbm>>) dst(%arg19 : memref<10240xf32, #tpu.memory_space<vmem>>)
      tpu.yield
    }) : () -> ()
    %add3A_44 = arith.constant 0 : i32
    %add3A_45 = arith.addi %mul3A_0, %add3A_44 : i32
    %dma_wait3A = arith.constant 0 : i32
    %dma_wait3A_46 = tpu.memref_slice %arg15[%add3A_45, %dma_wait3A] : memref<10240x128xf32, #tpu.memory_space<vmem_shared>> -> memref<128x128xf32, #tpu.memory_space<vmem_shared>>
    %dma_wait3A_47 = arith.constant 0 : i32
    %dma_wait3A_48 = tpu.memref_slice %arg15[%add3A_45, %dma_wait3A_47] : memref<10240x128xf32, #tpu.memory_space<vmem_shared>> -> memref<128x128xf32, #tpu.memory_space<vmem_shared>>
    tpu.wait_dma2 semaphore(%arg18 : memref<!tpu.dma_semaphore, #tpu.memory_space<semaphore_mem>>) src(%arg13 : memref<128x128xf32, #tpu.memory_space<vmem>>) dst(%dma_wait3A_48 : memref<128x128xf32, #tpu.memory_space<vmem_shared>>)
    %add3A_49 = arith.constant 128 : i32
    %add3A_50 = arith.addi %mul3A_0, %add3A_49 : i32
    %dma_wait3A_51 = arith.constant 0 : i32
    %dma_wait3A_52 = tpu.memref_slice %arg15[%add3A_50, %dma_wait3A_51] : memref<10240x128xf32, #tpu.memory_space<vmem_shared>> -> memref<128x128xf32, #tpu.memory_space<vmem_shared>>
    %dma_wait3A_53 = arith.constant 0 : i32
    %dma_wait3A_54 = tpu.memref_slice %arg15[%add3A_50, %dma_wait3A_53] : memref<10240x128xf32, #tpu.memory_space<vmem_shared>> -> memref<128x128xf32, #tpu.memory_space<vmem_shared>>
    tpu.wait_dma2 semaphore(%arg18 : memref<!tpu.dma_semaphore, #tpu.memory_space<semaphore_mem>>) src(%arg13 : memref<128x128xf32, #tpu.memory_space<vmem>>) dst(%dma_wait3A_54 : memref<128x128xf32, #tpu.memory_space<vmem_shared>>)
    %add3A_55 = arith.constant 256 : i32
    %add3A_56 = arith.addi %mul3A_0, %add3A_55 : i32
    %dma_wait3A_57 = arith.constant 0 : i32
    %dma_wait3A_58 = tpu.memref_slice %arg15[%add3A_56, %dma_wait3A_57] : memref<10240x128xf32, #tpu.memory_space<vmem_shared>> -> memref<128x128xf32, #tpu.memory_space<vmem_shared>>
    %dma_wait3A_59 = arith.constant 0 : i32
    %dma_wait3A_60 = tpu.memref_slice %arg15[%add3A_56, %dma_wait3A_59] : memref<10240x128xf32, #tpu.memory_space<vmem_shared>> -> memref<128x128xf32, #tpu.memory_space<vmem_shared>>
    tpu.wait_dma2 semaphore(%arg18 : memref<!tpu.dma_semaphore, #tpu.memory_space<semaphore_mem>>) src(%arg13 : memref<128x128xf32, #tpu.memory_space<vmem>>) dst(%dma_wait3A_60 : memref<128x128xf32, #tpu.memory_space<vmem_shared>>)
    %add3A_61 = arith.constant 384 : i32
    %add3A_62 = arith.addi %mul3A_0, %add3A_61 : i32
    %dma_wait3A_63 = arith.constant 0 : i32
    %dma_wait3A_64 = tpu.memref_slice %arg15[%add3A_62, %dma_wait3A_63] : memref<10240x128xf32, #tpu.memory_space<vmem_shared>> -> memref<128x128xf32, #tpu.memory_space<vmem_shared>>
    %dma_wait3A_65 = arith.constant 0 : i32
    %dma_wait3A_66 = tpu.memref_slice %arg15[%add3A_62, %dma_wait3A_65] : memref<10240x128xf32, #tpu.memory_space<vmem_shared>> -> memref<128x128xf32, #tpu.memory_space<vmem_shared>>
    tpu.wait_dma2 semaphore(%arg18 : memref<!tpu.dma_semaphore, #tpu.memory_space<semaphore_mem>>) src(%arg13 : memref<128x128xf32, #tpu.memory_space<vmem>>) dst(%dma_wait3A_66 : memref<128x128xf32, #tpu.memory_space<vmem_shared>>)
    %add3A_67 = arith.constant 512 : i32
    %add3A_68 = arith.addi %mul3A_0, %add3A_67 : i32
    %dma_wait3A_69 = arith.constant 0 : i32
    %dma_wait3A_70 = tpu.memref_slice %arg15[%add3A_68, %dma_wait3A_69] : memref<10240x128xf32, #tpu.memory_space<vmem_shared>> -> memref<128x128xf32, #tpu.memory_space<vmem_shared>>
    %dma_wait3A_71 = arith.constant 0 : i32
    %dma_wait3A_72 = tpu.memref_slice %arg15[%add3A_68, %dma_wait3A_71] : memref<10240x128xf32, #tpu.memory_space<vmem_shared>> -> memref<128x128xf32, #tpu.memory_space<vmem_shared>>
    tpu.wait_dma2 semaphore(%arg18 : memref<!tpu.dma_semaphore, #tpu.memory_space<semaphore_mem>>) src(%arg13 : memref<128x128xf32, #tpu.memory_space<vmem>>) dst(%dma_wait3A_72 : memref<128x128xf32, #tpu.memory_space<vmem_shared>>)
    %barrier3A = arith.constant 0 : index
    tpu.barrier barrier_id(%barrier3A)
    %sub3A_73 = arith.constant 1 : i32
    %sub3A_74 = arith.subi %sub3A_6, %sub3A_73 : i32
    %min3A_75 = arith.constant 0 : i32
    %min3A_76 = arith.minsi %min3A_75, %sub3A_74 : i32
    %mul3A_77 = arith.constant 128 : i32
    %mul3A_78 = arith.muli %min3A_76, %mul3A_77 : i32
    %add3A_79 = arith.addi %mul3A_14, %mul3A_78 : i32
    %dma_start3A_80 = tpu.memref_slice %arg3[%add3A_79] : memref<320000xi32, #tpu.memory_space<hbm>> -> memref<128xi32, #tpu.memory_space<hbm>>
    %dma_start3A_81 = tpu.memref_slice %arg3[%add3A_79] : memref<320000xi32, #tpu.memory_space<hbm>> -> memref<128xi32, #tpu.memory_space<hbm>>
    tpu.enqueue_dma source(%dma_start3A_81 : memref<128xi32, #tpu.memory_space<hbm>>) target(%arg9 : memref<128xi32, #tpu.memory_space<vmem>>) target_semaphore(%arg16 : memref<!tpu.dma_semaphore, #tpu.memory_space<semaphore_mem>>)
    %dma_start3A_82 = tpu.memref_slice %arg4[%add3A_79] : memref<320000xi32, #tpu.memory_space<hbm>> -> memref<128xi32, #tpu.memory_space<hbm>>
    %dma_start3A_83 = tpu.memref_slice %arg4[%add3A_79] : memref<320000xi32, #tpu.memory_space<hbm>> -> memref<128xi32, #tpu.memory_space<hbm>>
    tpu.enqueue_dma source(%dma_start3A_83 : memref<128xi32, #tpu.memory_space<hbm>>) target(%arg11 : memref<128xi32, #tpu.memory_space<vmem>>) target_semaphore(%arg16 : memref<!tpu.dma_semaphore, #tpu.memory_space<semaphore_mem>>)
    %sub3A_84 = arith.constant 1 : i32
    %sub3A_85 = arith.subi %sub3A_6, %sub3A_84 : i32
    %min3A_86 = arith.constant 0 : i32
    %min3A_87 = arith.minsi %min3A_86, %sub3A_85 : i32
    %mul3A_88 = arith.constant 128 : i32
    %mul3A_89 = arith.muli %min3A_87, %mul3A_88 : i32
    %add3A_90 = arith.addi %mul3A_14, %mul3A_89 : i32
    %dma_wait3A_91 = tpu.memref_slice %arg3[%add3A_90] : memref<320000xi32, #tpu.memory_space<hbm>> -> memref<128xi32, #tpu.memory_space<hbm>>
    %dma_wait3A_92 = tpu.memref_slice %arg3[%add3A_90] : memref<320000xi32, #tpu.memory_space<hbm>> -> memref<128xi32, #tpu.memory_space<hbm>>
    tpu.wait_dma2 semaphore(%arg16 : memref<!tpu.dma_semaphore, #tpu.memory_space<semaphore_mem>>) src(%dma_wait3A_92 : memref<128xi32, #tpu.memory_space<hbm>>) dst(%arg9 : memref<128xi32, #tpu.memory_space<vmem>>)
    %dma_wait3A_93 = tpu.memref_slice %arg4[%add3A_90] : memref<320000xi32, #tpu.memory_space<hbm>> -> memref<128xi32, #tpu.memory_space<hbm>>
    %dma_wait3A_94 = tpu.memref_slice %arg4[%add3A_90] : memref<320000xi32, #tpu.memory_space<hbm>> -> memref<128xi32, #tpu.memory_space<hbm>>
    tpu.wait_dma2 semaphore(%arg16 : memref<!tpu.dma_semaphore, #tpu.memory_space<semaphore_mem>>) src(%dma_wait3A_94 : memref<128xi32, #tpu.memory_space<hbm>>) dst(%arg11 : memref<128xi32, #tpu.memory_space<vmem>>)
    %dma_start3A_95 = arith.constant 0 : i32
    %dma_start3A_96 = arith.constant 0 : i32
    %dma_start3A_97 = tpu.memref_slice %arg2[%dma_start3A_95, %dma_start3A_96] : memref<10240x128xf32, #tpu.memory_space<hbm>> -> memref<10240x128xf32, #tpu.memory_space<hbm>>
    tpu.enqueue_indirect_dma source(%dma_start3A_97 : memref<10240x128xf32, #tpu.memory_space<hbm>>) target(%arg13 : memref<128x128xf32, #tpu.memory_space<vmem>>) offsets(%arg9 : memref<128xi32, #tpu.memory_space<vmem>>) semaphore(%arg17 : memref<!tpu.dma_semaphore, #tpu.memory_space<semaphore_mem>>)
    %sub3A_98 = arith.constant 1 : i32
    %sub3A_99 = arith.subi %sub3A_6, %sub3A_98 : i32
    %min3A_100 = arith.constant 1 : i32
    %min3A_101 = arith.minsi %min3A_100, %sub3A_99 : i32
    %mul3A_102 = arith.constant 128 : i32
    %mul3A_103 = arith.muli %min3A_101, %mul3A_102 : i32
    %add3A_104 = arith.addi %mul3A_14, %mul3A_103 : i32
    %dma_start3A_105 = tpu.memref_slice %arg3[%add3A_104] : memref<320000xi32, #tpu.memory_space<hbm>> -> memref<128xi32, #tpu.memory_space<hbm>>
    %dma_start3A_106 = tpu.memref_slice %arg3[%add3A_104] : memref<320000xi32, #tpu.memory_space<hbm>> -> memref<128xi32, #tpu.memory_space<hbm>>
    tpu.enqueue_dma source(%dma_start3A_106 : memref<128xi32, #tpu.memory_space<hbm>>) target(%arg10 : memref<128xi32, #tpu.memory_space<vmem>>) target_semaphore(%arg16 : memref<!tpu.dma_semaphore, #tpu.memory_space<semaphore_mem>>)
    %dma_start3A_107 = tpu.memref_slice %arg4[%add3A_104] : memref<320000xi32, #tpu.memory_space<hbm>> -> memref<128xi32, #tpu.memory_space<hbm>>
    %dma_start3A_108 = tpu.memref_slice %arg4[%add3A_104] : memref<320000xi32, #tpu.memory_space<hbm>> -> memref<128xi32, #tpu.memory_space<hbm>>
    tpu.enqueue_dma source(%dma_start3A_108 : memref<128xi32, #tpu.memory_space<hbm>>) target(%arg12 : memref<128xi32, #tpu.memory_space<vmem>>) target_semaphore(%arg16 : memref<!tpu.dma_semaphore, #tpu.memory_space<semaphore_mem>>)
    %sub3A_109 = arith.constant 1 : i32
    %sub3A_110 = arith.subi %sub3A_6, %sub3A_109 : i32
    %jit3A = arith.constant 2 : i32
    %div3A = arith.divsi %sub3A_110, %jit3A : i32
    %sign3A = arith.constant 0 : i32
    %sign3A_111 = arith.cmpi sgt, %sub3A_110, %sign3A : i32
    %sign3A_112 = arith.extui %sign3A_111 : i1 to i32
    %sign3A_113 = arith.constant 0 : i32
    %sign3A_114 = arith.cmpi slt, %sub3A_110, %sign3A_113 : i32
    %sign3A_115 = arith.extui %sign3A_114 : i1 to i32
    %sign3A_116 = arith.subi %sign3A_112, %sign3A_115 : i32
    %sign3A_117 = arith.constant 0 : i32
    %sign3A_118 = arith.cmpi sgt, %jit3A, %sign3A_117 : i32
    %sign3A_119 = arith.extui %sign3A_118 : i1 to i32
    %sign3A_120 = arith.constant 0 : i32
    %sign3A_121 = arith.cmpi slt, %jit3A, %sign3A_120 : i32
    %sign3A_122 = arith.extui %sign3A_121 : i1 to i32
    %sign3A_123 = arith.subi %sign3A_119, %sign3A_122 : i32
    %ne3A = arith.cmpi ne, %sign3A_116, %sign3A_123 : i32
    %rem3A = arith.remsi %sub3A_110, %jit3A : i32
    %ne3A_124 = arith.constant 0 : i32
    %ne3A_125 = arith.cmpi ne, %rem3A, %ne3A_124 : i32
    %and3A = arith.andi %ne3A, %ne3A_125 : i1
    %sub3A_126 = arith.constant 1 : i32
    %sub3A_127 = arith.subi %div3A, %sub3A_126 : i32
    %select_n3A = arith.select %and3A, %sub3A_127, %div3A : i32
    %while3A = arith.constant 0 : i32
    %while3A_128 = arith.constant 0 : i32
    %while3A_129 = arith.subi %select_n3A, %while3A_128 : i32
    %while3A_130 = arith.addi %while3A_128, %while3A_129 : i32
    %while3A_131 = arith.constant 1 : i32
    %while3A_132 = arith.divsi %while3A_129, %while3A_131 : i32
    %while3A_133 = arith.muli %while3A_132, %while3A_131 : i32
    %while3A_134 = arith.addi %while3A_128, %while3A_133 : i32
    %while3A_135 = arith.constant 1 : i32
    scf.for %while3A_314 = %while3A_128 to %while3A_134 step %while3A_135  : i32 {
      %mul3A_315 = arith.constant 2 : i32
      %mul3A_316 = arith.muli %while3A_314, %mul3A_315 : i32
      %dma_wait3A_317 = arith.constant 0 : i32
      %dma_wait3A_318 = arith.constant 0 : i32
      %dma_wait3A_319 = tpu.memref_slice %arg2[%dma_wait3A_317, %dma_wait3A_318] : memref<10240x128xf32, #tpu.memory_space<hbm>> -> memref<10240x128xf32, #tpu.memory_space<hbm>>
      tpu.wait_indirect_dma semaphore(%arg17 : memref<!tpu.dma_semaphore, #tpu.memory_space<semaphore_mem>>) src(%dma_wait3A_319 : memref<10240x128xf32, #tpu.memory_space<hbm>>) dst(%arg13 : memref<128x128xf32, #tpu.memory_space<vmem>>)
      %add3A_320 = arith.constant 1 : i32
      %add3A_321 = arith.addi %mul3A_316, %add3A_320 : i32
      %sub3A_322 = arith.constant 1 : i32
      %sub3A_323 = arith.subi %sub3A_6, %sub3A_322 : i32
      %min3A_324 = arith.minsi %add3A_321, %sub3A_323 : i32
      %mul3A_325 = arith.constant 128 : i32
      %mul3A_326 = arith.muli %min3A_324, %mul3A_325 : i32
      %add3A_327 = arith.addi %mul3A_14, %mul3A_326 : i32
      %dma_wait3A_328 = tpu.memref_slice %arg3[%add3A_327] : memref<320000xi32, #tpu.memory_space<hbm>> -> memref<128xi32, #tpu.memory_space<hbm>>
      %dma_wait3A_329 = tpu.memref_slice %arg3[%add3A_327] : memref<320000xi32, #tpu.memory_space<hbm>> -> memref<128xi32, #tpu.memory_space<hbm>>
      tpu.wait_dma2 semaphore(%arg16 : memref<!tpu.dma_semaphore, #tpu.memory_space<semaphore_mem>>) src(%dma_wait3A_329 : memref<128xi32, #tpu.memory_space<hbm>>) dst(%arg10 : memref<128xi32, #tpu.memory_space<vmem>>)
      %dma_wait3A_330 = tpu.memref_slice %arg4[%add3A_327] : memref<320000xi32, #tpu.memory_space<hbm>> -> memref<128xi32, #tpu.memory_space<hbm>>
      %dma_wait3A_331 = tpu.memref_slice %arg4[%add3A_327] : memref<320000xi32, #tpu.memory_space<hbm>> -> memref<128xi32, #tpu.memory_space<hbm>>
      tpu.wait_dma2 semaphore(%arg16 : memref<!tpu.dma_semaphore, #tpu.memory_space<semaphore_mem>>) src(%dma_wait3A_331 : memref<128xi32, #tpu.memory_space<hbm>>) dst(%arg12 : memref<128xi32, #tpu.memory_space<vmem>>)
      %dma_start3A_332 = arith.constant 0 : i32
      %dma_start3A_333 = arith.constant 0 : i32
      %dma_start3A_334 = tpu.memref_slice %arg2[%dma_start3A_332, %dma_start3A_333] : memref<10240x128xf32, #tpu.memory_space<hbm>> -> memref<10240x128xf32, #tpu.memory_space<hbm>>
      tpu.enqueue_indirect_dma source(%dma_start3A_334 : memref<10240x128xf32, #tpu.memory_space<hbm>>) target(%arg14 : memref<128x128xf32, #tpu.memory_space<vmem>>) offsets(%arg10 : memref<128xi32, #tpu.memory_space<vmem>>) semaphore(%arg17 : memref<!tpu.dma_semaphore, #tpu.memory_space<semaphore_mem>>)
      %dma_start3A_335 = arith.constant 0 : i32
      %dma_start3A_336 = arith.constant 0 : i32
      %dma_start3A_337 = tpu.memref_slice %arg15[%dma_start3A_335, %dma_start3A_336] : memref<10240x128xf32, #tpu.memory_space<vmem_shared>> -> memref<10240x128xf32, #tpu.memory_space<vmem_shared>>
      tpu.enqueue_indirect_dma source(%arg13 : memref<128x128xf32, #tpu.memory_space<vmem>>) target(%dma_start3A_337 : memref<10240x128xf32, #tpu.memory_space<vmem_shared>>) offsets(%arg11 : memref<128xi32, #tpu.memory_space<vmem>>) semaphore(%arg18 : memref<!tpu.dma_semaphore, #tpu.memory_space<semaphore_mem>>) {add = true}
      %get3A_338 = arith.constant 0 : index
      %get3A_339 = tpu.vector_load %arg11[%get3A_338] {strides = array<i32>} : memref<128xi32, #tpu.memory_space<vmem>>, vector<16xi32>,
      %broadcast_in_dim3A_340 = arith.constant 1.000000e+00 : f32
      %broadcast_in_dim3A_341 = vector.broadcast %broadcast_in_dim3A_340 : f32 to vector<16xf32>
      tpu.vector_store_idx %arg19[%get3A_339], %broadcast_in_dim3A_341 {add = true} : memref<10240xf32, #tpu.memory_space<vmem>>[vector<16xi32>], vector<16xf32>,
      %get3A_342 = arith.constant 16 : index
      %get3A_343 = tpu.vector_load %arg11[%get3A_342] {strides = array<i32>} : memref<128xi32, #tpu.memory_space<vmem>>, vector<16xi32>,
      %broadcast_in_dim3A_344 = arith.constant 1.000000e+00 : f32
      %broadcast_in_dim3A_345 = vector.broadcast %broadcast_in_dim3A_344 : f32 to vector<16xf32>
      tpu.vector_store_idx %arg19[%get3A_343], %broadcast_in_dim3A_345 {add = true} : memref<10240xf32, #tpu.memory_space<vmem>>[vector<16xi32>], vector<16xf32>,
      %get3A_346 = arith.constant 32 : index
      %get3A_347 = tpu.vector_load %arg11[%get3A_346] {strides = array<i32>} : memref<128xi32, #tpu.memory_space<vmem>>, vector<16xi32>,
      %broadcast_in_dim3A_348 = arith.constant 1.000000e+00 : f32
      %broadcast_in_dim3A_349 = vector.broadcast %broadcast_in_dim3A_348 : f32 to vector<16xf32>
      tpu.vector_store_idx %arg19[%get3A_347], %broadcast_in_dim3A_349 {add = true} : memref<10240xf32, #tpu.memory_space<vmem>>[vector<16xi32>], vector<16xf32>,
      %get3A_350 = arith.constant 48 : index
      %get3A_351 = tpu.vector_load %arg11[%get3A_350] {strides = array<i32>} : memref<128xi32, #tpu.memory_space<vmem>>, vector<16xi32>,
      %broadcast_in_dim3A_352 = arith.constant 1.000000e+00 : f32
      %broadcast_in_dim3A_353 = vector.broadcast %broadcast_in_dim3A_352 : f32 to vector<16xf32>
      tpu.vector_store_idx %arg19[%get3A_351], %broadcast_in_dim3A_353 {add = true} : memref<10240xf32, #tpu.memory_space<vmem>>[vector<16xi32>], vector<16xf32>,
      %get3A_354 = arith.constant 64 : index
      %get3A_355 = tpu.vector_load %arg11[%get3A_354] {strides = array<i32>} : memref<128xi32, #tpu.memory_space<vmem>>, vector<16xi32>,
      %broadcast_in_dim3A_356 = arith.constant 1.000000e+00 : f32
      %broadcast_in_dim3A_357 = vector.broadcast %broadcast_in_dim3A_356 : f32 to vector<16xf32>
      tpu.vector_store_idx %arg19[%get3A_355], %broadcast_in_dim3A_357 {add = true} : memref<10240xf32, #tpu.memory_space<vmem>>[vector<16xi32>], vector<16xf32>,
      %get3A_358 = arith.constant 80 : index
      %get3A_359 = tpu.vector_load %arg11[%get3A_358] {strides = array<i32>} : memref<128xi32, #tpu.memory_space<vmem>>, vector<16xi32>,
      %broadcast_in_dim3A_360 = arith.constant 1.000000e+00 : f32
      %broadcast_in_dim3A_361 = vector.broadcast %broadcast_in_dim3A_360 : f32 to vector<16xf32>
      tpu.vector_store_idx %arg19[%get3A_359], %broadcast_in_dim3A_361 {add = true} : memref<10240xf32, #tpu.memory_space<vmem>>[vector<16xi32>], vector<16xf32>,
      %get3A_362 = arith.constant 96 : index
      %get3A_363 = tpu.vector_load %arg11[%get3A_362] {strides = array<i32>} : memref<128xi32, #tpu.memory_space<vmem>>, vector<16xi32>,
      %broadcast_in_dim3A_364 = arith.constant 1.000000e+00 : f32
      %broadcast_in_dim3A_365 = vector.broadcast %broadcast_in_dim3A_364 : f32 to vector<16xf32>
      tpu.vector_store_idx %arg19[%get3A_363], %broadcast_in_dim3A_365 {add = true} : memref<10240xf32, #tpu.memory_space<vmem>>[vector<16xi32>], vector<16xf32>,
      %get3A_366 = arith.constant 112 : index
      %get3A_367 = tpu.vector_load %arg11[%get3A_366] {strides = array<i32>} : memref<128xi32, #tpu.memory_space<vmem>>, vector<16xi32>,
      %broadcast_in_dim3A_368 = arith.constant 1.000000e+00 : f32
      %broadcast_in_dim3A_369 = vector.broadcast %broadcast_in_dim3A_368 : f32 to vector<16xf32>
      tpu.vector_store_idx %arg19[%get3A_367], %broadcast_in_dim3A_369 {add = true} : memref<10240xf32, #tpu.memory_space<vmem>>[vector<16xi32>], vector<16xf32>,
      %dma_wait3A_370 = arith.constant 0 : i32
      %dma_wait3A_371 = arith.constant 0 : i32
      %dma_wait3A_372 = tpu.memref_slice %arg15[%dma_wait3A_370, %dma_wait3A_371] : memref<10240x128xf32, #tpu.memory_space<vmem_shared>> -> memref<10240x128xf32, #tpu.memory_space<vmem_shared>>
      tpu.wait_indirect_dma semaphore(%arg18 : memref<!tpu.dma_semaphore, #tpu.memory_space<semaphore_mem>>) src(%arg13 : memref<128x128xf32, #tpu.memory_space<vmem>>) dst(%dma_wait3A_372 : memref<10240x128xf32, #tpu.memory_space<vmem_shared>>)
      %add3A_373 = arith.constant 2 : i32
      %add3A_374 = arith.addi %mul3A_316, %add3A_373 : i32
      %sub3A_375 = arith.constant 1 : i32
      %sub3A_376 = arith.subi %sub3A_6, %sub3A_375 : i32
      %min3A_377 = arith.minsi %add3A_374, %sub3A_376 : i32
      %mul3A_378 = arith.constant 128 : i32
      %mul3A_379 = arith.muli %min3A_377, %mul3A_378 : i32
      %add3A_380 = arith.addi %mul3A_14, %mul3A_379 : i32
      %dma_start3A_381 = tpu.memref_slice %arg3[%add3A_380] : memref<320000xi32, #tpu.memory_space<hbm>> -> memref<128xi32, #tpu.memory_space<hbm>>
      %dma_start3A_382 = tpu.memref_slice %arg3[%add3A_380] : memref<320000xi32, #tpu.memory_space<hbm>> -> memref<128xi32, #tpu.memory_space<hbm>>
      tpu.enqueue_dma source(%dma_start3A_382 : memref<128xi32, #tpu.memory_space<hbm>>) target(%arg9 : memref<128xi32, #tpu.memory_space<vmem>>) target_semaphore(%arg16 : memref<!tpu.dma_semaphore, #tpu.memory_space<semaphore_mem>>)
      %dma_start3A_383 = tpu.memref_slice %arg4[%add3A_380] : memref<320000xi32, #tpu.memory_space<hbm>> -> memref<128xi32, #tpu.memory_space<hbm>>
      %dma_start3A_384 = tpu.memref_slice %arg4[%add3A_380] : memref<320000xi32, #tpu.memory_space<hbm>> -> memref<128xi32, #tpu.memory_space<hbm>>
      tpu.enqueue_dma source(%dma_start3A_384 : memref<128xi32, #tpu.memory_space<hbm>>) target(%arg11 : memref<128xi32, #tpu.memory_space<vmem>>) target_semaphore(%arg16 : memref<!tpu.dma_semaphore, #tpu.memory_space<semaphore_mem>>)
      %add3A_385 = arith.constant 1 : i32
      %add3A_386 = arith.addi %mul3A_316, %add3A_385 : i32
      %dma_wait3A_387 = arith.constant 0 : i32
      %dma_wait3A_388 = arith.constant 0 : i32
      %dma_wait3A_389 = tpu.memref_slice %arg2[%dma_wait3A_387, %dma_wait3A_388] : memref<10240x128xf32, #tpu.memory_space<hbm>> -> memref<10240x128xf32, #tpu.memory_space<hbm>>
      tpu.wait_indirect_dma semaphore(%arg17 : memref<!tpu.dma_semaphore, #tpu.memory_space<semaphore_mem>>) src(%dma_wait3A_389 : memref<10240x128xf32, #tpu.memory_space<hbm>>) dst(%arg14 : memref<128x128xf32, #tpu.memory_space<vmem>>)
      %add3A_390 = arith.constant 1 : i32
      %add3A_391 = arith.addi %add3A_386, %add3A_390 : i32
      %sub3A_392 = arith.constant 1 : i32
      %sub3A_393 = arith.subi %sub3A_6, %sub3A_392 : i32
      %min3A_394 = arith.minsi %add3A_391, %sub3A_393 : i32
      %mul3A_395 = arith.constant 128 : i32
      %mul3A_396 = arith.muli %min3A_394, %mul3A_395 : i32
      %add3A_397 = arith.addi %mul3A_14, %mul3A_396 : i32
      %dma_wait3A_398 = tpu.memref_slice %arg3[%add3A_397] : memref<320000xi32, #tpu.memory_space<hbm>> -> memref<128xi32, #tpu.memory_space<hbm>>
      %dma_wait3A_399 = tpu.memref_slice %arg3[%add3A_397] : memref<320000xi32, #tpu.memory_space<hbm>> -> memref<128xi32, #tpu.memory_space<hbm>>
      tpu.wait_dma2 semaphore(%arg16 : memref<!tpu.dma_semaphore, #tpu.memory_space<semaphore_mem>>) src(%dma_wait3A_399 : memref<128xi32, #tpu.memory_space<hbm>>) dst(%arg9 : memref<128xi32, #tpu.memory_space<vmem>>)
      %dma_wait3A_400 = tpu.memref_slice %arg4[%add3A_397] : memref<320000xi32, #tpu.memory_space<hbm>> -> memref<128xi32, #tpu.memory_space<hbm>>
      %dma_wait3A_401 = tpu.memref_slice %arg4[%add3A_397] : memref<320000xi32, #tpu.memory_space<hbm>> -> memref<128xi32, #tpu.memory_space<hbm>>
      tpu.wait_dma2 semaphore(%arg16 : memref<!tpu.dma_semaphore, #tpu.memory_space<semaphore_mem>>) src(%dma_wait3A_401 : memref<128xi32, #tpu.memory_space<hbm>>) dst(%arg11 : memref<128xi32, #tpu.memory_space<vmem>>)
      %dma_start3A_402 = arith.constant 0 : i32
      %dma_start3A_403 = arith.constant 0 : i32
      %dma_start3A_404 = tpu.memref_slice %arg2[%dma_start3A_402, %dma_start3A_403] : memref<10240x128xf32, #tpu.memory_space<hbm>> -> memref<10240x128xf32, #tpu.memory_space<hbm>>
      tpu.enqueue_indirect_dma source(%dma_start3A_404 : memref<10240x128xf32, #tpu.memory_space<hbm>>) target(%arg13 : memref<128x128xf32, #tpu.memory_space<vmem>>) offsets(%arg9 : memref<128xi32, #tpu.memory_space<vmem>>) semaphore(%arg17 : memref<!tpu.dma_semaphore, #tpu.memory_space<semaphore_mem>>)
      %dma_start3A_405 = arith.constant 0 : i32
      %dma_start3A_406 = arith.constant 0 : i32
      %dma_start3A_407 = tpu.memref_slice %arg15[%dma_start3A_405, %dma_start3A_406] : memref<10240x128xf32, #tpu.memory_space<vmem_shared>> -> memref<10240x128xf32, #tpu.memory_space<vmem_shared>>
      tpu.enqueue_indirect_dma source(%arg14 : memref<128x128xf32, #tpu.memory_space<vmem>>) target(%dma_start3A_407 : memref<10240x128xf32, #tpu.memory_space<vmem_shared>>) offsets(%arg12 : memref<128xi32, #tpu.memory_space<vmem>>) semaphore(%arg18 : memref<!tpu.dma_semaphore, #tpu.memory_space<semaphore_mem>>) {add = true}
      %get3A_408 = arith.constant 0 : index
      %get3A_409 = tpu.vector_load %arg12[%get3A_408] {strides = array<i32>} : memref<128xi32, #tpu.memory_space<vmem>>, vector<16xi32>,
      %broadcast_in_dim3A_410 = arith.constant 1.000000e+00 : f32
      %broadcast_in_dim3A_411 = vector.broadcast %broadcast_in_dim3A_410 : f32 to vector<16xf32>
      tpu.vector_store_idx %arg19[%get3A_409], %broadcast_in_dim3A_411 {add = true} : memref<10240xf32, #tpu.memory_space<vmem>>[vector<16xi32>], vector<16xf32>,
      %get3A_412 = arith.constant 16 : index
      %get3A_413 = tpu.vector_load %arg12[%get3A_412] {strides = array<i32>} : memref<128xi32, #tpu.memory_space<vmem>>, vector<16xi32>,
      %broadcast_in_dim3A_414 = arith.constant 1.000000e+00 : f32
      %broadcast_in_dim3A_415 = vector.broadcast %broadcast_in_dim3A_414 : f32 to vector<16xf32>
      tpu.vector_store_idx %arg19[%get3A_413], %broadcast_in_dim3A_415 {add = true} : memref<10240xf32, #tpu.memory_space<vmem>>[vector<16xi32>], vector<16xf32>,
      %get3A_416 = arith.constant 32 : index
      %get3A_417 = tpu.vector_load %arg12[%get3A_416] {strides = array<i32>} : memref<128xi32, #tpu.memory_space<vmem>>, vector<16xi32>,
      %broadcast_in_dim3A_418 = arith.constant 1.000000e+00 : f32
      %broadcast_in_dim3A_419 = vector.broadcast %broadcast_in_dim3A_418 : f32 to vector<16xf32>
      tpu.vector_store_idx %arg19[%get3A_417], %broadcast_in_dim3A_419 {add = true} : memref<10240xf32, #tpu.memory_space<vmem>>[vector<16xi32>], vector<16xf32>,
      %get3A_420 = arith.constant 48 : index
      %get3A_421 = tpu.vector_load %arg12[%get3A_420] {strides = array<i32>} : memref<128xi32, #tpu.memory_space<vmem>>, vector<16xi32>,
      %broadcast_in_dim3A_422 = arith.constant 1.000000e+00 : f32
      %broadcast_in_dim3A_423 = vector.broadcast %broadcast_in_dim3A_422 : f32 to vector<16xf32>
      tpu.vector_store_idx %arg19[%get3A_421], %broadcast_in_dim3A_423 {add = true} : memref<10240xf32, #tpu.memory_space<vmem>>[vector<16xi32>], vector<16xf32>,
      %get3A_424 = arith.constant 64 : index
      %get3A_425 = tpu.vector_load %arg12[%get3A_424] {strides = array<i32>} : memref<128xi32, #tpu.memory_space<vmem>>, vector<16xi32>,
      %broadcast_in_dim3A_426 = arith.constant 1.000000e+00 : f32
      %broadcast_in_dim3A_427 = vector.broadcast %broadcast_in_dim3A_426 : f32 to vector<16xf32>
      tpu.vector_store_idx %arg19[%get3A_425], %broadcast_in_dim3A_427 {add = true} : memref<10240xf32, #tpu.memory_space<vmem>>[vector<16xi32>], vector<16xf32>,
      %get3A_428 = arith.constant 80 : index
      %get3A_429 = tpu.vector_load %arg12[%get3A_428] {strides = array<i32>} : memref<128xi32, #tpu.memory_space<vmem>>, vector<16xi32>,
      %broadcast_in_dim3A_430 = arith.constant 1.000000e+00 : f32
      %broadcast_in_dim3A_431 = vector.broadcast %broadcast_in_dim3A_430 : f32 to vector<16xf32>
      tpu.vector_store_idx %arg19[%get3A_429], %broadcast_in_dim3A_431 {add = true} : memref<10240xf32, #tpu.memory_space<vmem>>[vector<16xi32>], vector<16xf32>,
      %get3A_432 = arith.constant 96 : index
      %get3A_433 = tpu.vector_load %arg12[%get3A_432] {strides = array<i32>} : memref<128xi32, #tpu.memory_space<vmem>>, vector<16xi32>,
      %broadcast_in_dim3A_434 = arith.constant 1.000000e+00 : f32
      %broadcast_in_dim3A_435 = vector.broadcast %broadcast_in_dim3A_434 : f32 to vector<16xf32>
      tpu.vector_store_idx %arg19[%get3A_433], %broadcast_in_dim3A_435 {add = true} : memref<10240xf32, #tpu.memory_space<vmem>>[vector<16xi32>], vector<16xf32>,
      %get3A_436 = arith.constant 112 : index
      %get3A_437 = tpu.vector_load %arg12[%get3A_436] {strides = array<i32>} : memref<128xi32, #tpu.memory_space<vmem>>, vector<16xi32>,
      %broadcast_in_dim3A_438 = arith.constant 1.000000e+00 : f32
      %broadcast_in_dim3A_439 = vector.broadcast %broadcast_in_dim3A_438 : f32 to vector<16xf32>
      tpu.vector_store_idx %arg19[%get3A_437], %broadcast_in_dim3A_439 {add = true} : memref<10240xf32, #tpu.memory_space<vmem>>[vector<16xi32>], vector<16xf32>,
      %dma_wait3A_440 = arith.constant 0 : i32
      %dma_wait3A_441 = arith.constant 0 : i32
      %dma_wait3A_442 = tpu.memref_slice %arg15[%dma_wait3A_440, %dma_wait3A_441] : memref<10240x128xf32, #tpu.memory_space<vmem_shared>> -> memref<10240x128xf32, #tpu.memory_space<vmem_shared>>
      tpu.wait_indirect_dma semaphore(%arg18 : memref<!tpu.dma_semaphore, #tpu.memory_space<semaphore_mem>>) src(%arg14 : memref<128x128xf32, #tpu.memory_space<vmem>>) dst(%dma_wait3A_442 : memref<10240x128xf32, #tpu.memory_space<vmem_shared>>)
      %add3A_443 = arith.constant 2 : i32
      %add3A_444 = arith.addi %add3A_386, %add3A_443 : i32
      %sub3A_445 = arith.constant 1 : i32
      %sub3A_446 = arith.subi %sub3A_6, %sub3A_445 : i32
      %min3A_447 = arith.minsi %add3A_444, %sub3A_446 : i32
      %mul3A_448 = arith.constant 128 : i32
      %mul3A_449 = arith.muli %min3A_447, %mul3A_448 : i32
      %add3A_450 = arith.addi %mul3A_14, %mul3A_449 : i32
      %dma_start3A_451 = tpu.memref_slice %arg3[%add3A_450] : memref<320000xi32, #tpu.memory_space<hbm>> -> memref<128xi32, #tpu.memory_space<hbm>>
      %dma_start3A_452 = tpu.memref_slice %arg3[%add3A_450] : memref<320000xi32, #tpu.memory_space<hbm>> -> memref<128xi32, #tpu.memory_space<hbm>>
      tpu.enqueue_dma source(%dma_start3A_452 : memref<128xi32, #tpu.memory_space<hbm>>) target(%arg10 : memref<128xi32, #tpu.memory_space<vmem>>) target_semaphore(%arg16 : memref<!tpu.dma_semaphore, #tpu.memory_space<semaphore_mem>>)
      %dma_start3A_453 = tpu.memref_slice %arg4[%add3A_450] : memref<320000xi32, #tpu.memory_space<hbm>> -> memref<128xi32, #tpu.memory_space<hbm>>
      %dma_start3A_454 = tpu.memref_slice %arg4[%add3A_450] : memref<320000xi32, #tpu.memory_space<hbm>> -> memref<128xi32, #tpu.memory_space<hbm>>
      tpu.enqueue_dma source(%dma_start3A_454 : memref<128xi32, #tpu.memory_space<hbm>>) target(%arg12 : memref<128xi32, #tpu.memory_space<vmem>>) target_semaphore(%arg16 : memref<!tpu.dma_semaphore, #tpu.memory_space<semaphore_mem>>)
    }
    %while3A_136 = arith.constant 1 : i32
    scf.for %while3A_314 = %while3A_134 to %while3A_130 step %while3A_136  : i32 {
      %mul3A_315 = arith.constant 2 : i32
      %mul3A_316 = arith.muli %while3A_314, %mul3A_315 : i32
      %dma_wait3A_317 = arith.constant 0 : i32
      %dma_wait3A_318 = arith.constant 0 : i32
      %dma_wait3A_319 = tpu.memref_slice %arg2[%dma_wait3A_317, %dma_wait3A_318] : memref<10240x128xf32, #tpu.memory_space<hbm>> -> memref<10240x128xf32, #tpu.memory_space<hbm>>
      tpu.wait_indirect_dma semaphore(%arg17 : memref<!tpu.dma_semaphore, #tpu.memory_space<semaphore_mem>>) src(%dma_wait3A_319 : memref<10240x128xf32, #tpu.memory_space<hbm>>) dst(%arg13 : memref<128x128xf32, #tpu.memory_space<vmem>>)
      %add3A_320 = arith.constant 1 : i32
      %add3A_321 = arith.addi %mul3A_316, %add3A_320 : i32
      %sub3A_322 = arith.constant 1 : i32
      %sub3A_323 = arith.subi %sub3A_6, %sub3A_322 : i32
      %min3A_324 = arith.minsi %add3A_321, %sub3A_323 : i32
      %mul3A_325 = arith.constant 128 : i32
      %mul3A_326 = arith.muli %min3A_324, %mul3A_325 : i32
      %add3A_327 = arith.addi %mul3A_14, %mul3A_326 : i32
      %dma_wait3A_328 = tpu.memref_slice %arg3[%add3A_327] : memref<320000xi32, #tpu.memory_space<hbm>> -> memref<128xi32, #tpu.memory_space<hbm>>
      %dma_wait3A_329 = tpu.memref_slice %arg3[%add3A_327] : memref<320000xi32, #tpu.memory_space<hbm>> -> memref<128xi32, #tpu.memory_space<hbm>>
      tpu.wait_dma2 semaphore(%arg16 : memref<!tpu.dma_semaphore, #tpu.memory_space<semaphore_mem>>) src(%dma_wait3A_329 : memref<128xi32, #tpu.memory_space<hbm>>) dst(%arg10 : memref<128xi32, #tpu.memory_space<vmem>>)
      %dma_wait3A_330 = tpu.memref_slice %arg4[%add3A_327] : memref<320000xi32, #tpu.memory_space<hbm>> -> memref<128xi32, #tpu.memory_space<hbm>>
      %dma_wait3A_331 = tpu.memref_slice %arg4[%add3A_327] : memref<320000xi32, #tpu.memory_space<hbm>> -> memref<128xi32, #tpu.memory_space<hbm>>
      tpu.wait_dma2 semaphore(%arg16 : memref<!tpu.dma_semaphore, #tpu.memory_space<semaphore_mem>>) src(%dma_wait3A_331 : memref<128xi32, #tpu.memory_space<hbm>>) dst(%arg12 : memref<128xi32, #tpu.memory_space<vmem>>)
      %dma_start3A_332 = arith.constant 0 : i32
      %dma_start3A_333 = arith.constant 0 : i32
      %dma_start3A_334 = tpu.memref_slice %arg2[%dma_start3A_332, %dma_start3A_333] : memref<10240x128xf32, #tpu.memory_space<hbm>> -> memref<10240x128xf32, #tpu.memory_space<hbm>>
      tpu.enqueue_indirect_dma source(%dma_start3A_334 : memref<10240x128xf32, #tpu.memory_space<hbm>>) target(%arg14 : memref<128x128xf32, #tpu.memory_space<vmem>>) offsets(%arg10 : memref<128xi32, #tpu.memory_space<vmem>>) semaphore(%arg17 : memref<!tpu.dma_semaphore, #tpu.memory_space<semaphore_mem>>)
      %dma_start3A_335 = arith.constant 0 : i32
      %dma_start3A_336 = arith.constant 0 : i32
      %dma_start3A_337 = tpu.memref_slice %arg15[%dma_start3A_335, %dma_start3A_336] : memref<10240x128xf32, #tpu.memory_space<vmem_shared>> -> memref<10240x128xf32, #tpu.memory_space<vmem_shared>>
      tpu.enqueue_indirect_dma source(%arg13 : memref<128x128xf32, #tpu.memory_space<vmem>>) target(%dma_start3A_337 : memref<10240x128xf32, #tpu.memory_space<vmem_shared>>) offsets(%arg11 : memref<128xi32, #tpu.memory_space<vmem>>) semaphore(%arg18 : memref<!tpu.dma_semaphore, #tpu.memory_space<semaphore_mem>>) {add = true}
      %get3A_338 = arith.constant 0 : index
      %get3A_339 = tpu.vector_load %arg11[%get3A_338] {strides = array<i32>} : memref<128xi32, #tpu.memory_space<vmem>>, vector<16xi32>,
      %broadcast_in_dim3A_340 = arith.constant 1.000000e+00 : f32
      %broadcast_in_dim3A_341 = vector.broadcast %broadcast_in_dim3A_340 : f32 to vector<16xf32>
      tpu.vector_store_idx %arg19[%get3A_339], %broadcast_in_dim3A_341 {add = true} : memref<10240xf32, #tpu.memory_space<vmem>>[vector<16xi32>], vector<16xf32>,
      %get3A_342 = arith.constant 16 : index
      %get3A_343 = tpu.vector_load %arg11[%get3A_342] {strides = array<i32>} : memref<128xi32, #tpu.memory_space<vmem>>, vector<16xi32>,
      %broadcast_in_dim3A_344 = arith.constant 1.000000e+00 : f32
      %broadcast_in_dim3A_345 = vector.broadcast %broadcast_in_dim3A_344 : f32 to vector<16xf32>
      tpu.vector_store_idx %arg19[%get3A_343], %broadcast_in_dim3A_345 {add = true} : memref<10240xf32, #tpu.memory_space<vmem>>[vector<16xi32>], vector<16xf32>,
      %get3A_346 = arith.constant 32 : index
      %get3A_347 = tpu.vector_load %arg11[%get3A_346] {strides = array<i32>} : memref<128xi32, #tpu.memory_space<vmem>>, vector<16xi32>,
      %broadcast_in_dim3A_348 = arith.constant 1.000000e+00 : f32
      %broadcast_in_dim3A_349 = vector.broadcast %broadcast_in_dim3A_348 : f32 to vector<16xf32>
      tpu.vector_store_idx %arg19[%get3A_347], %broadcast_in_dim3A_349 {add = true} : memref<10240xf32, #tpu.memory_space<vmem>>[vector<16xi32>], vector<16xf32>,
      %get3A_350 = arith.constant 48 : index
      %get3A_351 = tpu.vector_load %arg11[%get3A_350] {strides = array<i32>} : memref<128xi32, #tpu.memory_space<vmem>>, vector<16xi32>,
      %broadcast_in_dim3A_352 = arith.constant 1.000000e+00 : f32
      %broadcast_in_dim3A_353 = vector.broadcast %broadcast_in_dim3A_352 : f32 to vector<16xf32>
      tpu.vector_store_idx %arg19[%get3A_351], %broadcast_in_dim3A_353 {add = true} : memref<10240xf32, #tpu.memory_space<vmem>>[vector<16xi32>], vector<16xf32>,
      %get3A_354 = arith.constant 64 : index
      %get3A_355 = tpu.vector_load %arg11[%get3A_354] {strides = array<i32>} : memref<128xi32, #tpu.memory_space<vmem>>, vector<16xi32>,
      %broadcast_in_dim3A_356 = arith.constant 1.000000e+00 : f32
      %broadcast_in_dim3A_357 = vector.broadcast %broadcast_in_dim3A_356 : f32 to vector<16xf32>
      tpu.vector_store_idx %arg19[%get3A_355], %broadcast_in_dim3A_357 {add = true} : memref<10240xf32, #tpu.memory_space<vmem>>[vector<16xi32>], vector<16xf32>,
      %get3A_358 = arith.constant 80 : index
      %get3A_359 = tpu.vector_load %arg11[%get3A_358] {strides = array<i32>} : memref<128xi32, #tpu.memory_space<vmem>>, vector<16xi32>,
      %broadcast_in_dim3A_360 = arith.constant 1.000000e+00 : f32
      %broadcast_in_dim3A_361 = vector.broadcast %broadcast_in_dim3A_360 : f32 to vector<16xf32>
      tpu.vector_store_idx %arg19[%get3A_359], %broadcast_in_dim3A_361 {add = true} : memref<10240xf32, #tpu.memory_space<vmem>>[vector<16xi32>], vector<16xf32>,
      %get3A_362 = arith.constant 96 : index
      %get3A_363 = tpu.vector_load %arg11[%get3A_362] {strides = array<i32>} : memref<128xi32, #tpu.memory_space<vmem>>, vector<16xi32>,
      %broadcast_in_dim3A_364 = arith.constant 1.000000e+00 : f32
      %broadcast_in_dim3A_365 = vector.broadcast %broadcast_in_dim3A_364 : f32 to vector<16xf32>
      tpu.vector_store_idx %arg19[%get3A_363], %broadcast_in_dim3A_365 {add = true} : memref<10240xf32, #tpu.memory_space<vmem>>[vector<16xi32>], vector<16xf32>,
      %get3A_366 = arith.constant 112 : index
      %get3A_367 = tpu.vector_load %arg11[%get3A_366] {strides = array<i32>} : memref<128xi32, #tpu.memory_space<vmem>>, vector<16xi32>,
      %broadcast_in_dim3A_368 = arith.constant 1.000000e+00 : f32
      %broadcast_in_dim3A_369 = vector.broadcast %broadcast_in_dim3A_368 : f32 to vector<16xf32>
      tpu.vector_store_idx %arg19[%get3A_367], %broadcast_in_dim3A_369 {add = true} : memref<10240xf32, #tpu.memory_space<vmem>>[vector<16xi32>], vector<16xf32>,
      %dma_wait3A_370 = arith.constant 0 : i32
      %dma_wait3A_371 = arith.constant 0 : i32
      %dma_wait3A_372 = tpu.memref_slice %arg15[%dma_wait3A_370, %dma_wait3A_371] : memref<10240x128xf32, #tpu.memory_space<vmem_shared>> -> memref<10240x128xf32, #tpu.memory_space<vmem_shared>>
      tpu.wait_indirect_dma semaphore(%arg18 : memref<!tpu.dma_semaphore, #tpu.memory_space<semaphore_mem>>) src(%arg13 : memref<128x128xf32, #tpu.memory_space<vmem>>) dst(%dma_wait3A_372 : memref<10240x128xf32, #tpu.memory_space<vmem_shared>>)
      %add3A_373 = arith.constant 2 : i32
      %add3A_374 = arith.addi %mul3A_316, %add3A_373 : i32
      %sub3A_375 = arith.constant 1 : i32
      %sub3A_376 = arith.subi %sub3A_6, %sub3A_375 : i32
      %min3A_377 = arith.minsi %add3A_374, %sub3A_376 : i32
      %mul3A_378 = arith.constant 128 : i32
      %mul3A_379 = arith.muli %min3A_377, %mul3A_378 : i32
      %add3A_380 = arith.addi %mul3A_14, %mul3A_379 : i32
      %dma_start3A_381 = tpu.memref_slice %arg3[%add3A_380] : memref<320000xi32, #tpu.memory_space<hbm>> -> memref<128xi32, #tpu.memory_space<hbm>>
      %dma_start3A_382 = tpu.memref_slice %arg3[%add3A_380] : memref<320000xi32, #tpu.memory_space<hbm>> -> memref<128xi32, #tpu.memory_space<hbm>>
      tpu.enqueue_dma source(%dma_start3A_382 : memref<128xi32, #tpu.memory_space<hbm>>) target(%arg9 : memref<128xi32, #tpu.memory_space<vmem>>) target_semaphore(%arg16 : memref<!tpu.dma_semaphore, #tpu.memory_space<semaphore_mem>>)
      %dma_start3A_383 = tpu.memref_slice %arg4[%add3A_380] : memref<320000xi32, #tpu.memory_space<hbm>> -> memref<128xi32, #tpu.memory_space<hbm>>
      %dma_start3A_384 = tpu.memref_slice %arg4[%add3A_380] : memref<320000xi32, #tpu.memory_space<hbm>> -> memref<128xi32, #tpu.memory_space<hbm>>
      tpu.enqueue_dma source(%dma_start3A_384 : memref<128xi32, #tpu.memory_space<hbm>>) target(%arg11 : memref<128xi32, #tpu.memory_space<vmem>>) target_semaphore(%arg16 : memref<!tpu.dma_semaphore, #tpu.memory_space<semaphore_mem>>)
      %add3A_385 = arith.constant 1 : i32
      %add3A_386 = arith.addi %mul3A_316, %add3A_385 : i32
      %dma_wait3A_387 = arith.constant 0 : i32
      %dma_wait3A_388 = arith.constant 0 : i32
      %dma_wait3A_389 = tpu.memref_slice %arg2[%dma_wait3A_387, %dma_wait3A_388] : memref<10240x128xf32, #tpu.memory_space<hbm>> -> memref<10240x128xf32, #tpu.memory_space<hbm>>
      tpu.wait_indirect_dma semaphore(%arg17 : memref<!tpu.dma_semaphore, #tpu.memory_space<semaphore_mem>>) src(%dma_wait3A_389 : memref<10240x128xf32, #tpu.memory_space<hbm>>) dst(%arg14 : memref<128x128xf32, #tpu.memory_space<vmem>>)
      %add3A_390 = arith.constant 1 : i32
      %add3A_391 = arith.addi %add3A_386, %add3A_390 : i32
      %sub3A_392 = arith.constant 1 : i32
      %sub3A_393 = arith.subi %sub3A_6, %sub3A_392 : i32
      %min3A_394 = arith.minsi %add3A_391, %sub3A_393 : i32
      %mul3A_395 = arith.constant 128 : i32
      %mul3A_396 = arith.muli %min3A_394, %mul3A_395 : i32
      %add3A_397 = arith.addi %mul3A_14, %mul3A_396 : i32
      %dma_wait3A_398 = tpu.memref_slice %arg3[%add3A_397] : memref<320000xi32, #tpu.memory_space<hbm>> -> memref<128xi32, #tpu.memory_space<hbm>>
      %dma_wait3A_399 = tpu.memref_slice %arg3[%add3A_397] : memref<320000xi32, #tpu.memory_space<hbm>> -> memref<128xi32, #tpu.memory_space<hbm>>
      tpu.wait_dma2 semaphore(%arg16 : memref<!tpu.dma_semaphore, #tpu.memory_space<semaphore_mem>>) src(%dma_wait3A_399 : memref<128xi32, #tpu.memory_space<hbm>>) dst(%arg9 : memref<128xi32, #tpu.memory_space<vmem>>)
      %dma_wait3A_400 = tpu.memref_slice %arg4[%add3A_397] : memref<320000xi32, #tpu.memory_space<hbm>> -> memref<128xi32, #tpu.memory_space<hbm>>
      %dma_wait3A_401 = tpu.memref_slice %arg4[%add3A_397] : memref<320000xi32, #tpu.memory_space<hbm>> -> memref<128xi32, #tpu.memory_space<hbm>>
      tpu.wait_dma2 semaphore(%arg16 : memref<!tpu.dma_semaphore, #tpu.memory_space<semaphore_mem>>) src(%dma_wait3A_401 : memref<128xi32, #tpu.memory_space<hbm>>) dst(%arg11 : memref<128xi32, #tpu.memory_space<vmem>>)
      %dma_start3A_402 = arith.constant 0 : i32
      %dma_start3A_403 = arith.constant 0 : i32
      %dma_start3A_404 = tpu.memref_slice %arg2[%dma_start3A_402, %dma_start3A_403] : memref<10240x128xf32, #tpu.memory_space<hbm>> -> memref<10240x128xf32, #tpu.memory_space<hbm>>
      tpu.enqueue_indirect_dma source(%dma_start3A_404 : memref<10240x128xf32, #tpu.memory_space<hbm>>) target(%arg13 : memref<128x128xf32, #tpu.memory_space<vmem>>) offsets(%arg9 : memref<128xi32, #tpu.memory_space<vmem>>) semaphore(%arg17 : memref<!tpu.dma_semaphore, #tpu.memory_space<semaphore_mem>>)
      %dma_start3A_405 = arith.constant 0 : i32
      %dma_start3A_406 = arith.constant 0 : i32
      %dma_start3A_407 = tpu.memref_slice %arg15[%dma_start3A_405, %dma_start3A_406] : memref<10240x128xf32, #tpu.memory_space<vmem_shared>> -> memref<10240x128xf32, #tpu.memory_space<vmem_shared>>
      tpu.enqueue_indirect_dma source(%arg14 : memref<128x128xf32, #tpu.memory_space<vmem>>) target(%dma_start3A_407 : memref<10240x128xf32, #tpu.memory_space<vmem_shared>>) offsets(%arg12 : memref<128xi32, #tpu.memory_space<vmem>>) semaphore(%arg18 : memref<!tpu.dma_semaphore, #tpu.memory_space<semaphore_mem>>) {add = true}
      %get3A_408 = arith.constant 0 : index
      %get3A_409 = tpu.vector_load %arg12[%get3A_408] {strides = array<i32>} : memref<128xi32, #tpu.memory_space<vmem>>, vector<16xi32>,
      %broadcast_in_dim3A_410 = arith.constant 1.000000e+00 : f32
      %broadcast_in_dim3A_411 = vector.broadcast %broadcast_in_dim3A_410 : f32 to vector<16xf32>
      tpu.vector_store_idx %arg19[%get3A_409], %broadcast_in_dim3A_411 {add = true} : memref<10240xf32, #tpu.memory_space<vmem>>[vector<16xi32>], vector<16xf32>,
      %get3A_412 = arith.constant 16 : index
      %get3A_413 = tpu.vector_load %arg12[%get3A_412] {strides = array<i32>} : memref<128xi32, #tpu.memory_space<vmem>>, vector<16xi32>,
      %broadcast_in_dim3A_414 = arith.constant 1.000000e+00 : f32
      %broadcast_in_dim3A_415 = vector.broadcast %broadcast_in_dim3A_414 : f32 to vector<16xf32>
      tpu.vector_store_idx %arg19[%get3A_413], %broadcast_in_dim3A_415 {add = true} : memref<10240xf32, #tpu.memory_space<vmem>>[vector<16xi32>], vector<16xf32>,
      %get3A_416 = arith.constant 32 : index
      %get3A_417 = tpu.vector_load %arg12[%get3A_416] {strides = array<i32>} : memref<128xi32, #tpu.memory_space<vmem>>, vector<16xi32>,
      %broadcast_in_dim3A_418 = arith.constant 1.000000e+00 : f32
      %broadcast_in_dim3A_419 = vector.broadcast %broadcast_in_dim3A_418 : f32 to vector<16xf32>
      tpu.vector_store_idx %arg19[%get3A_417], %broadcast_in_dim3A_419 {add = true} : memref<10240xf32, #tpu.memory_space<vmem>>[vector<16xi32>], vector<16xf32>,
      %get3A_420 = arith.constant 48 : index
      %get3A_421 = tpu.vector_load %arg12[%get3A_420] {strides = array<i32>} : memref<128xi32, #tpu.memory_space<vmem>>, vector<16xi32>,
      %broadcast_in_dim3A_422 = arith.constant 1.000000e+00 : f32
      %broadcast_in_dim3A_423 = vector.broadcast %broadcast_in_dim3A_422 : f32 to vector<16xf32>
      tpu.vector_store_idx %arg19[%get3A_421], %broadcast_in_dim3A_423 {add = true} : memref<10240xf32, #tpu.memory_space<vmem>>[vector<16xi32>], vector<16xf32>,
      %get3A_424 = arith.constant 64 : index
      %get3A_425 = tpu.vector_load %arg12[%get3A_424] {strides = array<i32>} : memref<128xi32, #tpu.memory_space<vmem>>, vector<16xi32>,
      %broadcast_in_dim3A_426 = arith.constant 1.000000e+00 : f32
      %broadcast_in_dim3A_427 = vector.broadcast %broadcast_in_dim3A_426 : f32 to vector<16xf32>
      tpu.vector_store_idx %arg19[%get3A_425], %broadcast_in_dim3A_427 {add = true} : memref<10240xf32, #tpu.memory_space<vmem>>[vector<16xi32>], vector<16xf32>,
      %get3A_428 = arith.constant 80 : index
      %get3A_429 = tpu.vector_load %arg12[%get3A_428] {strides = array<i32>} : memref<128xi32, #tpu.memory_space<vmem>>, vector<16xi32>,
      %broadcast_in_dim3A_430 = arith.constant 1.000000e+00 : f32
      %broadcast_in_dim3A_431 = vector.broadcast %broadcast_in_dim3A_430 : f32 to vector<16xf32>
      tpu.vector_store_idx %arg19[%get3A_429], %broadcast_in_dim3A_431 {add = true} : memref<10240xf32, #tpu.memory_space<vmem>>[vector<16xi32>], vector<16xf32>,
      %get3A_432 = arith.constant 96 : index
      %get3A_433 = tpu.vector_load %arg12[%get3A_432] {strides = array<i32>} : memref<128xi32, #tpu.memory_space<vmem>>, vector<16xi32>,
      %broadcast_in_dim3A_434 = arith.constant 1.000000e+00 : f32
      %broadcast_in_dim3A_435 = vector.broadcast %broadcast_in_dim3A_434 : f32 to vector<16xf32>
      tpu.vector_store_idx %arg19[%get3A_433], %broadcast_in_dim3A_435 {add = true} : memref<10240xf32, #tpu.memory_space<vmem>>[vector<16xi32>], vector<16xf32>,
      %get3A_436 = arith.constant 112 : index
      %get3A_437 = tpu.vector_load %arg12[%get3A_436] {strides = array<i32>} : memref<128xi32, #tpu.memory_space<vmem>>, vector<16xi32>,
      %broadcast_in_dim3A_438 = arith.constant 1.000000e+00 : f32
      %broadcast_in_dim3A_439 = vector.broadcast %broadcast_in_dim3A_438 : f32 to vector<16xf32>
      tpu.vector_store_idx %arg19[%get3A_437], %broadcast_in_dim3A_439 {add = true} : memref<10240xf32, #tpu.memory_space<vmem>>[vector<16xi32>], vector<16xf32>,
      %dma_wait3A_440 = arith.constant 0 : i32
      %dma_wait3A_441 = arith.constant 0 : i32
      %dma_wait3A_442 = tpu.memref_slice %arg15[%dma_wait3A_440, %dma_wait3A_441] : memref<10240x128xf32, #tpu.memory_space<vmem_shared>> -> memref<10240x128xf32, #tpu.memory_space<vmem_shared>>
      tpu.wait_indirect_dma semaphore(%arg18 : memref<!tpu.dma_semaphore, #tpu.memory_space<semaphore_mem>>) src(%arg14 : memref<128x128xf32, #tpu.memory_space<vmem>>) dst(%dma_wait3A_442 : memref<10240x128xf32, #tpu.memory_space<vmem_shared>>)
      %add3A_443 = arith.constant 2 : i32
      %add3A_444 = arith.addi %add3A_386, %add3A_443 : i32
      %sub3A_445 = arith.constant 1 : i32
      %sub3A_446 = arith.subi %sub3A_6, %sub3A_445 : i32
      %min3A_447 = arith.minsi %add3A_444, %sub3A_446 : i32
      %mul3A_448 = arith.constant 128 : i32
      %mul3A_449 = arith.muli %min3A_447, %mul3A_448 : i32
      %add3A_450 = arith.addi %mul3A_14, %mul3A_449 : i32
      %dma_start3A_451 = tpu.memref_slice %arg3[%add3A_450] : memref<320000xi32, #tpu.memory_space<hbm>> -> memref<128xi32, #tpu.memory_space<hbm>>
      %dma_start3A_452 = tpu.memref_slice %arg3[%add3A_450] : memref<320000xi32, #tpu.memory_space<hbm>> -> memref<128xi32, #tpu.memory_space<hbm>>
      tpu.enqueue_dma source(%dma_start3A_452 : memref<128xi32, #tpu.memory_space<hbm>>) target(%arg10 : memref<128xi32, #tpu.memory_space<vmem>>) target_semaphore(%arg16 : memref<!tpu.dma_semaphore, #tpu.memory_space<semaphore_mem>>)
      %dma_start3A_453 = tpu.memref_slice %arg4[%add3A_450] : memref<320000xi32, #tpu.memory_space<hbm>> -> memref<128xi32, #tpu.memory_space<hbm>>
      %dma_start3A_454 = tpu.memref_slice %arg4[%add3A_450] : memref<320000xi32, #tpu.memory_space<hbm>> -> memref<128xi32, #tpu.memory_space<hbm>>
      tpu.enqueue_dma source(%dma_start3A_454 : memref<128xi32, #tpu.memory_space<hbm>>) target(%arg12 : memref<128xi32, #tpu.memory_space<vmem>>) target_semaphore(%arg16 : memref<!tpu.dma_semaphore, #tpu.memory_space<semaphore_mem>>)
    }
    %sub3A_137 = arith.constant 1 : i32
    %sub3A_138 = arith.subi %sub3A_6, %sub3A_137 : i32
    %dma_wait3A_139 = arith.constant 0 : i32
    %dma_wait3A_140 = arith.constant 0 : i32
    %dma_wait3A_141 = tpu.memref_slice %arg2[%dma_wait3A_139, %dma_wait3A_140] : memref<10240x128xf32, #tpu.memory_space<hbm>> -> memref<10240x128xf32, #tpu.memory_space<hbm>>
    tpu.wait_indirect_dma semaphore(%arg17 : memref<!tpu.dma_semaphore, #tpu.memory_space<semaphore_mem>>) src(%dma_wait3A_141 : memref<10240x128xf32, #tpu.memory_space<hbm>>) dst(%arg13 : memref<128x128xf32, #tpu.memory_space<vmem>>)
    %add3A_142 = arith.constant 1 : i32
    %add3A_143 = arith.addi %sub3A_138, %add3A_142 : i32
    %sub3A_144 = arith.constant 1 : i32
    %sub3A_145 = arith.subi %sub3A_6, %sub3A_144 : i32
    %min3A_146 = arith.minsi %add3A_143, %sub3A_145 : i32
    %mul3A_147 = arith.constant 128 : i32
    %mul3A_148 = arith.muli %min3A_146, %mul3A_147 : i32
    %add3A_149 = arith.addi %mul3A_14, %mul3A_148 : i32
    %dma_wait3A_150 = tpu.memref_slice %arg3[%add3A_149] : memref<320000xi32, #tpu.memory_space<hbm>> -> memref<128xi32, #tpu.memory_space<hbm>>
    %dma_wait3A_151 = tpu.memref_slice %arg3[%add3A_149] : memref<320000xi32, #tpu.memory_space<hbm>> -> memref<128xi32, #tpu.memory_space<hbm>>
    tpu.wait_dma2 semaphore(%arg16 : memref<!tpu.dma_semaphore, #tpu.memory_space<semaphore_mem>>) src(%dma_wait3A_151 : memref<128xi32, #tpu.memory_space<hbm>>) dst(%arg10 : memref<128xi32, #tpu.memory_space<vmem>>)
    %dma_wait3A_152 = tpu.memref_slice %arg4[%add3A_149] : memref<320000xi32, #tpu.memory_space<hbm>> -> memref<128xi32, #tpu.memory_space<hbm>>
    %dma_wait3A_153 = tpu.memref_slice %arg4[%add3A_149] : memref<320000xi32, #tpu.memory_space<hbm>> -> memref<128xi32, #tpu.memory_space<hbm>>
    tpu.wait_dma2 semaphore(%arg16 : memref<!tpu.dma_semaphore, #tpu.memory_space<semaphore_mem>>) src(%dma_wait3A_153 : memref<128xi32, #tpu.memory_space<hbm>>) dst(%arg12 : memref<128xi32, #tpu.memory_space<vmem>>)
    %dma_start3A_154 = arith.constant 0 : i32
    %dma_start3A_155 = arith.constant 0 : i32
    %dma_start3A_156 = tpu.memref_slice %arg15[%dma_start3A_154, %dma_start3A_155] : memref<10240x128xf32, #tpu.memory_space<vmem_shared>> -> memref<10240x128xf32, #tpu.memory_space<vmem_shared>>
    tpu.enqueue_indirect_dma source(%arg13 : memref<128x128xf32, #tpu.memory_space<vmem>>) target(%dma_start3A_156 : memref<10240x128xf32, #tpu.memory_space<vmem_shared>>) offsets(%arg11 : memref<128xi32, #tpu.memory_space<vmem>>) semaphore(%arg18 : memref<!tpu.dma_semaphore, #tpu.memory_space<semaphore_mem>>) {add = true}
    %get3A = arith.constant 0 : index
    %get3A_157 = tpu.vector_load %arg11[%get3A] {strides = array<i32>} : memref<128xi32, #tpu.memory_space<vmem>>, vector<16xi32>,
    %broadcast_in_dim3A = arith.constant 1.000000e+00 : f32
    %broadcast_in_dim3A_158 = vector.broadcast %broadcast_in_dim3A : f32 to vector<16xf32>
    tpu.vector_store_idx %arg19[%get3A_157], %broadcast_in_dim3A_158 {add = true} : memref<10240xf32, #tpu.memory_space<vmem>>[vector<16xi32>], vector<16xf32>,
    %get3A_159 = arith.constant 16 : index
    %get3A_160 = tpu.vector_load %arg11[%get3A_159] {strides = array<i32>} : memref<128xi32, #tpu.memory_space<vmem>>, vector<16xi32>,
    %broadcast_in_dim3A_161 = arith.constant 1.000000e+00 : f32
    %broadcast_in_dim3A_162 = vector.broadcast %broadcast_in_dim3A_161 : f32 to vector<16xf32>
    tpu.vector_store_idx %arg19[%get3A_160], %broadcast_in_dim3A_162 {add = true} : memref<10240xf32, #tpu.memory_space<vmem>>[vector<16xi32>], vector<16xf32>,
    %get3A_163 = arith.constant 32 : index
    %get3A_164 = tpu.vector_load %arg11[%get3A_163] {strides = array<i32>} : memref<128xi32, #tpu.memory_space<vmem>>, vector<16xi32>,
    %broadcast_in_dim3A_165 = arith.constant 1.000000e+00 : f32
    %broadcast_in_dim3A_166 = vector.broadcast %broadcast_in_dim3A_165 : f32 to vector<16xf32>
    tpu.vector_store_idx %arg19[%get3A_164], %broadcast_in_dim3A_166 {add = true} : memref<10240xf32, #tpu.memory_space<vmem>>[vector<16xi32>], vector<16xf32>,
    %get3A_167 = arith.constant 48 : index
    %get3A_168 = tpu.vector_load %arg11[%get3A_167] {strides = array<i32>} : memref<128xi32, #tpu.memory_space<vmem>>, vector<16xi32>,
    %broadcast_in_dim3A_169 = arith.constant 1.000000e+00 : f32
    %broadcast_in_dim3A_170 = vector.broadcast %broadcast_in_dim3A_169 : f32 to vector<16xf32>
    tpu.vector_store_idx %arg19[%get3A_168], %broadcast_in_dim3A_170 {add = true} : memref<10240xf32, #tpu.memory_space<vmem>>[vector<16xi32>], vector<16xf32>,
    %get3A_171 = arith.constant 64 : index
    %get3A_172 = tpu.vector_load %arg11[%get3A_171] {strides = array<i32>} : memref<128xi32, #tpu.memory_space<vmem>>, vector<16xi32>,
    %broadcast_in_dim3A_173 = arith.constant 1.000000e+00 : f32
    %broadcast_in_dim3A_174 = vector.broadcast %broadcast_in_dim3A_173 : f32 to vector<16xf32>
    tpu.vector_store_idx %arg19[%get3A_172], %broadcast_in_dim3A_174 {add = true} : memref<10240xf32, #tpu.memory_space<vmem>>[vector<16xi32>], vector<16xf32>,
    %get3A_175 = arith.constant 80 : index
    %get3A_176 = tpu.vector_load %arg11[%get3A_175] {strides = array<i32>} : memref<128xi32, #tpu.memory_space<vmem>>, vector<16xi32>,
    %broadcast_in_dim3A_177 = arith.constant 1.000000e+00 : f32
    %broadcast_in_dim3A_178 = vector.broadcast %broadcast_in_dim3A_177 : f32 to vector<16xf32>
    tpu.vector_store_idx %arg19[%get3A_176], %broadcast_in_dim3A_178 {add = true} : memref<10240xf32, #tpu.memory_space<vmem>>[vector<16xi32>], vector<16xf32>,
    %get3A_179 = arith.constant 96 : index
    %get3A_180 = tpu.vector_load %arg11[%get3A_179] {strides = array<i32>} : memref<128xi32, #tpu.memory_space<vmem>>, vector<16xi32>,
    %broadcast_in_dim3A_181 = arith.constant 1.000000e+00 : f32
    %broadcast_in_dim3A_182 = vector.broadcast %broadcast_in_dim3A_181 : f32 to vector<16xf32>
    tpu.vector_store_idx %arg19[%get3A_180], %broadcast_in_dim3A_182 {add = true} : memref<10240xf32, #tpu.memory_space<vmem>>[vector<16xi32>], vector<16xf32>,
    %get3A_183 = arith.constant 112 : index
    %get3A_184 = tpu.vector_load %arg11[%get3A_183] {strides = array<i32>} : memref<128xi32, #tpu.memory_space<vmem>>, vector<16xi32>,
    %broadcast_in_dim3A_185 = arith.constant 1.000000e+00 : f32
    %broadcast_in_dim3A_186 = vector.broadcast %broadcast_in_dim3A_185 : f32 to vector<16xf32>
    tpu.vector_store_idx %arg19[%get3A_184], %broadcast_in_dim3A_186 {add = true} : memref<10240xf32, #tpu.memory_space<vmem>>[vector<16xi32>], vector<16xf32>,
    %dma_wait3A_187 = arith.constant 0 : i32
    %dma_wait3A_188 = arith.constant 0 : i32
    %dma_wait3A_189 = tpu.memref_slice %arg15[%dma_wait3A_187, %dma_wait3A_188] : memref<10240x128xf32, #tpu.memory_space<vmem_shared>> -> memref<10240x128xf32, #tpu.memory_space<vmem_shared>>
    tpu.wait_indirect_dma semaphore(%arg18 : memref<!tpu.dma_semaphore, #tpu.memory_space<semaphore_mem>>) src(%arg13 : memref<128x128xf32, #tpu.memory_space<vmem>>) dst(%dma_wait3A_189 : memref<10240x128xf32, #tpu.memory_space<vmem_shared>>)
    "tpu.region"() ({
      %run_scoped3A = tpu.sem_alloc : memref<!tpu.dma_semaphore, #tpu.memory_space<semaphore_mem>>
      %dma_start3A_314 = arith.constant 0 : i32
      %dma_start3A_315 = tpu.memref_slice %arg8[%add3A, %dma_start3A_314] : memref<32x10240xf32, #tpu.memory_space<hbm>> -> memref<1x10240xf32, #tpu.memory_space<hbm>>
      %dma_start3A_316 = tpu.memref_squeeze %dma_start3A_315 : memref<1x10240xf32, #tpu.memory_space<hbm>> -> memref<10240xf32, #tpu.memory_space<hbm>>
      %dma_start3A_317 = arith.constant 0 : i32
      %dma_start3A_318 = tpu.memref_slice %arg8[%add3A, %dma_start3A_317] : memref<32x10240xf32, #tpu.memory_space<hbm>> -> memref<1x10240xf32, #tpu.memory_space<hbm>>
      %dma_start3A_319 = tpu.memref_squeeze %dma_start3A_318 : memref<1x10240xf32, #tpu.memory_space<hbm>> -> memref<10240xf32, #tpu.memory_space<hbm>>
      tpu.enqueue_dma source(%arg19 : memref<10240xf32, #tpu.memory_space<vmem>>) target(%dma_start3A_319 : memref<10240xf32, #tpu.memory_space<hbm>>) target_semaphore(%run_scoped3A : memref<!tpu.dma_semaphore, #tpu.memory_space<semaphore_mem>>)
      %dma_wait3A_320 = arith.constant 0 : i32
      %dma_wait3A_321 = tpu.memref_slice %arg8[%add3A, %dma_wait3A_320] : memref<32x10240xf32, #tpu.memory_space<hbm>> -> memref<1x10240xf32, #tpu.memory_space<hbm>>
      %dma_wait3A_322 = tpu.memref_squeeze %dma_wait3A_321 : memref<1x10240xf32, #tpu.memory_space<hbm>> -> memref<10240xf32, #tpu.memory_space<hbm>>
      %dma_wait3A_323 = arith.constant 0 : i32
      %dma_wait3A_324 = tpu.memref_slice %arg8[%add3A, %dma_wait3A_323] : memref<32x10240xf32, #tpu.memory_space<hbm>> -> memref<1x10240xf32, #tpu.memory_space<hbm>>
      %dma_wait3A_325 = tpu.memref_squeeze %dma_wait3A_324 : memref<1x10240xf32, #tpu.memory_space<hbm>> -> memref<10240xf32, #tpu.memory_space<hbm>>
      tpu.wait_dma2 semaphore(%run_scoped3A : memref<!tpu.dma_semaphore, #tpu.memory_space<semaphore_mem>>) src(%arg19 : memref<10240xf32, #tpu.memory_space<vmem>>) dst(%dma_wait3A_325 : memref<10240xf32, #tpu.memory_space<hbm>>)
      tpu.yield
    }) : () -> ()
    %barrier3A_190 = arith.constant 0 : index
    tpu.barrier barrier_id(%barrier3A_190)
    %mul3A_191 = arith.constant 10240 : i32
    %mul3A_192 = arith.muli %arg0, %mul3A_191 : i32
    %add3A_193 = arith.addi %mul3A_192, %mul3A_0 : i32
    %add3A_194 = arith.constant 0 : i32
    %add3A_195 = arith.addi %mul3A_0, %add3A_194 : i32
    %dma_start3A_196 = arith.constant 0 : i32
    %dma_start3A_197 = tpu.memref_slice %arg15[%add3A_195, %dma_start3A_196] : memref<10240x128xf32, #tpu.memory_space<vmem_shared>> -> memref<128x128xf32, #tpu.memory_space<vmem_shared>>
    %dma_start3A_198 = arith.constant 0 : i32
    %dma_start3A_199 = tpu.memref_slice %arg15[%add3A_195, %dma_start3A_198] : memref<10240x128xf32, #tpu.memory_space<vmem_shared>> -> memref<128x128xf32, #tpu.memory_space<vmem_shared>>
    tpu.enqueue_dma source(%dma_start3A_199 : memref<128x128xf32, #tpu.memory_space<vmem_shared>>) target(%arg13 : memref<128x128xf32, #tpu.memory_space<vmem>>) target_semaphore(%arg17 : memref<!tpu.dma_semaphore, #tpu.memory_space<semaphore_mem>>)
    %add3A_200 = arith.constant 0 : i32
    %add3A_201 = arith.addi %mul3A_0, %add3A_200 : i32
    %dma_wait3A_202 = arith.constant 0 : i32
    %dma_wait3A_203 = tpu.memref_slice %arg15[%add3A_201, %dma_wait3A_202] : memref<10240x128xf32, #tpu.memory_space<vmem_shared>> -> memref<128x128xf32, #tpu.memory_space<vmem_shared>>
    %dma_wait3A_204 = arith.constant 0 : i32
    %dma_wait3A_205 = tpu.memref_slice %arg15[%add3A_201, %dma_wait3A_204] : memref<10240x128xf32, #tpu.memory_space<vmem_shared>> -> memref<128x128xf32, #tpu.memory_space<vmem_shared>>
    tpu.wait_dma2 semaphore(%arg17 : memref<!tpu.dma_semaphore, #tpu.memory_space<semaphore_mem>>) src(%dma_wait3A_205 : memref<128x128xf32, #tpu.memory_space<vmem_shared>>) dst(%arg13 : memref<128x128xf32, #tpu.memory_space<vmem>>)
    %add3A_206 = arith.constant 128 : i32
    %add3A_207 = arith.addi %mul3A_0, %add3A_206 : i32
    %dma_start3A_208 = arith.constant 0 : i32
    %dma_start3A_209 = tpu.memref_slice %arg15[%add3A_207, %dma_start3A_208] : memref<10240x128xf32, #tpu.memory_space<vmem_shared>> -> memref<128x128xf32, #tpu.memory_space<vmem_shared>>
    %dma_start3A_210 = arith.constant 0 : i32
    %dma_start3A_211 = tpu.memref_slice %arg15[%add3A_207, %dma_start3A_210] : memref<10240x128xf32, #tpu.memory_space<vmem_shared>> -> memref<128x128xf32, #tpu.memory_space<vmem_shared>>
    tpu.enqueue_dma source(%dma_start3A_211 : memref<128x128xf32, #tpu.memory_space<vmem_shared>>) target(%arg14 : memref<128x128xf32, #tpu.memory_space<vmem>>) target_semaphore(%arg17 : memref<!tpu.dma_semaphore, #tpu.memory_space<semaphore_mem>>)
    %add3A_212 = arith.constant 0 : i32
    %add3A_213 = arith.addi %add3A_193, %add3A_212 : i32
    %dma_start3A_214 = arith.constant 0 : i32
    %dma_start3A_215 = tpu.memref_slice %arg7[%add3A_213, %dma_start3A_214] : memref<20480x128xf32, #tpu.memory_space<hbm>> -> memref<128x128xf32, #tpu.memory_space<hbm>>
    %dma_start3A_216 = arith.constant 0 : i32
    %dma_start3A_217 = tpu.memref_slice %arg7[%add3A_213, %dma_start3A_216] : memref<20480x128xf32, #tpu.memory_space<hbm>> -> memref<128x128xf32, #tpu.memory_space<hbm>>
    tpu.enqueue_dma source(%arg13 : memref<128x128xf32, #tpu.memory_space<vmem>>) target(%dma_start3A_217 : memref<128x128xf32, #tpu.memory_space<hbm>>) target_semaphore(%arg18 : memref<!tpu.dma_semaphore, #tpu.memory_space<semaphore_mem>>)
    %add3A_218 = arith.constant 0 : i32
    %add3A_219 = arith.addi %add3A_193, %add3A_218 : i32
    %dma_wait3A_220 = arith.constant 0 : i32
    %dma_wait3A_221 = tpu.memref_slice %arg7[%add3A_219, %dma_wait3A_220] : memref<20480x128xf32, #tpu.memory_space<hbm>> -> memref<128x128xf32, #tpu.memory_space<hbm>>
    %dma_wait3A_222 = arith.constant 0 : i32
    %dma_wait3A_223 = tpu.memref_slice %arg7[%add3A_219, %dma_wait3A_222] : memref<20480x128xf32, #tpu.memory_space<hbm>> -> memref<128x128xf32, #tpu.memory_space<hbm>>
    tpu.wait_dma2 semaphore(%arg18 : memref<!tpu.dma_semaphore, #tpu.memory_space<semaphore_mem>>) src(%arg13 : memref<128x128xf32, #tpu.memory_space<vmem>>) dst(%dma_wait3A_223 : memref<128x128xf32, #tpu.memory_space<hbm>>)
    %add3A_224 = arith.constant 128 : i32
    %add3A_225 = arith.addi %mul3A_0, %add3A_224 : i32
    %dma_wait3A_226 = arith.constant 0 : i32
    %dma_wait3A_227 = tpu.memref_slice %arg15[%add3A_225, %dma_wait3A_226] : memref<10240x128xf32, #tpu.memory_space<vmem_shared>> -> memref<128x128xf32, #tpu.memory_space<vmem_shared>>
    %dma_wait3A_228 = arith.constant 0 : i32
    %dma_wait3A_229 = tpu.memref_slice %arg15[%add3A_225, %dma_wait3A_228] : memref<10240x128xf32, #tpu.memory_space<vmem_shared>> -> memref<128x128xf32, #tpu.memory_space<vmem_shared>>
    tpu.wait_dma2 semaphore(%arg17 : memref<!tpu.dma_semaphore, #tpu.memory_space<semaphore_mem>>) src(%dma_wait3A_229 : memref<128x128xf32, #tpu.memory_space<vmem_shared>>) dst(%arg14 : memref<128x128xf32, #tpu.memory_space<vmem>>)
    %add3A_230 = arith.constant 256 : i32
    %add3A_231 = arith.addi %mul3A_0, %add3A_230 : i32
    %dma_start3A_232 = arith.constant 0 : i32
    %dma_start3A_233 = tpu.memref_slice %arg15[%add3A_231, %dma_start3A_232] : memref<10240x128xf32, #tpu.memory_space<vmem_shared>> -> memref<128x128xf32, #tpu.memory_space<vmem_shared>>
    %dma_start3A_234 = arith.constant 0 : i32
    %dma_start3A_235 = tpu.memref_slice %arg15[%add3A_231, %dma_start3A_234] : memref<10240x128xf32, #tpu.memory_space<vmem_shared>> -> memref<128x128xf32, #tpu.memory_space<vmem_shared>>
    tpu.enqueue_dma source(%dma_start3A_235 : memref<128x128xf32, #tpu.memory_space<vmem_shared>>) target(%arg13 : memref<128x128xf32, #tpu.memory_space<vmem>>) target_semaphore(%arg17 : memref<!tpu.dma_semaphore, #tpu.memory_space<semaphore_mem>>)
    %add3A_236 = arith.constant 128 : i32
    %add3A_237 = arith.addi %add3A_193, %add3A_236 : i32
    %dma_start3A_238 = arith.constant 0 : i32
    %dma_start3A_239 = tpu.memref_slice %arg7[%add3A_237, %dma_start3A_238] : memref<20480x128xf32, #tpu.memory_space<hbm>> -> memref<128x128xf32, #tpu.memory_space<hbm>>
    %dma_start3A_240 = arith.constant 0 : i32
    %dma_start3A_241 = tpu.memref_slice %arg7[%add3A_237, %dma_start3A_240] : memref<20480x128xf32, #tpu.memory_space<hbm>> -> memref<128x128xf32, #tpu.memory_space<hbm>>
    tpu.enqueue_dma source(%arg14 : memref<128x128xf32, #tpu.memory_space<vmem>>) target(%dma_start3A_241 : memref<128x128xf32, #tpu.memory_space<hbm>>) target_semaphore(%arg18 : memref<!tpu.dma_semaphore, #tpu.memory_space<semaphore_mem>>)
    %add3A_242 = arith.constant 128 : i32
    %add3A_243 = arith.addi %add3A_193, %add3A_242 : i32
    %dma_wait3A_244 = arith.constant 0 : i32
    %dma_wait3A_245 = tpu.memref_slice %arg7[%add3A_243, %dma_wait3A_244] : memref<20480x128xf32, #tpu.memory_space<hbm>> -> memref<128x128xf32, #tpu.memory_space<hbm>>
    %dma_wait3A_246 = arith.constant 0 : i32
    %dma_wait3A_247 = tpu.memref_slice %arg7[%add3A_243, %dma_wait3A_246] : memref<20480x128xf32, #tpu.memory_space<hbm>> -> memref<128x128xf32, #tpu.memory_space<hbm>>
    tpu.wait_dma2 semaphore(%arg18 : memref<!tpu.dma_semaphore, #tpu.memory_space<semaphore_mem>>) src(%arg14 : memref<128x128xf32, #tpu.memory_space<vmem>>) dst(%dma_wait3A_247 : memref<128x128xf32, #tpu.memory_space<hbm>>)
    %add3A_248 = arith.constant 256 : i32
    %add3A_249 = arith.addi %mul3A_0, %add3A_248 : i32
    %dma_wait3A_250 = arith.constant 0 : i32
    %dma_wait3A_251 = tpu.memref_slice %arg15[%add3A_249, %dma_wait3A_250] : memref<10240x128xf32, #tpu.memory_space<vmem_shared>> -> memref<128x128xf32, #tpu.memory_space<vmem_shared>>
    %dma_wait3A_252 = arith.constant 0 : i32
    %dma_wait3A_253 = tpu.memref_slice %arg15[%add3A_249, %dma_wait3A_252] : memref<10240x128xf32, #tpu.memory_space<vmem_shared>> -> memref<128x128xf32, #tpu.memory_space<vmem_shared>>
    tpu.wait_dma2 semaphore(%arg17 : memref<!tpu.dma_semaphore, #tpu.memory_space<semaphore_mem>>) src(%dma_wait3A_253 : memref<128x128xf32, #tpu.memory_space<vmem_shared>>) dst(%arg13 : memref<128x128xf32, #tpu.memory_space<vmem>>)
    %add3A_254 = arith.constant 384 : i32
    %add3A_255 = arith.addi %mul3A_0, %add3A_254 : i32
    %dma_start3A_256 = arith.constant 0 : i32
    %dma_start3A_257 = tpu.memref_slice %arg15[%add3A_255, %dma_start3A_256] : memref<10240x128xf32, #tpu.memory_space<vmem_shared>> -> memref<128x128xf32, #tpu.memory_space<vmem_shared>>
    %dma_start3A_258 = arith.constant 0 : i32
    %dma_start3A_259 = tpu.memref_slice %arg15[%add3A_255, %dma_start3A_258] : memref<10240x128xf32, #tpu.memory_space<vmem_shared>> -> memref<128x128xf32, #tpu.memory_space<vmem_shared>>
    tpu.enqueue_dma source(%dma_start3A_259 : memref<128x128xf32, #tpu.memory_space<vmem_shared>>) target(%arg14 : memref<128x128xf32, #tpu.memory_space<vmem>>) target_semaphore(%arg17 : memref<!tpu.dma_semaphore, #tpu.memory_space<semaphore_mem>>)
    %add3A_260 = arith.constant 256 : i32
    %add3A_261 = arith.addi %add3A_193, %add3A_260 : i32
    %dma_start3A_262 = arith.constant 0 : i32
    %dma_start3A_263 = tpu.memref_slice %arg7[%add3A_261, %dma_start3A_262] : memref<20480x128xf32, #tpu.memory_space<hbm>> -> memref<128x128xf32, #tpu.memory_space<hbm>>
    %dma_start3A_264 = arith.constant 0 : i32
    %dma_start3A_265 = tpu.memref_slice %arg7[%add3A_261, %dma_start3A_264] : memref<20480x128xf32, #tpu.memory_space<hbm>> -> memref<128x128xf32, #tpu.memory_space<hbm>>
    tpu.enqueue_dma source(%arg13 : memref<128x128xf32, #tpu.memory_space<vmem>>) target(%dma_start3A_265 : memref<128x128xf32, #tpu.memory_space<hbm>>) target_semaphore(%arg18 : memref<!tpu.dma_semaphore, #tpu.memory_space<semaphore_mem>>)
    %add3A_266 = arith.constant 256 : i32
    %add3A_267 = arith.addi %add3A_193, %add3A_266 : i32
    %dma_wait3A_268 = arith.constant 0 : i32
    %dma_wait3A_269 = tpu.memref_slice %arg7[%add3A_267, %dma_wait3A_268] : memref<20480x128xf32, #tpu.memory_space<hbm>> -> memref<128x128xf32, #tpu.memory_space<hbm>>
    %dma_wait3A_270 = arith.constant 0 : i32
    %dma_wait3A_271 = tpu.memref_slice %arg7[%add3A_267, %dma_wait3A_270] : memref<20480x128xf32, #tpu.memory_space<hbm>> -> memref<128x128xf32, #tpu.memory_space<hbm>>
    tpu.wait_dma2 semaphore(%arg18 : memref<!tpu.dma_semaphore, #tpu.memory_space<semaphore_mem>>) src(%arg13 : memref<128x128xf32, #tpu.memory_space<vmem>>) dst(%dma_wait3A_271 : memref<128x128xf32, #tpu.memory_space<hbm>>)
    %add3A_272 = arith.constant 384 : i32
    %add3A_273 = arith.addi %mul3A_0, %add3A_272 : i32
    %dma_wait3A_274 = arith.constant 0 : i32
    %dma_wait3A_275 = tpu.memref_slice %arg15[%add3A_273, %dma_wait3A_274] : memref<10240x128xf32, #tpu.memory_space<vmem_shared>> -> memref<128x128xf32, #tpu.memory_space<vmem_shared>>
    %dma_wait3A_276 = arith.constant 0 : i32
    %dma_wait3A_277 = tpu.memref_slice %arg15[%add3A_273, %dma_wait3A_276] : memref<10240x128xf32, #tpu.memory_space<vmem_shared>> -> memref<128x128xf32, #tpu.memory_space<vmem_shared>>
    tpu.wait_dma2 semaphore(%arg17 : memref<!tpu.dma_semaphore, #tpu.memory_space<semaphore_mem>>) src(%dma_wait3A_277 : memref<128x128xf32, #tpu.memory_space<vmem_shared>>) dst(%arg14 : memref<128x128xf32, #tpu.memory_space<vmem>>)
    %add3A_278 = arith.constant 512 : i32
    %add3A_279 = arith.addi %mul3A_0, %add3A_278 : i32
    %dma_start3A_280 = arith.constant 0 : i32
    %dma_start3A_281 = tpu.memref_slice %arg15[%add3A_279, %dma_start3A_280] : memref<10240x128xf32, #tpu.memory_space<vmem_shared>> -> memref<128x128xf32, #tpu.memory_space<vmem_shared>>
    %dma_start3A_282 = arith.constant 0 : i32
    %dma_start3A_283 = tpu.memref_slice %arg15[%add3A_279, %dma_start3A_282] : memref<10240x128xf32, #tpu.memory_space<vmem_shared>> -> memref<128x128xf32, #tpu.memory_space<vmem_shared>>
    tpu.enqueue_dma source(%dma_start3A_283 : memref<128x128xf32, #tpu.memory_space<vmem_shared>>) target(%arg13 : memref<128x128xf32, #tpu.memory_space<vmem>>) target_semaphore(%arg17 : memref<!tpu.dma_semaphore, #tpu.memory_space<semaphore_mem>>)
    %add3A_284 = arith.constant 384 : i32
    %add3A_285 = arith.addi %add3A_193, %add3A_284 : i32
    %dma_start3A_286 = arith.constant 0 : i32
    %dma_start3A_287 = tpu.memref_slice %arg7[%add3A_285, %dma_start3A_286] : memref<20480x128xf32, #tpu.memory_space<hbm>> -> memref<128x128xf32, #tpu.memory_space<hbm>>
    %dma_start3A_288 = arith.constant 0 : i32
    %dma_start3A_289 = tpu.memref_slice %arg7[%add3A_285, %dma_start3A_288] : memref<20480x128xf32, #tpu.memory_space<hbm>> -> memref<128x128xf32, #tpu.memory_space<hbm>>
    tpu.enqueue_dma source(%arg14 : memref<128x128xf32, #tpu.memory_space<vmem>>) target(%dma_start3A_289 : memref<128x128xf32, #tpu.memory_space<hbm>>) target_semaphore(%arg18 : memref<!tpu.dma_semaphore, #tpu.memory_space<semaphore_mem>>)
    %add3A_290 = arith.constant 384 : i32
    %add3A_291 = arith.addi %add3A_193, %add3A_290 : i32
    %dma_wait3A_292 = arith.constant 0 : i32
    %dma_wait3A_293 = tpu.memref_slice %arg7[%add3A_291, %dma_wait3A_292] : memref<20480x128xf32, #tpu.memory_space<hbm>> -> memref<128x128xf32, #tpu.memory_space<hbm>>
    %dma_wait3A_294 = arith.constant 0 : i32
    %dma_wait3A_295 = tpu.memref_slice %arg7[%add3A_291, %dma_wait3A_294] : memref<20480x128xf32, #tpu.memory_space<hbm>> -> memref<128x128xf32, #tpu.memory_space<hbm>>
    tpu.wait_dma2 semaphore(%arg18 : memref<!tpu.dma_semaphore, #tpu.memory_space<semaphore_mem>>) src(%arg14 : memref<128x128xf32, #tpu.memory_space<vmem>>) dst(%dma_wait3A_295 : memref<128x128xf32, #tpu.memory_space<hbm>>)
    %add3A_296 = arith.constant 512 : i32
    %add3A_297 = arith.addi %mul3A_0, %add3A_296 : i32
    %dma_wait3A_298 = arith.constant 0 : i32
    %dma_wait3A_299 = tpu.memref_slice %arg15[%add3A_297, %dma_wait3A_298] : memref<10240x128xf32, #tpu.memory_space<vmem_shared>> -> memref<128x128xf32, #tpu.memory_space<vmem_shared>>
    %dma_wait3A_300 = arith.constant 0 : i32
    %dma_wait3A_301 = tpu.memref_slice %arg15[%add3A_297, %dma_wait3A_300] : memref<10240x128xf32, #tpu.memory_space<vmem_shared>> -> memref<128x128xf32, #tpu.memory_space<vmem_shared>>
    tpu.wait_dma2 semaphore(%arg17 : memref<!tpu.dma_semaphore, #tpu.memory_space<semaphore_mem>>) src(%dma_wait3A_301 : memref<128x128xf32, #tpu.memory_space<vmem_shared>>) dst(%arg13 : memref<128x128xf32, #tpu.memory_space<vmem>>)
    %add3A_302 = arith.constant 512 : i32
    %add3A_303 = arith.addi %add3A_193, %add3A_302 : i32
    %dma_start3A_304 = arith.constant 0 : i32
    %dma_start3A_305 = tpu.memref_slice %arg7[%add3A_303, %dma_start3A_304] : memref<20480x128xf32, #tpu.memory_space<hbm>> -> memref<128x128xf32, #tpu.memory_space<hbm>>
    %dma_start3A_306 = arith.constant 0 : i32
    %dma_start3A_307 = tpu.memref_slice %arg7[%add3A_303, %dma_start3A_306] : memref<20480x128xf32, #tpu.memory_space<hbm>> -> memref<128x128xf32, #tpu.memory_space<hbm>>
    tpu.enqueue_dma source(%arg13 : memref<128x128xf32, #tpu.memory_space<vmem>>) target(%dma_start3A_307 : memref<128x128xf32, #tpu.memory_space<hbm>>) target_semaphore(%arg18 : memref<!tpu.dma_semaphore, #tpu.memory_space<semaphore_mem>>)
    %add3A_308 = arith.constant 512 : i32
    %add3A_309 = arith.addi %add3A_193, %add3A_308 : i32
    %dma_wait3A_310 = arith.constant 0 : i32
    %dma_wait3A_311 = tpu.memref_slice %arg7[%add3A_309, %dma_wait3A_310] : memref<20480x128xf32, #tpu.memory_space<hbm>> -> memref<128x128xf32, #tpu.memory_space<hbm>>
    %dma_wait3A_312 = arith.constant 0 : i32
    %dma_wait3A_313 = tpu.memref_slice %arg7[%add3A_309, %dma_wait3A_312] : memref<20480x128xf32, #tpu.memory_space<hbm>> -> memref<128x128xf32, #tpu.memory_space<hbm>>
    tpu.wait_dma2 semaphore(%arg18 : memref<!tpu.dma_semaphore, #tpu.memory_space<semaphore_mem>>) src(%arg13 : memref<128x128xf32, #tpu.memory_space<vmem>>) dst(%dma_wait3A_313 : memref<128x128xf32, #tpu.memory_space<hbm>>)
    return
  }
}

#map = affine_map<(d0, d1) -> (0, 0)>
#map1 = affine_map<(d0, d1) -> (0)>
module attributes {stable_mosaic.version = 14 : i64} {
  func.func @k(%arg0: i32, %arg1: i32, %arg2: memref<10240x128xf32, #tpu.memory_space<hbm>>, %arg3: memref<320000xi32, #tpu.memory_space<hbm>>, %arg4: memref<320000xi32, #tpu.memory_space<hbm>>, %arg5: memref<128x128xf32, #tpu.memory_space<hbm>>, %arg6: memref<20480x128xf32, #tpu.memory_space<hbm>>, %arg7: memref<128xi32, #tpu.memory_space<vmem>>, %arg8: memref<128xi32, #tpu.memory_space<vmem>>, %arg9: memref<128xi32, #tpu.memory_space<vmem>>, %arg10: memref<128xi32, #tpu.memory_space<vmem>>, %arg11: memref<128x128xf32, #tpu.memory_space<vmem>>, %arg12: memref<128x128xf32, #tpu.memory_space<vmem>>, %arg13: memref<10240x128xf32, #tpu.memory_space<vmem_shared>>, %arg14: memref<!tpu.dma_semaphore, #tpu.memory_space<semaphore_mem>>, %arg15: memref<!tpu.dma_semaphore, #tpu.memory_space<semaphore_mem>>, %arg16: memref<!tpu.dma_semaphore, #tpu.memory_space<semaphore_mem>>) attributes {dimension_semantics = [#tpu.dimension_semantics<core_parallel>, #tpu.dimension_semantics<subcore_parallel>], iteration_bounds = array<i64: 2, 16>, scalar_prefetch = 0 : i64, scratch_operands = 10 : i64, tpu.core_type = #tpu.core_type<sc_vector_subcore>, window_params = [{transform_indices = #map}, {transform_indices = #map1}, {transform_indices = #map1}, {transform_indices = #map}, {transform_indices = #map}]} {
    %mul3A = arith.constant 640 : i32
    %mul3A_0 = arith.muli %arg1, %mul3A : i32
    %mul3A_1 = arith.constant 16 : i32
    %mul3A_2 = arith.muli %arg0, %mul3A_1 : i32
    %add3A = arith.addi %mul3A_2, %arg1 : i32
    %ge3A = arith.constant 18 : i32
    %ge3A_3 = arith.cmpi sge, %add3A, %ge3A : i32
    %convert_element_type3A = arith.extui %ge3A_3 : i1 to i32
    %mul3A_4 = arith.constant 2 : i32
    %mul3A_5 = arith.muli %mul3A_4, %convert_element_type3A : i32
    %sub3A = arith.constant 79 : i32
    %sub3A_6 = arith.subi %sub3A, %mul3A_5 : i32
    %mul3A_7 = arith.constant 77 : i32
    %mul3A_8 = arith.muli %mul3A_7, %add3A : i32
    %min3A = arith.constant 18 : i32
    %min3A_9 = arith.minsi %add3A, %min3A : i32
    %mul3A_10 = arith.constant 2 : i32
    %mul3A_11 = arith.muli %mul3A_10, %min3A_9 : i32
    %add3A_12 = arith.addi %mul3A_8, %mul3A_11 : i32
    %mul3A_13 = arith.constant 128 : i32
    %mul3A_14 = arith.muli %add3A_12, %mul3A_13 : i32
    "tpu.region"() ({
      %run_scoped3A = tpu.sem_alloc : memref<!tpu.dma_semaphore, #tpu.memory_space<semaphore_mem>>
      tpu.enqueue_dma source(%arg5 : memref<128x128xf32, #tpu.memory_space<hbm>>) target(%arg11 : memref<128x128xf32, #tpu.memory_space<vmem>>) target_semaphore(%run_scoped3A : memref<!tpu.dma_semaphore, #tpu.memory_space<semaphore_mem>>)
      tpu.wait_dma2 semaphore(%run_scoped3A : memref<!tpu.dma_semaphore, #tpu.memory_space<semaphore_mem>>) src(%arg5 : memref<128x128xf32, #tpu.memory_space<hbm>>) dst(%arg11 : memref<128x128xf32, #tpu.memory_space<vmem>>)
      tpu.yield
    }) : () -> ()
    %add3A_15 = arith.constant 0 : i32
    %add3A_16 = arith.addi %mul3A_0, %add3A_15 : i32
    %dma_start3A = arith.constant 0 : i32
    %dma_start3A_17 = tpu.memref_slice %arg13[%add3A_16, %dma_start3A] : memref<10240x128xf32, #tpu.memory_space<vmem_shared>> -> memref<128x128xf32, #tpu.memory_space<vmem_shared>>
    %dma_start3A_18 = arith.constant 0 : i32
    %dma_start3A_19 = tpu.memref_slice %arg13[%add3A_16, %dma_start3A_18] : memref<10240x128xf32, #tpu.memory_space<vmem_shared>> -> memref<128x128xf32, #tpu.memory_space<vmem_shared>>
    tpu.enqueue_dma source(%arg11 : memref<128x128xf32, #tpu.memory_space<vmem>>) target(%dma_start3A_19 : memref<128x128xf32, #tpu.memory_space<vmem_shared>>) target_semaphore(%arg16 : memref<!tpu.dma_semaphore, #tpu.memory_space<semaphore_mem>>)
    %add3A_20 = arith.constant 128 : i32
    %add3A_21 = arith.addi %mul3A_0, %add3A_20 : i32
    %dma_start3A_22 = arith.constant 0 : i32
    %dma_start3A_23 = tpu.memref_slice %arg13[%add3A_21, %dma_start3A_22] : memref<10240x128xf32, #tpu.memory_space<vmem_shared>> -> memref<128x128xf32, #tpu.memory_space<vmem_shared>>
    %dma_start3A_24 = arith.constant 0 : i32
    %dma_start3A_25 = tpu.memref_slice %arg13[%add3A_21, %dma_start3A_24] : memref<10240x128xf32, #tpu.memory_space<vmem_shared>> -> memref<128x128xf32, #tpu.memory_space<vmem_shared>>
    tpu.enqueue_dma source(%arg11 : memref<128x128xf32, #tpu.memory_space<vmem>>) target(%dma_start3A_25 : memref<128x128xf32, #tpu.memory_space<vmem_shared>>) target_semaphore(%arg16 : memref<!tpu.dma_semaphore, #tpu.memory_space<semaphore_mem>>)
    %add3A_26 = arith.constant 256 : i32
    %add3A_27 = arith.addi %mul3A_0, %add3A_26 : i32
    %dma_start3A_28 = arith.constant 0 : i32
    %dma_start3A_29 = tpu.memref_slice %arg13[%add3A_27, %dma_start3A_28] : memref<10240x128xf32, #tpu.memory_space<vmem_shared>> -> memref<128x128xf32, #tpu.memory_space<vmem_shared>>
    %dma_start3A_30 = arith.constant 0 : i32
    %dma_start3A_31 = tpu.memref_slice %arg13[%add3A_27, %dma_start3A_30] : memref<10240x128xf32, #tpu.memory_space<vmem_shared>> -> memref<128x128xf32, #tpu.memory_space<vmem_shared>>
    tpu.enqueue_dma source(%arg11 : memref<128x128xf32, #tpu.memory_space<vmem>>) target(%dma_start3A_31 : memref<128x128xf32, #tpu.memory_space<vmem_shared>>) target_semaphore(%arg16 : memref<!tpu.dma_semaphore, #tpu.memory_space<semaphore_mem>>)
    %add3A_32 = arith.constant 384 : i32
    %add3A_33 = arith.addi %mul3A_0, %add3A_32 : i32
    %dma_start3A_34 = arith.constant 0 : i32
    %dma_start3A_35 = tpu.memref_slice %arg13[%add3A_33, %dma_start3A_34] : memref<10240x128xf32, #tpu.memory_space<vmem_shared>> -> memref<128x128xf32, #tpu.memory_space<vmem_shared>>
    %dma_start3A_36 = arith.constant 0 : i32
    %dma_start3A_37 = tpu.memref_slice %arg13[%add3A_33, %dma_start3A_36] : memref<10240x128xf32, #tpu.memory_space<vmem_shared>> -> memref<128x128xf32, #tpu.memory_space<vmem_shared>>
    tpu.enqueue_dma source(%arg11 : memref<128x128xf32, #tpu.memory_space<vmem>>) target(%dma_start3A_37 : memref<128x128xf32, #tpu.memory_space<vmem_shared>>) target_semaphore(%arg16 : memref<!tpu.dma_semaphore, #tpu.memory_space<semaphore_mem>>)
    %add3A_38 = arith.constant 512 : i32
    %add3A_39 = arith.addi %mul3A_0, %add3A_38 : i32
    %dma_start3A_40 = arith.constant 0 : i32
    %dma_start3A_41 = tpu.memref_slice %arg13[%add3A_39, %dma_start3A_40] : memref<10240x128xf32, #tpu.memory_space<vmem_shared>> -> memref<128x128xf32, #tpu.memory_space<vmem_shared>>
    %dma_start3A_42 = arith.constant 0 : i32
    %dma_start3A_43 = tpu.memref_slice %arg13[%add3A_39, %dma_start3A_42] : memref<10240x128xf32, #tpu.memory_space<vmem_shared>> -> memref<128x128xf32, #tpu.memory_space<vmem_shared>>
    tpu.enqueue_dma source(%arg11 : memref<128x128xf32, #tpu.memory_space<vmem>>) target(%dma_start3A_43 : memref<128x128xf32, #tpu.memory_space<vmem_shared>>) target_semaphore(%arg16 : memref<!tpu.dma_semaphore, #tpu.memory_space<semaphore_mem>>)
    %add3A_44 = arith.constant 0 : i32
    %add3A_45 = arith.addi %mul3A_0, %add3A_44 : i32
    %dma_wait3A = arith.constant 0 : i32
    %dma_wait3A_46 = tpu.memref_slice %arg13[%add3A_45, %dma_wait3A] : memref<10240x128xf32, #tpu.memory_space<vmem_shared>> -> memref<128x128xf32, #tpu.memory_space<vmem_shared>>
    %dma_wait3A_47 = arith.constant 0 : i32
    %dma_wait3A_48 = tpu.memref_slice %arg13[%add3A_45, %dma_wait3A_47] : memref<10240x128xf32, #tpu.memory_space<vmem_shared>> -> memref<128x128xf32, #tpu.memory_space<vmem_shared>>
    tpu.wait_dma2 semaphore(%arg16 : memref<!tpu.dma_semaphore, #tpu.memory_space<semaphore_mem>>) src(%arg11 : memref<128x128xf32, #tpu.memory_space<vmem>>) dst(%dma_wait3A_48 : memref<128x128xf32, #tpu.memory_space<vmem_shared>>)
    %add3A_49 = arith.constant 128 : i32
    %add3A_50 = arith.addi %mul3A_0, %add3A_49 : i32
    %dma_wait3A_51 = arith.constant 0 : i32
    %dma_wait3A_52 = tpu.memref_slice %arg13[%add3A_50, %dma_wait3A_51] : memref<10240x128xf32, #tpu.memory_space<vmem_shared>> -> memref<128x128xf32, #tpu.memory_space<vmem_shared>>
    %dma_wait3A_53 = arith.constant 0 : i32
    %dma_wait3A_54 = tpu.memref_slice %arg13[%add3A_50, %dma_wait3A_53] : memref<10240x128xf32, #tpu.memory_space<vmem_shared>> -> memref<128x128xf32, #tpu.memory_space<vmem_shared>>
    tpu.wait_dma2 semaphore(%arg16 : memref<!tpu.dma_semaphore, #tpu.memory_space<semaphore_mem>>) src(%arg11 : memref<128x128xf32, #tpu.memory_space<vmem>>) dst(%dma_wait3A_54 : memref<128x128xf32, #tpu.memory_space<vmem_shared>>)
    %add3A_55 = arith.constant 256 : i32
    %add3A_56 = arith.addi %mul3A_0, %add3A_55 : i32
    %dma_wait3A_57 = arith.constant 0 : i32
    %dma_wait3A_58 = tpu.memref_slice %arg13[%add3A_56, %dma_wait3A_57] : memref<10240x128xf32, #tpu.memory_space<vmem_shared>> -> memref<128x128xf32, #tpu.memory_space<vmem_shared>>
    %dma_wait3A_59 = arith.constant 0 : i32
    %dma_wait3A_60 = tpu.memref_slice %arg13[%add3A_56, %dma_wait3A_59] : memref<10240x128xf32, #tpu.memory_space<vmem_shared>> -> memref<128x128xf32, #tpu.memory_space<vmem_shared>>
    tpu.wait_dma2 semaphore(%arg16 : memref<!tpu.dma_semaphore, #tpu.memory_space<semaphore_mem>>) src(%arg11 : memref<128x128xf32, #tpu.memory_space<vmem>>) dst(%dma_wait3A_60 : memref<128x128xf32, #tpu.memory_space<vmem_shared>>)
    %add3A_61 = arith.constant 384 : i32
    %add3A_62 = arith.addi %mul3A_0, %add3A_61 : i32
    %dma_wait3A_63 = arith.constant 0 : i32
    %dma_wait3A_64 = tpu.memref_slice %arg13[%add3A_62, %dma_wait3A_63] : memref<10240x128xf32, #tpu.memory_space<vmem_shared>> -> memref<128x128xf32, #tpu.memory_space<vmem_shared>>
    %dma_wait3A_65 = arith.constant 0 : i32
    %dma_wait3A_66 = tpu.memref_slice %arg13[%add3A_62, %dma_wait3A_65] : memref<10240x128xf32, #tpu.memory_space<vmem_shared>> -> memref<128x128xf32, #tpu.memory_space<vmem_shared>>
    tpu.wait_dma2 semaphore(%arg16 : memref<!tpu.dma_semaphore, #tpu.memory_space<semaphore_mem>>) src(%arg11 : memref<128x128xf32, #tpu.memory_space<vmem>>) dst(%dma_wait3A_66 : memref<128x128xf32, #tpu.memory_space<vmem_shared>>)
    %add3A_67 = arith.constant 512 : i32
    %add3A_68 = arith.addi %mul3A_0, %add3A_67 : i32
    %dma_wait3A_69 = arith.constant 0 : i32
    %dma_wait3A_70 = tpu.memref_slice %arg13[%add3A_68, %dma_wait3A_69] : memref<10240x128xf32, #tpu.memory_space<vmem_shared>> -> memref<128x128xf32, #tpu.memory_space<vmem_shared>>
    %dma_wait3A_71 = arith.constant 0 : i32
    %dma_wait3A_72 = tpu.memref_slice %arg13[%add3A_68, %dma_wait3A_71] : memref<10240x128xf32, #tpu.memory_space<vmem_shared>> -> memref<128x128xf32, #tpu.memory_space<vmem_shared>>
    tpu.wait_dma2 semaphore(%arg16 : memref<!tpu.dma_semaphore, #tpu.memory_space<semaphore_mem>>) src(%arg11 : memref<128x128xf32, #tpu.memory_space<vmem>>) dst(%dma_wait3A_72 : memref<128x128xf32, #tpu.memory_space<vmem_shared>>)
    %barrier3A = arith.constant 0 : index
    tpu.barrier barrier_id(%barrier3A)
    %sub3A_73 = arith.constant 1 : i32
    %sub3A_74 = arith.subi %sub3A_6, %sub3A_73 : i32
    %min3A_75 = arith.constant 0 : i32
    %min3A_76 = arith.minsi %min3A_75, %sub3A_74 : i32
    %mul3A_77 = arith.constant 128 : i32
    %mul3A_78 = arith.muli %min3A_76, %mul3A_77 : i32
    %add3A_79 = arith.addi %mul3A_14, %mul3A_78 : i32
    %dma_start3A_80 = tpu.memref_slice %arg3[%add3A_79] : memref<320000xi32, #tpu.memory_space<hbm>> -> memref<128xi32, #tpu.memory_space<hbm>>
    %dma_start3A_81 = tpu.memref_slice %arg3[%add3A_79] : memref<320000xi32, #tpu.memory_space<hbm>> -> memref<128xi32, #tpu.memory_space<hbm>>
    tpu.enqueue_dma source(%dma_start3A_81 : memref<128xi32, #tpu.memory_space<hbm>>) target(%arg7 : memref<128xi32, #tpu.memory_space<vmem>>) target_semaphore(%arg14 : memref<!tpu.dma_semaphore, #tpu.memory_space<semaphore_mem>>)
    %dma_start3A_82 = tpu.memref_slice %arg4[%add3A_79] : memref<320000xi32, #tpu.memory_space<hbm>> -> memref<128xi32, #tpu.memory_space<hbm>>
    %dma_start3A_83 = tpu.memref_slice %arg4[%add3A_79] : memref<320000xi32, #tpu.memory_space<hbm>> -> memref<128xi32, #tpu.memory_space<hbm>>
    tpu.enqueue_dma source(%dma_start3A_83 : memref<128xi32, #tpu.memory_space<hbm>>) target(%arg9 : memref<128xi32, #tpu.memory_space<vmem>>) target_semaphore(%arg14 : memref<!tpu.dma_semaphore, #tpu.memory_space<semaphore_mem>>)
    %sub3A_84 = arith.constant 1 : i32
    %sub3A_85 = arith.subi %sub3A_6, %sub3A_84 : i32
    %min3A_86 = arith.constant 0 : i32
    %min3A_87 = arith.minsi %min3A_86, %sub3A_85 : i32
    %mul3A_88 = arith.constant 128 : i32
    %mul3A_89 = arith.muli %min3A_87, %mul3A_88 : i32
    %add3A_90 = arith.addi %mul3A_14, %mul3A_89 : i32
    %dma_wait3A_91 = tpu.memref_slice %arg3[%add3A_90] : memref<320000xi32, #tpu.memory_space<hbm>> -> memref<128xi32, #tpu.memory_space<hbm>>
    %dma_wait3A_92 = tpu.memref_slice %arg3[%add3A_90] : memref<320000xi32, #tpu.memory_space<hbm>> -> memref<128xi32, #tpu.memory_space<hbm>>
    tpu.wait_dma2 semaphore(%arg14 : memref<!tpu.dma_semaphore, #tpu.memory_space<semaphore_mem>>) src(%dma_wait3A_92 : memref<128xi32, #tpu.memory_space<hbm>>) dst(%arg7 : memref<128xi32, #tpu.memory_space<vmem>>)
    %dma_wait3A_93 = tpu.memref_slice %arg4[%add3A_90] : memref<320000xi32, #tpu.memory_space<hbm>> -> memref<128xi32, #tpu.memory_space<hbm>>
    %dma_wait3A_94 = tpu.memref_slice %arg4[%add3A_90] : memref<320000xi32, #tpu.memory_space<hbm>> -> memref<128xi32, #tpu.memory_space<hbm>>
    tpu.wait_dma2 semaphore(%arg14 : memref<!tpu.dma_semaphore, #tpu.memory_space<semaphore_mem>>) src(%dma_wait3A_94 : memref<128xi32, #tpu.memory_space<hbm>>) dst(%arg9 : memref<128xi32, #tpu.memory_space<vmem>>)
    %dma_start3A_95 = arith.constant 0 : i32
    %dma_start3A_96 = arith.constant 0 : i32
    %dma_start3A_97 = tpu.memref_slice %arg2[%dma_start3A_95, %dma_start3A_96] : memref<10240x128xf32, #tpu.memory_space<hbm>> -> memref<10240x128xf32, #tpu.memory_space<hbm>>
    tpu.enqueue_indirect_dma source(%dma_start3A_97 : memref<10240x128xf32, #tpu.memory_space<hbm>>) target(%arg11 : memref<128x128xf32, #tpu.memory_space<vmem>>) offsets(%arg7 : memref<128xi32, #tpu.memory_space<vmem>>) semaphore(%arg15 : memref<!tpu.dma_semaphore, #tpu.memory_space<semaphore_mem>>)
    %sub3A_98 = arith.constant 1 : i32
    %sub3A_99 = arith.subi %sub3A_6, %sub3A_98 : i32
    %min3A_100 = arith.constant 1 : i32
    %min3A_101 = arith.minsi %min3A_100, %sub3A_99 : i32
    %mul3A_102 = arith.constant 128 : i32
    %mul3A_103 = arith.muli %min3A_101, %mul3A_102 : i32
    %add3A_104 = arith.addi %mul3A_14, %mul3A_103 : i32
    %dma_start3A_105 = tpu.memref_slice %arg3[%add3A_104] : memref<320000xi32, #tpu.memory_space<hbm>> -> memref<128xi32, #tpu.memory_space<hbm>>
    %dma_start3A_106 = tpu.memref_slice %arg3[%add3A_104] : memref<320000xi32, #tpu.memory_space<hbm>> -> memref<128xi32, #tpu.memory_space<hbm>>
    tpu.enqueue_dma source(%dma_start3A_106 : memref<128xi32, #tpu.memory_space<hbm>>) target(%arg8 : memref<128xi32, #tpu.memory_space<vmem>>) target_semaphore(%arg14 : memref<!tpu.dma_semaphore, #tpu.memory_space<semaphore_mem>>)
    %dma_start3A_107 = tpu.memref_slice %arg4[%add3A_104] : memref<320000xi32, #tpu.memory_space<hbm>> -> memref<128xi32, #tpu.memory_space<hbm>>
    %dma_start3A_108 = tpu.memref_slice %arg4[%add3A_104] : memref<320000xi32, #tpu.memory_space<hbm>> -> memref<128xi32, #tpu.memory_space<hbm>>
    tpu.enqueue_dma source(%dma_start3A_108 : memref<128xi32, #tpu.memory_space<hbm>>) target(%arg10 : memref<128xi32, #tpu.memory_space<vmem>>) target_semaphore(%arg14 : memref<!tpu.dma_semaphore, #tpu.memory_space<semaphore_mem>>)
    %sub3A_109 = arith.constant 1 : i32
    %sub3A_110 = arith.subi %sub3A_6, %sub3A_109 : i32
    %jit3A = arith.constant 2 : i32
    %div3A = arith.divsi %sub3A_110, %jit3A : i32
    %sign3A = arith.constant 0 : i32
    %sign3A_111 = arith.cmpi sgt, %sub3A_110, %sign3A : i32
    %sign3A_112 = arith.extui %sign3A_111 : i1 to i32
    %sign3A_113 = arith.constant 0 : i32
    %sign3A_114 = arith.cmpi slt, %sub3A_110, %sign3A_113 : i32
    %sign3A_115 = arith.extui %sign3A_114 : i1 to i32
    %sign3A_116 = arith.subi %sign3A_112, %sign3A_115 : i32
    %sign3A_117 = arith.constant 0 : i32
    %sign3A_118 = arith.cmpi sgt, %jit3A, %sign3A_117 : i32
    %sign3A_119 = arith.extui %sign3A_118 : i1 to i32
    %sign3A_120 = arith.constant 0 : i32
    %sign3A_121 = arith.cmpi slt, %jit3A, %sign3A_120 : i32
    %sign3A_122 = arith.extui %sign3A_121 : i1 to i32
    %sign3A_123 = arith.subi %sign3A_119, %sign3A_122 : i32
    %ne3A = arith.cmpi ne, %sign3A_116, %sign3A_123 : i32
    %rem3A = arith.remsi %sub3A_110, %jit3A : i32
    %ne3A_124 = arith.constant 0 : i32
    %ne3A_125 = arith.cmpi ne, %rem3A, %ne3A_124 : i32
    %and3A = arith.andi %ne3A, %ne3A_125 : i1
    %sub3A_126 = arith.constant 1 : i32
    %sub3A_127 = arith.subi %div3A, %sub3A_126 : i32
    %select_n3A = arith.select %and3A, %sub3A_127, %div3A : i32
    %while3A = arith.constant 0 : i32
    %while3A_128 = arith.constant 0 : i32
    %while3A_129 = arith.subi %select_n3A, %while3A_128 : i32
    %while3A_130 = arith.addi %while3A_128, %while3A_129 : i32
    %while3A_131 = arith.constant 1 : i32
    %while3A_132 = arith.divsi %while3A_129, %while3A_131 : i32
    %while3A_133 = arith.muli %while3A_132, %while3A_131 : i32
    %while3A_134 = arith.addi %while3A_128, %while3A_133 : i32
    %while3A_135 = arith.constant 1 : i32
    scf.for %while3A_284 = %while3A_128 to %while3A_134 step %while3A_135  : i32 {
      %mul3A_285 = arith.constant 2 : i32
      %mul3A_286 = arith.muli %while3A_284, %mul3A_285 : i32
      %dma_wait3A_287 = arith.constant 0 : i32
      %dma_wait3A_288 = arith.constant 0 : i32
      %dma_wait3A_289 = tpu.memref_slice %arg2[%dma_wait3A_287, %dma_wait3A_288] : memref<10240x128xf32, #tpu.memory_space<hbm>> -> memref<10240x128xf32, #tpu.memory_space<hbm>>
      tpu.wait_indirect_dma semaphore(%arg15 : memref<!tpu.dma_semaphore, #tpu.memory_space<semaphore_mem>>) src(%dma_wait3A_289 : memref<10240x128xf32, #tpu.memory_space<hbm>>) dst(%arg11 : memref<128x128xf32, #tpu.memory_space<vmem>>)
      %add3A_290 = arith.constant 1 : i32
      %add3A_291 = arith.addi %mul3A_286, %add3A_290 : i32
      %sub3A_292 = arith.constant 1 : i32
      %sub3A_293 = arith.subi %sub3A_6, %sub3A_292 : i32
      %min3A_294 = arith.minsi %add3A_291, %sub3A_293 : i32
      %mul3A_295 = arith.constant 128 : i32
      %mul3A_296 = arith.muli %min3A_294, %mul3A_295 : i32
      %add3A_297 = arith.addi %mul3A_14, %mul3A_296 : i32
      %dma_wait3A_298 = tpu.memref_slice %arg3[%add3A_297] : memref<320000xi32, #tpu.memory_space<hbm>> -> memref<128xi32, #tpu.memory_space<hbm>>
      %dma_wait3A_299 = tpu.memref_slice %arg3[%add3A_297] : memref<320000xi32, #tpu.memory_space<hbm>> -> memref<128xi32, #tpu.memory_space<hbm>>
      tpu.wait_dma2 semaphore(%arg14 : memref<!tpu.dma_semaphore, #tpu.memory_space<semaphore_mem>>) src(%dma_wait3A_299 : memref<128xi32, #tpu.memory_space<hbm>>) dst(%arg8 : memref<128xi32, #tpu.memory_space<vmem>>)
      %dma_wait3A_300 = tpu.memref_slice %arg4[%add3A_297] : memref<320000xi32, #tpu.memory_space<hbm>> -> memref<128xi32, #tpu.memory_space<hbm>>
      %dma_wait3A_301 = tpu.memref_slice %arg4[%add3A_297] : memref<320000xi32, #tpu.memory_space<hbm>> -> memref<128xi32, #tpu.memory_space<hbm>>
      tpu.wait_dma2 semaphore(%arg14 : memref<!tpu.dma_semaphore, #tpu.memory_space<semaphore_mem>>) src(%dma_wait3A_301 : memref<128xi32, #tpu.memory_space<hbm>>) dst(%arg10 : memref<128xi32, #tpu.memory_space<vmem>>)
      %dma_start3A_302 = arith.constant 0 : i32
      %dma_start3A_303 = arith.constant 0 : i32
      %dma_start3A_304 = tpu.memref_slice %arg2[%dma_start3A_302, %dma_start3A_303] : memref<10240x128xf32, #tpu.memory_space<hbm>> -> memref<10240x128xf32, #tpu.memory_space<hbm>>
      tpu.enqueue_indirect_dma source(%dma_start3A_304 : memref<10240x128xf32, #tpu.memory_space<hbm>>) target(%arg12 : memref<128x128xf32, #tpu.memory_space<vmem>>) offsets(%arg8 : memref<128xi32, #tpu.memory_space<vmem>>) semaphore(%arg15 : memref<!tpu.dma_semaphore, #tpu.memory_space<semaphore_mem>>)
      %dma_start3A_305 = arith.constant 0 : i32
      %dma_start3A_306 = arith.constant 0 : i32
      %dma_start3A_307 = tpu.memref_slice %arg13[%dma_start3A_305, %dma_start3A_306] : memref<10240x128xf32, #tpu.memory_space<vmem_shared>> -> memref<10240x128xf32, #tpu.memory_space<vmem_shared>>
      tpu.enqueue_indirect_dma source(%arg11 : memref<128x128xf32, #tpu.memory_space<vmem>>) target(%dma_start3A_307 : memref<10240x128xf32, #tpu.memory_space<vmem_shared>>) offsets(%arg9 : memref<128xi32, #tpu.memory_space<vmem>>) semaphore(%arg16 : memref<!tpu.dma_semaphore, #tpu.memory_space<semaphore_mem>>) {add = true}
      %dma_wait3A_308 = arith.constant 0 : i32
      %dma_wait3A_309 = arith.constant 0 : i32
      %dma_wait3A_310 = tpu.memref_slice %arg13[%dma_wait3A_308, %dma_wait3A_309] : memref<10240x128xf32, #tpu.memory_space<vmem_shared>> -> memref<10240x128xf32, #tpu.memory_space<vmem_shared>>
      tpu.wait_indirect_dma semaphore(%arg16 : memref<!tpu.dma_semaphore, #tpu.memory_space<semaphore_mem>>) src(%arg11 : memref<128x128xf32, #tpu.memory_space<vmem>>) dst(%dma_wait3A_310 : memref<10240x128xf32, #tpu.memory_space<vmem_shared>>)
      %add3A_311 = arith.constant 2 : i32
      %add3A_312 = arith.addi %mul3A_286, %add3A_311 : i32
      %sub3A_313 = arith.constant 1 : i32
      %sub3A_314 = arith.subi %sub3A_6, %sub3A_313 : i32
      %min3A_315 = arith.minsi %add3A_312, %sub3A_314 : i32
      %mul3A_316 = arith.constant 128 : i32
      %mul3A_317 = arith.muli %min3A_315, %mul3A_316 : i32
      %add3A_318 = arith.addi %mul3A_14, %mul3A_317 : i32
      %dma_start3A_319 = tpu.memref_slice %arg3[%add3A_318] : memref<320000xi32, #tpu.memory_space<hbm>> -> memref<128xi32, #tpu.memory_space<hbm>>
      %dma_start3A_320 = tpu.memref_slice %arg3[%add3A_318] : memref<320000xi32, #tpu.memory_space<hbm>> -> memref<128xi32, #tpu.memory_space<hbm>>
      tpu.enqueue_dma source(%dma_start3A_320 : memref<128xi32, #tpu.memory_space<hbm>>) target(%arg7 : memref<128xi32, #tpu.memory_space<vmem>>) target_semaphore(%arg14 : memref<!tpu.dma_semaphore, #tpu.memory_space<semaphore_mem>>)
      %dma_start3A_321 = tpu.memref_slice %arg4[%add3A_318] : memref<320000xi32, #tpu.memory_space<hbm>> -> memref<128xi32, #tpu.memory_space<hbm>>
      %dma_start3A_322 = tpu.memref_slice %arg4[%add3A_318] : memref<320000xi32, #tpu.memory_space<hbm>> -> memref<128xi32, #tpu.memory_space<hbm>>
      tpu.enqueue_dma source(%dma_start3A_322 : memref<128xi32, #tpu.memory_space<hbm>>) target(%arg9 : memref<128xi32, #tpu.memory_space<vmem>>) target_semaphore(%arg14 : memref<!tpu.dma_semaphore, #tpu.memory_space<semaphore_mem>>)
      %add3A_323 = arith.constant 1 : i32
      %add3A_324 = arith.addi %mul3A_286, %add3A_323 : i32
      %dma_wait3A_325 = arith.constant 0 : i32
      %dma_wait3A_326 = arith.constant 0 : i32
      %dma_wait3A_327 = tpu.memref_slice %arg2[%dma_wait3A_325, %dma_wait3A_326] : memref<10240x128xf32, #tpu.memory_space<hbm>> -> memref<10240x128xf32, #tpu.memory_space<hbm>>
      tpu.wait_indirect_dma semaphore(%arg15 : memref<!tpu.dma_semaphore, #tpu.memory_space<semaphore_mem>>) src(%dma_wait3A_327 : memref<10240x128xf32, #tpu.memory_space<hbm>>) dst(%arg12 : memref<128x128xf32, #tpu.memory_space<vmem>>)
      %add3A_328 = arith.constant 1 : i32
      %add3A_329 = arith.addi %add3A_324, %add3A_328 : i32
      %sub3A_330 = arith.constant 1 : i32
      %sub3A_331 = arith.subi %sub3A_6, %sub3A_330 : i32
      %min3A_332 = arith.minsi %add3A_329, %sub3A_331 : i32
      %mul3A_333 = arith.constant 128 : i32
      %mul3A_334 = arith.muli %min3A_332, %mul3A_333 : i32
      %add3A_335 = arith.addi %mul3A_14, %mul3A_334 : i32
      %dma_wait3A_336 = tpu.memref_slice %arg3[%add3A_335] : memref<320000xi32, #tpu.memory_space<hbm>> -> memref<128xi32, #tpu.memory_space<hbm>>
      %dma_wait3A_337 = tpu.memref_slice %arg3[%add3A_335] : memref<320000xi32, #tpu.memory_space<hbm>> -> memref<128xi32, #tpu.memory_space<hbm>>
      tpu.wait_dma2 semaphore(%arg14 : memref<!tpu.dma_semaphore, #tpu.memory_space<semaphore_mem>>) src(%dma_wait3A_337 : memref<128xi32, #tpu.memory_space<hbm>>) dst(%arg7 : memref<128xi32, #tpu.memory_space<vmem>>)
      %dma_wait3A_338 = tpu.memref_slice %arg4[%add3A_335] : memref<320000xi32, #tpu.memory_space<hbm>> -> memref<128xi32, #tpu.memory_space<hbm>>
      %dma_wait3A_339 = tpu.memref_slice %arg4[%add3A_335] : memref<320000xi32, #tpu.memory_space<hbm>> -> memref<128xi32, #tpu.memory_space<hbm>>
      tpu.wait_dma2 semaphore(%arg14 : memref<!tpu.dma_semaphore, #tpu.memory_space<semaphore_mem>>) src(%dma_wait3A_339 : memref<128xi32, #tpu.memory_space<hbm>>) dst(%arg9 : memref<128xi32, #tpu.memory_space<vmem>>)
      %dma_start3A_340 = arith.constant 0 : i32
      %dma_start3A_341 = arith.constant 0 : i32
      %dma_start3A_342 = tpu.memref_slice %arg2[%dma_start3A_340, %dma_start3A_341] : memref<10240x128xf32, #tpu.memory_space<hbm>> -> memref<10240x128xf32, #tpu.memory_space<hbm>>
      tpu.enqueue_indirect_dma source(%dma_start3A_342 : memref<10240x128xf32, #tpu.memory_space<hbm>>) target(%arg11 : memref<128x128xf32, #tpu.memory_space<vmem>>) offsets(%arg7 : memref<128xi32, #tpu.memory_space<vmem>>) semaphore(%arg15 : memref<!tpu.dma_semaphore, #tpu.memory_space<semaphore_mem>>)
      %dma_start3A_343 = arith.constant 0 : i32
      %dma_start3A_344 = arith.constant 0 : i32
      %dma_start3A_345 = tpu.memref_slice %arg13[%dma_start3A_343, %dma_start3A_344] : memref<10240x128xf32, #tpu.memory_space<vmem_shared>> -> memref<10240x128xf32, #tpu.memory_space<vmem_shared>>
      tpu.enqueue_indirect_dma source(%arg12 : memref<128x128xf32, #tpu.memory_space<vmem>>) target(%dma_start3A_345 : memref<10240x128xf32, #tpu.memory_space<vmem_shared>>) offsets(%arg10 : memref<128xi32, #tpu.memory_space<vmem>>) semaphore(%arg16 : memref<!tpu.dma_semaphore, #tpu.memory_space<semaphore_mem>>) {add = true}
      %dma_wait3A_346 = arith.constant 0 : i32
      %dma_wait3A_347 = arith.constant 0 : i32
      %dma_wait3A_348 = tpu.memref_slice %arg13[%dma_wait3A_346, %dma_wait3A_347] : memref<10240x128xf32, #tpu.memory_space<vmem_shared>> -> memref<10240x128xf32, #tpu.memory_space<vmem_shared>>
      tpu.wait_indirect_dma semaphore(%arg16 : memref<!tpu.dma_semaphore, #tpu.memory_space<semaphore_mem>>) src(%arg12 : memref<128x128xf32, #tpu.memory_space<vmem>>) dst(%dma_wait3A_348 : memref<10240x128xf32, #tpu.memory_space<vmem_shared>>)
      %add3A_349 = arith.constant 2 : i32
      %add3A_350 = arith.addi %add3A_324, %add3A_349 : i32
      %sub3A_351 = arith.constant 1 : i32
      %sub3A_352 = arith.subi %sub3A_6, %sub3A_351 : i32
      %min3A_353 = arith.minsi %add3A_350, %sub3A_352 : i32
      %mul3A_354 = arith.constant 128 : i32
      %mul3A_355 = arith.muli %min3A_353, %mul3A_354 : i32
      %add3A_356 = arith.addi %mul3A_14, %mul3A_355 : i32
      %dma_start3A_357 = tpu.memref_slice %arg3[%add3A_356] : memref<320000xi32, #tpu.memory_space<hbm>> -> memref<128xi32, #tpu.memory_space<hbm>>
      %dma_start3A_358 = tpu.memref_slice %arg3[%add3A_356] : memref<320000xi32, #tpu.memory_space<hbm>> -> memref<128xi32, #tpu.memory_space<hbm>>
      tpu.enqueue_dma source(%dma_start3A_358 : memref<128xi32, #tpu.memory_space<hbm>>) target(%arg8 : memref<128xi32, #tpu.memory_space<vmem>>) target_semaphore(%arg14 : memref<!tpu.dma_semaphore, #tpu.memory_space<semaphore_mem>>)
      %dma_start3A_359 = tpu.memref_slice %arg4[%add3A_356] : memref<320000xi32, #tpu.memory_space<hbm>> -> memref<128xi32, #tpu.memory_space<hbm>>
      %dma_start3A_360 = tpu.memref_slice %arg4[%add3A_356] : memref<320000xi32, #tpu.memory_space<hbm>> -> memref<128xi32, #tpu.memory_space<hbm>>
      tpu.enqueue_dma source(%dma_start3A_360 : memref<128xi32, #tpu.memory_space<hbm>>) target(%arg10 : memref<128xi32, #tpu.memory_space<vmem>>) target_semaphore(%arg14 : memref<!tpu.dma_semaphore, #tpu.memory_space<semaphore_mem>>)
    }
    %while3A_136 = arith.constant 1 : i32
    scf.for %while3A_284 = %while3A_134 to %while3A_130 step %while3A_136  : i32 {
      %mul3A_285 = arith.constant 2 : i32
      %mul3A_286 = arith.muli %while3A_284, %mul3A_285 : i32
      %dma_wait3A_287 = arith.constant 0 : i32
      %dma_wait3A_288 = arith.constant 0 : i32
      %dma_wait3A_289 = tpu.memref_slice %arg2[%dma_wait3A_287, %dma_wait3A_288] : memref<10240x128xf32, #tpu.memory_space<hbm>> -> memref<10240x128xf32, #tpu.memory_space<hbm>>
      tpu.wait_indirect_dma semaphore(%arg15 : memref<!tpu.dma_semaphore, #tpu.memory_space<semaphore_mem>>) src(%dma_wait3A_289 : memref<10240x128xf32, #tpu.memory_space<hbm>>) dst(%arg11 : memref<128x128xf32, #tpu.memory_space<vmem>>)
      %add3A_290 = arith.constant 1 : i32
      %add3A_291 = arith.addi %mul3A_286, %add3A_290 : i32
      %sub3A_292 = arith.constant 1 : i32
      %sub3A_293 = arith.subi %sub3A_6, %sub3A_292 : i32
      %min3A_294 = arith.minsi %add3A_291, %sub3A_293 : i32
      %mul3A_295 = arith.constant 128 : i32
      %mul3A_296 = arith.muli %min3A_294, %mul3A_295 : i32
      %add3A_297 = arith.addi %mul3A_14, %mul3A_296 : i32
      %dma_wait3A_298 = tpu.memref_slice %arg3[%add3A_297] : memref<320000xi32, #tpu.memory_space<hbm>> -> memref<128xi32, #tpu.memory_space<hbm>>
      %dma_wait3A_299 = tpu.memref_slice %arg3[%add3A_297] : memref<320000xi32, #tpu.memory_space<hbm>> -> memref<128xi32, #tpu.memory_space<hbm>>
      tpu.wait_dma2 semaphore(%arg14 : memref<!tpu.dma_semaphore, #tpu.memory_space<semaphore_mem>>) src(%dma_wait3A_299 : memref<128xi32, #tpu.memory_space<hbm>>) dst(%arg8 : memref<128xi32, #tpu.memory_space<vmem>>)
      %dma_wait3A_300 = tpu.memref_slice %arg4[%add3A_297] : memref<320000xi32, #tpu.memory_space<hbm>> -> memref<128xi32, #tpu.memory_space<hbm>>
      %dma_wait3A_301 = tpu.memref_slice %arg4[%add3A_297] : memref<320000xi32, #tpu.memory_space<hbm>> -> memref<128xi32, #tpu.memory_space<hbm>>
      tpu.wait_dma2 semaphore(%arg14 : memref<!tpu.dma_semaphore, #tpu.memory_space<semaphore_mem>>) src(%dma_wait3A_301 : memref<128xi32, #tpu.memory_space<hbm>>) dst(%arg10 : memref<128xi32, #tpu.memory_space<vmem>>)
      %dma_start3A_302 = arith.constant 0 : i32
      %dma_start3A_303 = arith.constant 0 : i32
      %dma_start3A_304 = tpu.memref_slice %arg2[%dma_start3A_302, %dma_start3A_303] : memref<10240x128xf32, #tpu.memory_space<hbm>> -> memref<10240x128xf32, #tpu.memory_space<hbm>>
      tpu.enqueue_indirect_dma source(%dma_start3A_304 : memref<10240x128xf32, #tpu.memory_space<hbm>>) target(%arg12 : memref<128x128xf32, #tpu.memory_space<vmem>>) offsets(%arg8 : memref<128xi32, #tpu.memory_space<vmem>>) semaphore(%arg15 : memref<!tpu.dma_semaphore, #tpu.memory_space<semaphore_mem>>)
      %dma_start3A_305 = arith.constant 0 : i32
      %dma_start3A_306 = arith.constant 0 : i32
      %dma_start3A_307 = tpu.memref_slice %arg13[%dma_start3A_305, %dma_start3A_306] : memref<10240x128xf32, #tpu.memory_space<vmem_shared>> -> memref<10240x128xf32, #tpu.memory_space<vmem_shared>>
      tpu.enqueue_indirect_dma source(%arg11 : memref<128x128xf32, #tpu.memory_space<vmem>>) target(%dma_start3A_307 : memref<10240x128xf32, #tpu.memory_space<vmem_shared>>) offsets(%arg9 : memref<128xi32, #tpu.memory_space<vmem>>) semaphore(%arg16 : memref<!tpu.dma_semaphore, #tpu.memory_space<semaphore_mem>>) {add = true}
      %dma_wait3A_308 = arith.constant 0 : i32
      %dma_wait3A_309 = arith.constant 0 : i32
      %dma_wait3A_310 = tpu.memref_slice %arg13[%dma_wait3A_308, %dma_wait3A_309] : memref<10240x128xf32, #tpu.memory_space<vmem_shared>> -> memref<10240x128xf32, #tpu.memory_space<vmem_shared>>
      tpu.wait_indirect_dma semaphore(%arg16 : memref<!tpu.dma_semaphore, #tpu.memory_space<semaphore_mem>>) src(%arg11 : memref<128x128xf32, #tpu.memory_space<vmem>>) dst(%dma_wait3A_310 : memref<10240x128xf32, #tpu.memory_space<vmem_shared>>)
      %add3A_311 = arith.constant 2 : i32
      %add3A_312 = arith.addi %mul3A_286, %add3A_311 : i32
      %sub3A_313 = arith.constant 1 : i32
      %sub3A_314 = arith.subi %sub3A_6, %sub3A_313 : i32
      %min3A_315 = arith.minsi %add3A_312, %sub3A_314 : i32
      %mul3A_316 = arith.constant 128 : i32
      %mul3A_317 = arith.muli %min3A_315, %mul3A_316 : i32
      %add3A_318 = arith.addi %mul3A_14, %mul3A_317 : i32
      %dma_start3A_319 = tpu.memref_slice %arg3[%add3A_318] : memref<320000xi32, #tpu.memory_space<hbm>> -> memref<128xi32, #tpu.memory_space<hbm>>
      %dma_start3A_320 = tpu.memref_slice %arg3[%add3A_318] : memref<320000xi32, #tpu.memory_space<hbm>> -> memref<128xi32, #tpu.memory_space<hbm>>
      tpu.enqueue_dma source(%dma_start3A_320 : memref<128xi32, #tpu.memory_space<hbm>>) target(%arg7 : memref<128xi32, #tpu.memory_space<vmem>>) target_semaphore(%arg14 : memref<!tpu.dma_semaphore, #tpu.memory_space<semaphore_mem>>)
      %dma_start3A_321 = tpu.memref_slice %arg4[%add3A_318] : memref<320000xi32, #tpu.memory_space<hbm>> -> memref<128xi32, #tpu.memory_space<hbm>>
      %dma_start3A_322 = tpu.memref_slice %arg4[%add3A_318] : memref<320000xi32, #tpu.memory_space<hbm>> -> memref<128xi32, #tpu.memory_space<hbm>>
      tpu.enqueue_dma source(%dma_start3A_322 : memref<128xi32, #tpu.memory_space<hbm>>) target(%arg9 : memref<128xi32, #tpu.memory_space<vmem>>) target_semaphore(%arg14 : memref<!tpu.dma_semaphore, #tpu.memory_space<semaphore_mem>>)
      %add3A_323 = arith.constant 1 : i32
      %add3A_324 = arith.addi %mul3A_286, %add3A_323 : i32
      %dma_wait3A_325 = arith.constant 0 : i32
      %dma_wait3A_326 = arith.constant 0 : i32
      %dma_wait3A_327 = tpu.memref_slice %arg2[%dma_wait3A_325, %dma_wait3A_326] : memref<10240x128xf32, #tpu.memory_space<hbm>> -> memref<10240x128xf32, #tpu.memory_space<hbm>>
      tpu.wait_indirect_dma semaphore(%arg15 : memref<!tpu.dma_semaphore, #tpu.memory_space<semaphore_mem>>) src(%dma_wait3A_327 : memref<10240x128xf32, #tpu.memory_space<hbm>>) dst(%arg12 : memref<128x128xf32, #tpu.memory_space<vmem>>)
      %add3A_328 = arith.constant 1 : i32
      %add3A_329 = arith.addi %add3A_324, %add3A_328 : i32
      %sub3A_330 = arith.constant 1 : i32
      %sub3A_331 = arith.subi %sub3A_6, %sub3A_330 : i32
      %min3A_332 = arith.minsi %add3A_329, %sub3A_331 : i32
      %mul3A_333 = arith.constant 128 : i32
      %mul3A_334 = arith.muli %min3A_332, %mul3A_333 : i32
      %add3A_335 = arith.addi %mul3A_14, %mul3A_334 : i32
      %dma_wait3A_336 = tpu.memref_slice %arg3[%add3A_335] : memref<320000xi32, #tpu.memory_space<hbm>> -> memref<128xi32, #tpu.memory_space<hbm>>
      %dma_wait3A_337 = tpu.memref_slice %arg3[%add3A_335] : memref<320000xi32, #tpu.memory_space<hbm>> -> memref<128xi32, #tpu.memory_space<hbm>>
      tpu.wait_dma2 semaphore(%arg14 : memref<!tpu.dma_semaphore, #tpu.memory_space<semaphore_mem>>) src(%dma_wait3A_337 : memref<128xi32, #tpu.memory_space<hbm>>) dst(%arg7 : memref<128xi32, #tpu.memory_space<vmem>>)
      %dma_wait3A_338 = tpu.memref_slice %arg4[%add3A_335] : memref<320000xi32, #tpu.memory_space<hbm>> -> memref<128xi32, #tpu.memory_space<hbm>>
      %dma_wait3A_339 = tpu.memref_slice %arg4[%add3A_335] : memref<320000xi32, #tpu.memory_space<hbm>> -> memref<128xi32, #tpu.memory_space<hbm>>
      tpu.wait_dma2 semaphore(%arg14 : memref<!tpu.dma_semaphore, #tpu.memory_space<semaphore_mem>>) src(%dma_wait3A_339 : memref<128xi32, #tpu.memory_space<hbm>>) dst(%arg9 : memref<128xi32, #tpu.memory_space<vmem>>)
      %dma_start3A_340 = arith.constant 0 : i32
      %dma_start3A_341 = arith.constant 0 : i32
      %dma_start3A_342 = tpu.memref_slice %arg2[%dma_start3A_340, %dma_start3A_341] : memref<10240x128xf32, #tpu.memory_space<hbm>> -> memref<10240x128xf32, #tpu.memory_space<hbm>>
      tpu.enqueue_indirect_dma source(%dma_start3A_342 : memref<10240x128xf32, #tpu.memory_space<hbm>>) target(%arg11 : memref<128x128xf32, #tpu.memory_space<vmem>>) offsets(%arg7 : memref<128xi32, #tpu.memory_space<vmem>>) semaphore(%arg15 : memref<!tpu.dma_semaphore, #tpu.memory_space<semaphore_mem>>)
      %dma_start3A_343 = arith.constant 0 : i32
      %dma_start3A_344 = arith.constant 0 : i32
      %dma_start3A_345 = tpu.memref_slice %arg13[%dma_start3A_343, %dma_start3A_344] : memref<10240x128xf32, #tpu.memory_space<vmem_shared>> -> memref<10240x128xf32, #tpu.memory_space<vmem_shared>>
      tpu.enqueue_indirect_dma source(%arg12 : memref<128x128xf32, #tpu.memory_space<vmem>>) target(%dma_start3A_345 : memref<10240x128xf32, #tpu.memory_space<vmem_shared>>) offsets(%arg10 : memref<128xi32, #tpu.memory_space<vmem>>) semaphore(%arg16 : memref<!tpu.dma_semaphore, #tpu.memory_space<semaphore_mem>>) {add = true}
      %dma_wait3A_346 = arith.constant 0 : i32
      %dma_wait3A_347 = arith.constant 0 : i32
      %dma_wait3A_348 = tpu.memref_slice %arg13[%dma_wait3A_346, %dma_wait3A_347] : memref<10240x128xf32, #tpu.memory_space<vmem_shared>> -> memref<10240x128xf32, #tpu.memory_space<vmem_shared>>
      tpu.wait_indirect_dma semaphore(%arg16 : memref<!tpu.dma_semaphore, #tpu.memory_space<semaphore_mem>>) src(%arg12 : memref<128x128xf32, #tpu.memory_space<vmem>>) dst(%dma_wait3A_348 : memref<10240x128xf32, #tpu.memory_space<vmem_shared>>)
      %add3A_349 = arith.constant 2 : i32
      %add3A_350 = arith.addi %add3A_324, %add3A_349 : i32
      %sub3A_351 = arith.constant 1 : i32
      %sub3A_352 = arith.subi %sub3A_6, %sub3A_351 : i32
      %min3A_353 = arith.minsi %add3A_350, %sub3A_352 : i32
      %mul3A_354 = arith.constant 128 : i32
      %mul3A_355 = arith.muli %min3A_353, %mul3A_354 : i32
      %add3A_356 = arith.addi %mul3A_14, %mul3A_355 : i32
      %dma_start3A_357 = tpu.memref_slice %arg3[%add3A_356] : memref<320000xi32, #tpu.memory_space<hbm>> -> memref<128xi32, #tpu.memory_space<hbm>>
      %dma_start3A_358 = tpu.memref_slice %arg3[%add3A_356] : memref<320000xi32, #tpu.memory_space<hbm>> -> memref<128xi32, #tpu.memory_space<hbm>>
      tpu.enqueue_dma source(%dma_start3A_358 : memref<128xi32, #tpu.memory_space<hbm>>) target(%arg8 : memref<128xi32, #tpu.memory_space<vmem>>) target_semaphore(%arg14 : memref<!tpu.dma_semaphore, #tpu.memory_space<semaphore_mem>>)
      %dma_start3A_359 = tpu.memref_slice %arg4[%add3A_356] : memref<320000xi32, #tpu.memory_space<hbm>> -> memref<128xi32, #tpu.memory_space<hbm>>
      %dma_start3A_360 = tpu.memref_slice %arg4[%add3A_356] : memref<320000xi32, #tpu.memory_space<hbm>> -> memref<128xi32, #tpu.memory_space<hbm>>
      tpu.enqueue_dma source(%dma_start3A_360 : memref<128xi32, #tpu.memory_space<hbm>>) target(%arg10 : memref<128xi32, #tpu.memory_space<vmem>>) target_semaphore(%arg14 : memref<!tpu.dma_semaphore, #tpu.memory_space<semaphore_mem>>)
    }
    %sub3A_137 = arith.constant 1 : i32
    %sub3A_138 = arith.subi %sub3A_6, %sub3A_137 : i32
    %dma_wait3A_139 = arith.constant 0 : i32
    %dma_wait3A_140 = arith.constant 0 : i32
    %dma_wait3A_141 = tpu.memref_slice %arg2[%dma_wait3A_139, %dma_wait3A_140] : memref<10240x128xf32, #tpu.memory_space<hbm>> -> memref<10240x128xf32, #tpu.memory_space<hbm>>
    tpu.wait_indirect_dma semaphore(%arg15 : memref<!tpu.dma_semaphore, #tpu.memory_space<semaphore_mem>>) src(%dma_wait3A_141 : memref<10240x128xf32, #tpu.memory_space<hbm>>) dst(%arg11 : memref<128x128xf32, #tpu.memory_space<vmem>>)
    %add3A_142 = arith.constant 1 : i32
    %add3A_143 = arith.addi %sub3A_138, %add3A_142 : i32
    %sub3A_144 = arith.constant 1 : i32
    %sub3A_145 = arith.subi %sub3A_6, %sub3A_144 : i32
    %min3A_146 = arith.minsi %add3A_143, %sub3A_145 : i32
    %mul3A_147 = arith.constant 128 : i32
    %mul3A_148 = arith.muli %min3A_146, %mul3A_147 : i32
    %add3A_149 = arith.addi %mul3A_14, %mul3A_148 : i32
    %dma_wait3A_150 = tpu.memref_slice %arg3[%add3A_149] : memref<320000xi32, #tpu.memory_space<hbm>> -> memref<128xi32, #tpu.memory_space<hbm>>
    %dma_wait3A_151 = tpu.memref_slice %arg3[%add3A_149] : memref<320000xi32, #tpu.memory_space<hbm>> -> memref<128xi32, #tpu.memory_space<hbm>>
    tpu.wait_dma2 semaphore(%arg14 : memref<!tpu.dma_semaphore, #tpu.memory_space<semaphore_mem>>) src(%dma_wait3A_151 : memref<128xi32, #tpu.memory_space<hbm>>) dst(%arg8 : memref<128xi32, #tpu.memory_space<vmem>>)
    %dma_wait3A_152 = tpu.memref_slice %arg4[%add3A_149] : memref<320000xi32, #tpu.memory_space<hbm>> -> memref<128xi32, #tpu.memory_space<hbm>>
    %dma_wait3A_153 = tpu.memref_slice %arg4[%add3A_149] : memref<320000xi32, #tpu.memory_space<hbm>> -> memref<128xi32, #tpu.memory_space<hbm>>
    tpu.wait_dma2 semaphore(%arg14 : memref<!tpu.dma_semaphore, #tpu.memory_space<semaphore_mem>>) src(%dma_wait3A_153 : memref<128xi32, #tpu.memory_space<hbm>>) dst(%arg10 : memref<128xi32, #tpu.memory_space<vmem>>)
    %dma_start3A_154 = arith.constant 0 : i32
    %dma_start3A_155 = arith.constant 0 : i32
    %dma_start3A_156 = tpu.memref_slice %arg13[%dma_start3A_154, %dma_start3A_155] : memref<10240x128xf32, #tpu.memory_space<vmem_shared>> -> memref<10240x128xf32, #tpu.memory_space<vmem_shared>>
    tpu.enqueue_indirect_dma source(%arg11 : memref<128x128xf32, #tpu.memory_space<vmem>>) target(%dma_start3A_156 : memref<10240x128xf32, #tpu.memory_space<vmem_shared>>) offsets(%arg9 : memref<128xi32, #tpu.memory_space<vmem>>) semaphore(%arg16 : memref<!tpu.dma_semaphore, #tpu.memory_space<semaphore_mem>>) {add = true}
    %dma_wait3A_157 = arith.constant 0 : i32
    %dma_wait3A_158 = arith.constant 0 : i32
    %dma_wait3A_159 = tpu.memref_slice %arg13[%dma_wait3A_157, %dma_wait3A_158] : memref<10240x128xf32, #tpu.memory_space<vmem_shared>> -> memref<10240x128xf32, #tpu.memory_space<vmem_shared>>
    tpu.wait_indirect_dma semaphore(%arg16 : memref<!tpu.dma_semaphore, #tpu.memory_space<semaphore_mem>>) src(%arg11 : memref<128x128xf32, #tpu.memory_space<vmem>>) dst(%dma_wait3A_159 : memref<10240x128xf32, #tpu.memory_space<vmem_shared>>)
    %barrier3A_160 = arith.constant 0 : index
    tpu.barrier barrier_id(%barrier3A_160)
    %mul3A_161 = arith.constant 10240 : i32
    %mul3A_162 = arith.muli %arg0, %mul3A_161 : i32
    %add3A_163 = arith.addi %mul3A_162, %mul3A_0 : i32
    %add3A_164 = arith.constant 0 : i32
    %add3A_165 = arith.addi %mul3A_0, %add3A_164 : i32
    %dma_start3A_166 = arith.constant 0 : i32
    %dma_start3A_167 = tpu.memref_slice %arg13[%add3A_165, %dma_start3A_166] : memref<10240x128xf32, #tpu.memory_space<vmem_shared>> -> memref<128x128xf32, #tpu.memory_space<vmem_shared>>
    %dma_start3A_168 = arith.constant 0 : i32
    %dma_start3A_169 = tpu.memref_slice %arg13[%add3A_165, %dma_start3A_168] : memref<10240x128xf32, #tpu.memory_space<vmem_shared>> -> memref<128x128xf32, #tpu.memory_space<vmem_shared>>
    tpu.enqueue_dma source(%dma_start3A_169 : memref<128x128xf32, #tpu.memory_space<vmem_shared>>) target(%arg11 : memref<128x128xf32, #tpu.memory_space<vmem>>) target_semaphore(%arg15 : memref<!tpu.dma_semaphore, #tpu.memory_space<semaphore_mem>>)
    %add3A_170 = arith.constant 0 : i32
    %add3A_171 = arith.addi %mul3A_0, %add3A_170 : i32
    %dma_wait3A_172 = arith.constant 0 : i32
    %dma_wait3A_173 = tpu.memref_slice %arg13[%add3A_171, %dma_wait3A_172] : memref<10240x128xf32, #tpu.memory_space<vmem_shared>> -> memref<128x128xf32, #tpu.memory_space<vmem_shared>>
    %dma_wait3A_174 = arith.constant 0 : i32
    %dma_wait3A_175 = tpu.memref_slice %arg13[%add3A_171, %dma_wait3A_174] : memref<10240x128xf32, #tpu.memory_space<vmem_shared>> -> memref<128x128xf32, #tpu.memory_space<vmem_shared>>
    tpu.wait_dma2 semaphore(%arg15 : memref<!tpu.dma_semaphore, #tpu.memory_space<semaphore_mem>>) src(%dma_wait3A_175 : memref<128x128xf32, #tpu.memory_space<vmem_shared>>) dst(%arg11 : memref<128x128xf32, #tpu.memory_space<vmem>>)
    %add3A_176 = arith.constant 128 : i32
    %add3A_177 = arith.addi %mul3A_0, %add3A_176 : i32
    %dma_start3A_178 = arith.constant 0 : i32
    %dma_start3A_179 = tpu.memref_slice %arg13[%add3A_177, %dma_start3A_178] : memref<10240x128xf32, #tpu.memory_space<vmem_shared>> -> memref<128x128xf32, #tpu.memory_space<vmem_shared>>
    %dma_start3A_180 = arith.constant 0 : i32
    %dma_start3A_181 = tpu.memref_slice %arg13[%add3A_177, %dma_start3A_180] : memref<10240x128xf32, #tpu.memory_space<vmem_shared>> -> memref<128x128xf32, #tpu.memory_space<vmem_shared>>
    tpu.enqueue_dma source(%dma_start3A_181 : memref<128x128xf32, #tpu.memory_space<vmem_shared>>) target(%arg12 : memref<128x128xf32, #tpu.memory_space<vmem>>) target_semaphore(%arg15 : memref<!tpu.dma_semaphore, #tpu.memory_space<semaphore_mem>>)
    %add3A_182 = arith.constant 0 : i32
    %add3A_183 = arith.addi %add3A_163, %add3A_182 : i32
    %dma_start3A_184 = arith.constant 0 : i32
    %dma_start3A_185 = tpu.memref_slice %arg6[%add3A_183, %dma_start3A_184] : memref<20480x128xf32, #tpu.memory_space<hbm>> -> memref<128x128xf32, #tpu.memory_space<hbm>>
    %dma_start3A_186 = arith.constant 0 : i32
    %dma_start3A_187 = tpu.memref_slice %arg6[%add3A_183, %dma_start3A_186] : memref<20480x128xf32, #tpu.memory_space<hbm>> -> memref<128x128xf32, #tpu.memory_space<hbm>>
    tpu.enqueue_dma source(%arg11 : memref<128x128xf32, #tpu.memory_space<vmem>>) target(%dma_start3A_187 : memref<128x128xf32, #tpu.memory_space<hbm>>) target_semaphore(%arg16 : memref<!tpu.dma_semaphore, #tpu.memory_space<semaphore_mem>>)
    %add3A_188 = arith.constant 0 : i32
    %add3A_189 = arith.addi %add3A_163, %add3A_188 : i32
    %dma_wait3A_190 = arith.constant 0 : i32
    %dma_wait3A_191 = tpu.memref_slice %arg6[%add3A_189, %dma_wait3A_190] : memref<20480x128xf32, #tpu.memory_space<hbm>> -> memref<128x128xf32, #tpu.memory_space<hbm>>
    %dma_wait3A_192 = arith.constant 0 : i32
    %dma_wait3A_193 = tpu.memref_slice %arg6[%add3A_189, %dma_wait3A_192] : memref<20480x128xf32, #tpu.memory_space<hbm>> -> memref<128x128xf32, #tpu.memory_space<hbm>>
    tpu.wait_dma2 semaphore(%arg16 : memref<!tpu.dma_semaphore, #tpu.memory_space<semaphore_mem>>) src(%arg11 : memref<128x128xf32, #tpu.memory_space<vmem>>) dst(%dma_wait3A_193 : memref<128x128xf32, #tpu.memory_space<hbm>>)
    %add3A_194 = arith.constant 128 : i32
    %add3A_195 = arith.addi %mul3A_0, %add3A_194 : i32
    %dma_wait3A_196 = arith.constant 0 : i32
    %dma_wait3A_197 = tpu.memref_slice %arg13[%add3A_195, %dma_wait3A_196] : memref<10240x128xf32, #tpu.memory_space<vmem_shared>> -> memref<128x128xf32, #tpu.memory_space<vmem_shared>>
    %dma_wait3A_198 = arith.constant 0 : i32
    %dma_wait3A_199 = tpu.memref_slice %arg13[%add3A_195, %dma_wait3A_198] : memref<10240x128xf32, #tpu.memory_space<vmem_shared>> -> memref<128x128xf32, #tpu.memory_space<vmem_shared>>
    tpu.wait_dma2 semaphore(%arg15 : memref<!tpu.dma_semaphore, #tpu.memory_space<semaphore_mem>>) src(%dma_wait3A_199 : memref<128x128xf32, #tpu.memory_space<vmem_shared>>) dst(%arg12 : memref<128x128xf32, #tpu.memory_space<vmem>>)
    %add3A_200 = arith.constant 256 : i32
    %add3A_201 = arith.addi %mul3A_0, %add3A_200 : i32
    %dma_start3A_202 = arith.constant 0 : i32
    %dma_start3A_203 = tpu.memref_slice %arg13[%add3A_201, %dma_start3A_202] : memref<10240x128xf32, #tpu.memory_space<vmem_shared>> -> memref<128x128xf32, #tpu.memory_space<vmem_shared>>
    %dma_start3A_204 = arith.constant 0 : i32
    %dma_start3A_205 = tpu.memref_slice %arg13[%add3A_201, %dma_start3A_204] : memref<10240x128xf32, #tpu.memory_space<vmem_shared>> -> memref<128x128xf32, #tpu.memory_space<vmem_shared>>
    tpu.enqueue_dma source(%dma_start3A_205 : memref<128x128xf32, #tpu.memory_space<vmem_shared>>) target(%arg11 : memref<128x128xf32, #tpu.memory_space<vmem>>) target_semaphore(%arg15 : memref<!tpu.dma_semaphore, #tpu.memory_space<semaphore_mem>>)
    %add3A_206 = arith.constant 128 : i32
    %add3A_207 = arith.addi %add3A_163, %add3A_206 : i32
    %dma_start3A_208 = arith.constant 0 : i32
    %dma_start3A_209 = tpu.memref_slice %arg6[%add3A_207, %dma_start3A_208] : memref<20480x128xf32, #tpu.memory_space<hbm>> -> memref<128x128xf32, #tpu.memory_space<hbm>>
    %dma_start3A_210 = arith.constant 0 : i32
    %dma_start3A_211 = tpu.memref_slice %arg6[%add3A_207, %dma_start3A_210] : memref<20480x128xf32, #tpu.memory_space<hbm>> -> memref<128x128xf32, #tpu.memory_space<hbm>>
    tpu.enqueue_dma source(%arg12 : memref<128x128xf32, #tpu.memory_space<vmem>>) target(%dma_start3A_211 : memref<128x128xf32, #tpu.memory_space<hbm>>) target_semaphore(%arg16 : memref<!tpu.dma_semaphore, #tpu.memory_space<semaphore_mem>>)
    %add3A_212 = arith.constant 128 : i32
    %add3A_213 = arith.addi %add3A_163, %add3A_212 : i32
    %dma_wait3A_214 = arith.constant 0 : i32
    %dma_wait3A_215 = tpu.memref_slice %arg6[%add3A_213, %dma_wait3A_214] : memref<20480x128xf32, #tpu.memory_space<hbm>> -> memref<128x128xf32, #tpu.memory_space<hbm>>
    %dma_wait3A_216 = arith.constant 0 : i32
    %dma_wait3A_217 = tpu.memref_slice %arg6[%add3A_213, %dma_wait3A_216] : memref<20480x128xf32, #tpu.memory_space<hbm>> -> memref<128x128xf32, #tpu.memory_space<hbm>>
    tpu.wait_dma2 semaphore(%arg16 : memref<!tpu.dma_semaphore, #tpu.memory_space<semaphore_mem>>) src(%arg12 : memref<128x128xf32, #tpu.memory_space<vmem>>) dst(%dma_wait3A_217 : memref<128x128xf32, #tpu.memory_space<hbm>>)
    %add3A_218 = arith.constant 256 : i32
    %add3A_219 = arith.addi %mul3A_0, %add3A_218 : i32
    %dma_wait3A_220 = arith.constant 0 : i32
    %dma_wait3A_221 = tpu.memref_slice %arg13[%add3A_219, %dma_wait3A_220] : memref<10240x128xf32, #tpu.memory_space<vmem_shared>> -> memref<128x128xf32, #tpu.memory_space<vmem_shared>>
    %dma_wait3A_222 = arith.constant 0 : i32
    %dma_wait3A_223 = tpu.memref_slice %arg13[%add3A_219, %dma_wait3A_222] : memref<10240x128xf32, #tpu.memory_space<vmem_shared>> -> memref<128x128xf32, #tpu.memory_space<vmem_shared>>
    tpu.wait_dma2 semaphore(%arg15 : memref<!tpu.dma_semaphore, #tpu.memory_space<semaphore_mem>>) src(%dma_wait3A_223 : memref<128x128xf32, #tpu.memory_space<vmem_shared>>) dst(%arg11 : memref<128x128xf32, #tpu.memory_space<vmem>>)
    %add3A_224 = arith.constant 384 : i32
    %add3A_225 = arith.addi %mul3A_0, %add3A_224 : i32
    %dma_start3A_226 = arith.constant 0 : i32
    %dma_start3A_227 = tpu.memref_slice %arg13[%add3A_225, %dma_start3A_226] : memref<10240x128xf32, #tpu.memory_space<vmem_shared>> -> memref<128x128xf32, #tpu.memory_space<vmem_shared>>
    %dma_start3A_228 = arith.constant 0 : i32
    %dma_start3A_229 = tpu.memref_slice %arg13[%add3A_225, %dma_start3A_228] : memref<10240x128xf32, #tpu.memory_space<vmem_shared>> -> memref<128x128xf32, #tpu.memory_space<vmem_shared>>
    tpu.enqueue_dma source(%dma_start3A_229 : memref<128x128xf32, #tpu.memory_space<vmem_shared>>) target(%arg12 : memref<128x128xf32, #tpu.memory_space<vmem>>) target_semaphore(%arg15 : memref<!tpu.dma_semaphore, #tpu.memory_space<semaphore_mem>>)
    %add3A_230 = arith.constant 256 : i32
    %add3A_231 = arith.addi %add3A_163, %add3A_230 : i32
    %dma_start3A_232 = arith.constant 0 : i32
    %dma_start3A_233 = tpu.memref_slice %arg6[%add3A_231, %dma_start3A_232] : memref<20480x128xf32, #tpu.memory_space<hbm>> -> memref<128x128xf32, #tpu.memory_space<hbm>>
    %dma_start3A_234 = arith.constant 0 : i32
    %dma_start3A_235 = tpu.memref_slice %arg6[%add3A_231, %dma_start3A_234] : memref<20480x128xf32, #tpu.memory_space<hbm>> -> memref<128x128xf32, #tpu.memory_space<hbm>>
    tpu.enqueue_dma source(%arg11 : memref<128x128xf32, #tpu.memory_space<vmem>>) target(%dma_start3A_235 : memref<128x128xf32, #tpu.memory_space<hbm>>) target_semaphore(%arg16 : memref<!tpu.dma_semaphore, #tpu.memory_space<semaphore_mem>>)
    %add3A_236 = arith.constant 256 : i32
    %add3A_237 = arith.addi %add3A_163, %add3A_236 : i32
    %dma_wait3A_238 = arith.constant 0 : i32
    %dma_wait3A_239 = tpu.memref_slice %arg6[%add3A_237, %dma_wait3A_238] : memref<20480x128xf32, #tpu.memory_space<hbm>> -> memref<128x128xf32, #tpu.memory_space<hbm>>
    %dma_wait3A_240 = arith.constant 0 : i32
    %dma_wait3A_241 = tpu.memref_slice %arg6[%add3A_237, %dma_wait3A_240] : memref<20480x128xf32, #tpu.memory_space<hbm>> -> memref<128x128xf32, #tpu.memory_space<hbm>>
    tpu.wait_dma2 semaphore(%arg16 : memref<!tpu.dma_semaphore, #tpu.memory_space<semaphore_mem>>) src(%arg11 : memref<128x128xf32, #tpu.memory_space<vmem>>) dst(%dma_wait3A_241 : memref<128x128xf32, #tpu.memory_space<hbm>>)
    %add3A_242 = arith.constant 384 : i32
    %add3A_243 = arith.addi %mul3A_0, %add3A_242 : i32
    %dma_wait3A_244 = arith.constant 0 : i32
    %dma_wait3A_245 = tpu.memref_slice %arg13[%add3A_243, %dma_wait3A_244] : memref<10240x128xf32, #tpu.memory_space<vmem_shared>> -> memref<128x128xf32, #tpu.memory_space<vmem_shared>>
    %dma_wait3A_246 = arith.constant 0 : i32
    %dma_wait3A_247 = tpu.memref_slice %arg13[%add3A_243, %dma_wait3A_246] : memref<10240x128xf32, #tpu.memory_space<vmem_shared>> -> memref<128x128xf32, #tpu.memory_space<vmem_shared>>
    tpu.wait_dma2 semaphore(%arg15 : memref<!tpu.dma_semaphore, #tpu.memory_space<semaphore_mem>>) src(%dma_wait3A_247 : memref<128x128xf32, #tpu.memory_space<vmem_shared>>) dst(%arg12 : memref<128x128xf32, #tpu.memory_space<vmem>>)
    %add3A_248 = arith.constant 512 : i32
    %add3A_249 = arith.addi %mul3A_0, %add3A_248 : i32
    %dma_start3A_250 = arith.constant 0 : i32
    %dma_start3A_251 = tpu.memref_slice %arg13[%add3A_249, %dma_start3A_250] : memref<10240x128xf32, #tpu.memory_space<vmem_shared>> -> memref<128x128xf32, #tpu.memory_space<vmem_shared>>
    %dma_start3A_252 = arith.constant 0 : i32
    %dma_start3A_253 = tpu.memref_slice %arg13[%add3A_249, %dma_start3A_252] : memref<10240x128xf32, #tpu.memory_space<vmem_shared>> -> memref<128x128xf32, #tpu.memory_space<vmem_shared>>
    tpu.enqueue_dma source(%dma_start3A_253 : memref<128x128xf32, #tpu.memory_space<vmem_shared>>) target(%arg11 : memref<128x128xf32, #tpu.memory_space<vmem>>) target_semaphore(%arg15 : memref<!tpu.dma_semaphore, #tpu.memory_space<semaphore_mem>>)
    %add3A_254 = arith.constant 384 : i32
    %add3A_255 = arith.addi %add3A_163, %add3A_254 : i32
    %dma_start3A_256 = arith.constant 0 : i32
    %dma_start3A_257 = tpu.memref_slice %arg6[%add3A_255, %dma_start3A_256] : memref<20480x128xf32, #tpu.memory_space<hbm>> -> memref<128x128xf32, #tpu.memory_space<hbm>>
    %dma_start3A_258 = arith.constant 0 : i32
    %dma_start3A_259 = tpu.memref_slice %arg6[%add3A_255, %dma_start3A_258] : memref<20480x128xf32, #tpu.memory_space<hbm>> -> memref<128x128xf32, #tpu.memory_space<hbm>>
    tpu.enqueue_dma source(%arg12 : memref<128x128xf32, #tpu.memory_space<vmem>>) target(%dma_start3A_259 : memref<128x128xf32, #tpu.memory_space<hbm>>) target_semaphore(%arg16 : memref<!tpu.dma_semaphore, #tpu.memory_space<semaphore_mem>>)
    %add3A_260 = arith.constant 384 : i32
    %add3A_261 = arith.addi %add3A_163, %add3A_260 : i32
    %dma_wait3A_262 = arith.constant 0 : i32
    %dma_wait3A_263 = tpu.memref_slice %arg6[%add3A_261, %dma_wait3A_262] : memref<20480x128xf32, #tpu.memory_space<hbm>> -> memref<128x128xf32, #tpu.memory_space<hbm>>
    %dma_wait3A_264 = arith.constant 0 : i32
    %dma_wait3A_265 = tpu.memref_slice %arg6[%add3A_261, %dma_wait3A_264] : memref<20480x128xf32, #tpu.memory_space<hbm>> -> memref<128x128xf32, #tpu.memory_space<hbm>>
    tpu.wait_dma2 semaphore(%arg16 : memref<!tpu.dma_semaphore, #tpu.memory_space<semaphore_mem>>) src(%arg12 : memref<128x128xf32, #tpu.memory_space<vmem>>) dst(%dma_wait3A_265 : memref<128x128xf32, #tpu.memory_space<hbm>>)
    %add3A_266 = arith.constant 512 : i32
    %add3A_267 = arith.addi %mul3A_0, %add3A_266 : i32
    %dma_wait3A_268 = arith.constant 0 : i32
    %dma_wait3A_269 = tpu.memref_slice %arg13[%add3A_267, %dma_wait3A_268] : memref<10240x128xf32, #tpu.memory_space<vmem_shared>> -> memref<128x128xf32, #tpu.memory_space<vmem_shared>>
    %dma_wait3A_270 = arith.constant 0 : i32
    %dma_wait3A_271 = tpu.memref_slice %arg13[%add3A_267, %dma_wait3A_270] : memref<10240x128xf32, #tpu.memory_space<vmem_shared>> -> memref<128x128xf32, #tpu.memory_space<vmem_shared>>
    tpu.wait_dma2 semaphore(%arg15 : memref<!tpu.dma_semaphore, #tpu.memory_space<semaphore_mem>>) src(%dma_wait3A_271 : memref<128x128xf32, #tpu.memory_space<vmem_shared>>) dst(%arg11 : memref<128x128xf32, #tpu.memory_space<vmem>>)
    %add3A_272 = arith.constant 512 : i32
    %add3A_273 = arith.addi %add3A_163, %add3A_272 : i32
    %dma_start3A_274 = arith.constant 0 : i32
    %dma_start3A_275 = tpu.memref_slice %arg6[%add3A_273, %dma_start3A_274] : memref<20480x128xf32, #tpu.memory_space<hbm>> -> memref<128x128xf32, #tpu.memory_space<hbm>>
    %dma_start3A_276 = arith.constant 0 : i32
    %dma_start3A_277 = tpu.memref_slice %arg6[%add3A_273, %dma_start3A_276] : memref<20480x128xf32, #tpu.memory_space<hbm>> -> memref<128x128xf32, #tpu.memory_space<hbm>>
    tpu.enqueue_dma source(%arg11 : memref<128x128xf32, #tpu.memory_space<vmem>>) target(%dma_start3A_277 : memref<128x128xf32, #tpu.memory_space<hbm>>) target_semaphore(%arg16 : memref<!tpu.dma_semaphore, #tpu.memory_space<semaphore_mem>>)
    %add3A_278 = arith.constant 512 : i32
    %add3A_279 = arith.addi %add3A_163, %add3A_278 : i32
    %dma_wait3A_280 = arith.constant 0 : i32
    %dma_wait3A_281 = tpu.memref_slice %arg6[%add3A_279, %dma_wait3A_280] : memref<20480x128xf32, #tpu.memory_space<hbm>> -> memref<128x128xf32, #tpu.memory_space<hbm>>
    %dma_wait3A_282 = arith.constant 0 : i32
    %dma_wait3A_283 = tpu.memref_slice %arg6[%add3A_279, %dma_wait3A_282] : memref<20480x128xf32, #tpu.memory_space<hbm>> -> memref<128x128xf32, #tpu.memory_space<hbm>>
    tpu.wait_dma2 semaphore(%arg16 : memref<!tpu.dma_semaphore, #tpu.memory_space<semaphore_mem>>) src(%arg11 : memref<128x128xf32, #tpu.memory_space<vmem>>) dst(%dma_wait3A_283 : memref<128x128xf32, #tpu.memory_space<hbm>>)
    return
  }
}

#map = affine_map<(d0, d1) -> (0, 0)>
#map1 = affine_map<(d0, d1) -> (0)>
module attributes {stable_mosaic.version = 14 : i64} {
  func.func @k(%arg0: i32, %arg1: i32, %arg2: memref<10240x128xf32, #tpu.memory_space<hbm>>, %arg3: memref<320000xi32, #tpu.memory_space<hbm>>, %arg4: memref<320000xi32, #tpu.memory_space<hbm>>, %arg5: memref<128x128xf32, #tpu.memory_space<hbm>>, %arg6: memref<20480x128xf32, #tpu.memory_space<hbm>>, %arg7: memref<128xi32, #tpu.memory_space<vmem>>, %arg8: memref<128xi32, #tpu.memory_space<vmem>>, %arg9: memref<128xi32, #tpu.memory_space<vmem>>, %arg10: memref<128xi32, #tpu.memory_space<vmem>>, %arg11: memref<128x128xf32, #tpu.memory_space<vmem>>, %arg12: memref<128x128xf32, #tpu.memory_space<vmem>>, %arg13: memref<10240x128xf32, #tpu.memory_space<vmem_shared>>, %arg14: memref<!tpu.dma_semaphore, #tpu.memory_space<semaphore_mem>>, %arg15: memref<!tpu.dma_semaphore, #tpu.memory_space<semaphore_mem>>, %arg16: memref<!tpu.dma_semaphore, #tpu.memory_space<semaphore_mem>>) attributes {dimension_semantics = [#tpu.dimension_semantics<core_parallel>, #tpu.dimension_semantics<subcore_parallel>], iteration_bounds = array<i64: 2, 16>, scalar_prefetch = 0 : i64, scratch_operands = 10 : i64, tpu.core_type = #tpu.core_type<sc_vector_subcore>, window_params = [{transform_indices = #map}, {transform_indices = #map1}, {transform_indices = #map1}, {transform_indices = #map}, {transform_indices = #map}]} {
    %mul3A = arith.constant 640 : i32
    %mul3A_0 = arith.muli %arg1, %mul3A : i32
    %mul3A_1 = arith.constant 16 : i32
    %mul3A_2 = arith.muli %arg0, %mul3A_1 : i32
    %add3A = arith.addi %mul3A_2, %arg1 : i32
    %ge3A = arith.constant 18 : i32
    %ge3A_3 = arith.cmpi sge, %add3A, %ge3A : i32
    %convert_element_type3A = arith.extui %ge3A_3 : i1 to i32
    %mul3A_4 = arith.constant 2 : i32
    %mul3A_5 = arith.muli %mul3A_4, %convert_element_type3A : i32
    %sub3A = arith.constant 79 : i32
    %sub3A_6 = arith.subi %sub3A, %mul3A_5 : i32
    %mul3A_7 = arith.constant 77 : i32
    %mul3A_8 = arith.muli %mul3A_7, %add3A : i32
    %min3A = arith.constant 18 : i32
    %min3A_9 = arith.minsi %add3A, %min3A : i32
    %mul3A_10 = arith.constant 2 : i32
    %mul3A_11 = arith.muli %mul3A_10, %min3A_9 : i32
    %add3A_12 = arith.addi %mul3A_8, %mul3A_11 : i32
    %mul3A_13 = arith.constant 128 : i32
    %mul3A_14 = arith.muli %add3A_12, %mul3A_13 : i32
    "tpu.region"() ({
      %run_scoped3A = tpu.sem_alloc : memref<!tpu.dma_semaphore, #tpu.memory_space<semaphore_mem>>
      tpu.enqueue_dma source(%arg5 : memref<128x128xf32, #tpu.memory_space<hbm>>) target(%arg11 : memref<128x128xf32, #tpu.memory_space<vmem>>) target_semaphore(%run_scoped3A : memref<!tpu.dma_semaphore, #tpu.memory_space<semaphore_mem>>)
      tpu.wait_dma2 semaphore(%run_scoped3A : memref<!tpu.dma_semaphore, #tpu.memory_space<semaphore_mem>>) src(%arg5 : memref<128x128xf32, #tpu.memory_space<hbm>>) dst(%arg11 : memref<128x128xf32, #tpu.memory_space<vmem>>)
      tpu.yield
    }) : () -> ()
    %add3A_15 = arith.constant 0 : i32
    %add3A_16 = arith.addi %mul3A_0, %add3A_15 : i32
    %dma_start3A = arith.constant 0 : i32
    %dma_start3A_17 = tpu.memref_slice %arg13[%add3A_16, %dma_start3A] : memref<10240x128xf32, #tpu.memory_space<vmem_shared>> -> memref<128x128xf32, #tpu.memory_space<vmem_shared>>
    %dma_start3A_18 = arith.constant 0 : i32
    %dma_start3A_19 = tpu.memref_slice %arg13[%add3A_16, %dma_start3A_18] : memref<10240x128xf32, #tpu.memory_space<vmem_shared>> -> memref<128x128xf32, #tpu.memory_space<vmem_shared>>
    tpu.enqueue_dma source(%arg11 : memref<128x128xf32, #tpu.memory_space<vmem>>) target(%dma_start3A_19 : memref<128x128xf32, #tpu.memory_space<vmem_shared>>) target_semaphore(%arg16 : memref<!tpu.dma_semaphore, #tpu.memory_space<semaphore_mem>>)
    %add3A_20 = arith.constant 128 : i32
    %add3A_21 = arith.addi %mul3A_0, %add3A_20 : i32
    %dma_start3A_22 = arith.constant 0 : i32
    %dma_start3A_23 = tpu.memref_slice %arg13[%add3A_21, %dma_start3A_22] : memref<10240x128xf32, #tpu.memory_space<vmem_shared>> -> memref<128x128xf32, #tpu.memory_space<vmem_shared>>
    %dma_start3A_24 = arith.constant 0 : i32
    %dma_start3A_25 = tpu.memref_slice %arg13[%add3A_21, %dma_start3A_24] : memref<10240x128xf32, #tpu.memory_space<vmem_shared>> -> memref<128x128xf32, #tpu.memory_space<vmem_shared>>
    tpu.enqueue_dma source(%arg11 : memref<128x128xf32, #tpu.memory_space<vmem>>) target(%dma_start3A_25 : memref<128x128xf32, #tpu.memory_space<vmem_shared>>) target_semaphore(%arg16 : memref<!tpu.dma_semaphore, #tpu.memory_space<semaphore_mem>>)
    %add3A_26 = arith.constant 256 : i32
    %add3A_27 = arith.addi %mul3A_0, %add3A_26 : i32
    %dma_start3A_28 = arith.constant 0 : i32
    %dma_start3A_29 = tpu.memref_slice %arg13[%add3A_27, %dma_start3A_28] : memref<10240x128xf32, #tpu.memory_space<vmem_shared>> -> memref<128x128xf32, #tpu.memory_space<vmem_shared>>
    %dma_start3A_30 = arith.constant 0 : i32
    %dma_start3A_31 = tpu.memref_slice %arg13[%add3A_27, %dma_start3A_30] : memref<10240x128xf32, #tpu.memory_space<vmem_shared>> -> memref<128x128xf32, #tpu.memory_space<vmem_shared>>
    tpu.enqueue_dma source(%arg11 : memref<128x128xf32, #tpu.memory_space<vmem>>) target(%dma_start3A_31 : memref<128x128xf32, #tpu.memory_space<vmem_shared>>) target_semaphore(%arg16 : memref<!tpu.dma_semaphore, #tpu.memory_space<semaphore_mem>>)
    %add3A_32 = arith.constant 384 : i32
    %add3A_33 = arith.addi %mul3A_0, %add3A_32 : i32
    %dma_start3A_34 = arith.constant 0 : i32
    %dma_start3A_35 = tpu.memref_slice %arg13[%add3A_33, %dma_start3A_34] : memref<10240x128xf32, #tpu.memory_space<vmem_shared>> -> memref<128x128xf32, #tpu.memory_space<vmem_shared>>
    %dma_start3A_36 = arith.constant 0 : i32
    %dma_start3A_37 = tpu.memref_slice %arg13[%add3A_33, %dma_start3A_36] : memref<10240x128xf32, #tpu.memory_space<vmem_shared>> -> memref<128x128xf32, #tpu.memory_space<vmem_shared>>
    tpu.enqueue_dma source(%arg11 : memref<128x128xf32, #tpu.memory_space<vmem>>) target(%dma_start3A_37 : memref<128x128xf32, #tpu.memory_space<vmem_shared>>) target_semaphore(%arg16 : memref<!tpu.dma_semaphore, #tpu.memory_space<semaphore_mem>>)
    %add3A_38 = arith.constant 512 : i32
    %add3A_39 = arith.addi %mul3A_0, %add3A_38 : i32
    %dma_start3A_40 = arith.constant 0 : i32
    %dma_start3A_41 = tpu.memref_slice %arg13[%add3A_39, %dma_start3A_40] : memref<10240x128xf32, #tpu.memory_space<vmem_shared>> -> memref<128x128xf32, #tpu.memory_space<vmem_shared>>
    %dma_start3A_42 = arith.constant 0 : i32
    %dma_start3A_43 = tpu.memref_slice %arg13[%add3A_39, %dma_start3A_42] : memref<10240x128xf32, #tpu.memory_space<vmem_shared>> -> memref<128x128xf32, #tpu.memory_space<vmem_shared>>
    tpu.enqueue_dma source(%arg11 : memref<128x128xf32, #tpu.memory_space<vmem>>) target(%dma_start3A_43 : memref<128x128xf32, #tpu.memory_space<vmem_shared>>) target_semaphore(%arg16 : memref<!tpu.dma_semaphore, #tpu.memory_space<semaphore_mem>>)
    %add3A_44 = arith.constant 0 : i32
    %add3A_45 = arith.addi %mul3A_0, %add3A_44 : i32
    %dma_wait3A = arith.constant 0 : i32
    %dma_wait3A_46 = tpu.memref_slice %arg13[%add3A_45, %dma_wait3A] : memref<10240x128xf32, #tpu.memory_space<vmem_shared>> -> memref<128x128xf32, #tpu.memory_space<vmem_shared>>
    %dma_wait3A_47 = arith.constant 0 : i32
    %dma_wait3A_48 = tpu.memref_slice %arg13[%add3A_45, %dma_wait3A_47] : memref<10240x128xf32, #tpu.memory_space<vmem_shared>> -> memref<128x128xf32, #tpu.memory_space<vmem_shared>>
    tpu.wait_dma2 semaphore(%arg16 : memref<!tpu.dma_semaphore, #tpu.memory_space<semaphore_mem>>) src(%arg11 : memref<128x128xf32, #tpu.memory_space<vmem>>) dst(%dma_wait3A_48 : memref<128x128xf32, #tpu.memory_space<vmem_shared>>)
    %add3A_49 = arith.constant 128 : i32
    %add3A_50 = arith.addi %mul3A_0, %add3A_49 : i32
    %dma_wait3A_51 = arith.constant 0 : i32
    %dma_wait3A_52 = tpu.memref_slice %arg13[%add3A_50, %dma_wait3A_51] : memref<10240x128xf32, #tpu.memory_space<vmem_shared>> -> memref<128x128xf32, #tpu.memory_space<vmem_shared>>
    %dma_wait3A_53 = arith.constant 0 : i32
    %dma_wait3A_54 = tpu.memref_slice %arg13[%add3A_50, %dma_wait3A_53] : memref<10240x128xf32, #tpu.memory_space<vmem_shared>> -> memref<128x128xf32, #tpu.memory_space<vmem_shared>>
    tpu.wait_dma2 semaphore(%arg16 : memref<!tpu.dma_semaphore, #tpu.memory_space<semaphore_mem>>) src(%arg11 : memref<128x128xf32, #tpu.memory_space<vmem>>) dst(%dma_wait3A_54 : memref<128x128xf32, #tpu.memory_space<vmem_shared>>)
    %add3A_55 = arith.constant 256 : i32
    %add3A_56 = arith.addi %mul3A_0, %add3A_55 : i32
    %dma_wait3A_57 = arith.constant 0 : i32
    %dma_wait3A_58 = tpu.memref_slice %arg13[%add3A_56, %dma_wait3A_57] : memref<10240x128xf32, #tpu.memory_space<vmem_shared>> -> memref<128x128xf32, #tpu.memory_space<vmem_shared>>
    %dma_wait3A_59 = arith.constant 0 : i32
    %dma_wait3A_60 = tpu.memref_slice %arg13[%add3A_56, %dma_wait3A_59] : memref<10240x128xf32, #tpu.memory_space<vmem_shared>> -> memref<128x128xf32, #tpu.memory_space<vmem_shared>>
    tpu.wait_dma2 semaphore(%arg16 : memref<!tpu.dma_semaphore, #tpu.memory_space<semaphore_mem>>) src(%arg11 : memref<128x128xf32, #tpu.memory_space<vmem>>) dst(%dma_wait3A_60 : memref<128x128xf32, #tpu.memory_space<vmem_shared>>)
    %add3A_61 = arith.constant 384 : i32
    %add3A_62 = arith.addi %mul3A_0, %add3A_61 : i32
    %dma_wait3A_63 = arith.constant 0 : i32
    %dma_wait3A_64 = tpu.memref_slice %arg13[%add3A_62, %dma_wait3A_63] : memref<10240x128xf32, #tpu.memory_space<vmem_shared>> -> memref<128x128xf32, #tpu.memory_space<vmem_shared>>
    %dma_wait3A_65 = arith.constant 0 : i32
    %dma_wait3A_66 = tpu.memref_slice %arg13[%add3A_62, %dma_wait3A_65] : memref<10240x128xf32, #tpu.memory_space<vmem_shared>> -> memref<128x128xf32, #tpu.memory_space<vmem_shared>>
    tpu.wait_dma2 semaphore(%arg16 : memref<!tpu.dma_semaphore, #tpu.memory_space<semaphore_mem>>) src(%arg11 : memref<128x128xf32, #tpu.memory_space<vmem>>) dst(%dma_wait3A_66 : memref<128x128xf32, #tpu.memory_space<vmem_shared>>)
    %add3A_67 = arith.constant 512 : i32
    %add3A_68 = arith.addi %mul3A_0, %add3A_67 : i32
    %dma_wait3A_69 = arith.constant 0 : i32
    %dma_wait3A_70 = tpu.memref_slice %arg13[%add3A_68, %dma_wait3A_69] : memref<10240x128xf32, #tpu.memory_space<vmem_shared>> -> memref<128x128xf32, #tpu.memory_space<vmem_shared>>
    %dma_wait3A_71 = arith.constant 0 : i32
    %dma_wait3A_72 = tpu.memref_slice %arg13[%add3A_68, %dma_wait3A_71] : memref<10240x128xf32, #tpu.memory_space<vmem_shared>> -> memref<128x128xf32, #tpu.memory_space<vmem_shared>>
    tpu.wait_dma2 semaphore(%arg16 : memref<!tpu.dma_semaphore, #tpu.memory_space<semaphore_mem>>) src(%arg11 : memref<128x128xf32, #tpu.memory_space<vmem>>) dst(%dma_wait3A_72 : memref<128x128xf32, #tpu.memory_space<vmem_shared>>)
    %barrier3A = arith.constant 0 : index
    tpu.barrier barrier_id(%barrier3A)
    %sub3A_73 = arith.constant 1 : i32
    %sub3A_74 = arith.subi %sub3A_6, %sub3A_73 : i32
    %min3A_75 = arith.constant 0 : i32
    %min3A_76 = arith.minsi %min3A_75, %sub3A_74 : i32
    %mul3A_77 = arith.constant 128 : i32
    %mul3A_78 = arith.muli %min3A_76, %mul3A_77 : i32
    %add3A_79 = arith.addi %mul3A_14, %mul3A_78 : i32
    %dma_start3A_80 = tpu.memref_slice %arg3[%add3A_79] : memref<320000xi32, #tpu.memory_space<hbm>> -> memref<128xi32, #tpu.memory_space<hbm>>
    %dma_start3A_81 = tpu.memref_slice %arg3[%add3A_79] : memref<320000xi32, #tpu.memory_space<hbm>> -> memref<128xi32, #tpu.memory_space<hbm>>
    tpu.enqueue_dma source(%dma_start3A_81 : memref<128xi32, #tpu.memory_space<hbm>>) target(%arg7 : memref<128xi32, #tpu.memory_space<vmem>>) target_semaphore(%arg14 : memref<!tpu.dma_semaphore, #tpu.memory_space<semaphore_mem>>)
    %dma_start3A_82 = tpu.memref_slice %arg4[%add3A_79] : memref<320000xi32, #tpu.memory_space<hbm>> -> memref<128xi32, #tpu.memory_space<hbm>>
    %dma_start3A_83 = tpu.memref_slice %arg4[%add3A_79] : memref<320000xi32, #tpu.memory_space<hbm>> -> memref<128xi32, #tpu.memory_space<hbm>>
    tpu.enqueue_dma source(%dma_start3A_83 : memref<128xi32, #tpu.memory_space<hbm>>) target(%arg9 : memref<128xi32, #tpu.memory_space<vmem>>) target_semaphore(%arg14 : memref<!tpu.dma_semaphore, #tpu.memory_space<semaphore_mem>>)
    %sub3A_84 = arith.constant 1 : i32
    %sub3A_85 = arith.subi %sub3A_6, %sub3A_84 : i32
    %min3A_86 = arith.constant 0 : i32
    %min3A_87 = arith.minsi %min3A_86, %sub3A_85 : i32
    %mul3A_88 = arith.constant 128 : i32
    %mul3A_89 = arith.muli %min3A_87, %mul3A_88 : i32
    %add3A_90 = arith.addi %mul3A_14, %mul3A_89 : i32
    %dma_wait3A_91 = tpu.memref_slice %arg3[%add3A_90] : memref<320000xi32, #tpu.memory_space<hbm>> -> memref<128xi32, #tpu.memory_space<hbm>>
    %dma_wait3A_92 = tpu.memref_slice %arg3[%add3A_90] : memref<320000xi32, #tpu.memory_space<hbm>> -> memref<128xi32, #tpu.memory_space<hbm>>
    tpu.wait_dma2 semaphore(%arg14 : memref<!tpu.dma_semaphore, #tpu.memory_space<semaphore_mem>>) src(%dma_wait3A_92 : memref<128xi32, #tpu.memory_space<hbm>>) dst(%arg7 : memref<128xi32, #tpu.memory_space<vmem>>)
    %dma_wait3A_93 = tpu.memref_slice %arg4[%add3A_90] : memref<320000xi32, #tpu.memory_space<hbm>> -> memref<128xi32, #tpu.memory_space<hbm>>
    %dma_wait3A_94 = tpu.memref_slice %arg4[%add3A_90] : memref<320000xi32, #tpu.memory_space<hbm>> -> memref<128xi32, #tpu.memory_space<hbm>>
    tpu.wait_dma2 semaphore(%arg14 : memref<!tpu.dma_semaphore, #tpu.memory_space<semaphore_mem>>) src(%dma_wait3A_94 : memref<128xi32, #tpu.memory_space<hbm>>) dst(%arg9 : memref<128xi32, #tpu.memory_space<vmem>>)
    %dma_start3A_95 = arith.constant 0 : i32
    %dma_start3A_96 = arith.constant 0 : i32
    %dma_start3A_97 = tpu.memref_slice %arg2[%dma_start3A_95, %dma_start3A_96] : memref<10240x128xf32, #tpu.memory_space<hbm>> -> memref<10240x128xf32, #tpu.memory_space<hbm>>
    tpu.enqueue_indirect_dma source(%dma_start3A_97 : memref<10240x128xf32, #tpu.memory_space<hbm>>) target(%arg11 : memref<128x128xf32, #tpu.memory_space<vmem>>) offsets(%arg7 : memref<128xi32, #tpu.memory_space<vmem>>) semaphore(%arg15 : memref<!tpu.dma_semaphore, #tpu.memory_space<semaphore_mem>>)
    %sub3A_98 = arith.constant 1 : i32
    %sub3A_99 = arith.subi %sub3A_6, %sub3A_98 : i32
    %min3A_100 = arith.constant 1 : i32
    %min3A_101 = arith.minsi %min3A_100, %sub3A_99 : i32
    %mul3A_102 = arith.constant 128 : i32
    %mul3A_103 = arith.muli %min3A_101, %mul3A_102 : i32
    %add3A_104 = arith.addi %mul3A_14, %mul3A_103 : i32
    %dma_start3A_105 = tpu.memref_slice %arg3[%add3A_104] : memref<320000xi32, #tpu.memory_space<hbm>> -> memref<128xi32, #tpu.memory_space<hbm>>
    %dma_start3A_106 = tpu.memref_slice %arg3[%add3A_104] : memref<320000xi32, #tpu.memory_space<hbm>> -> memref<128xi32, #tpu.memory_space<hbm>>
    tpu.enqueue_dma source(%dma_start3A_106 : memref<128xi32, #tpu.memory_space<hbm>>) target(%arg8 : memref<128xi32, #tpu.memory_space<vmem>>) target_semaphore(%arg14 : memref<!tpu.dma_semaphore, #tpu.memory_space<semaphore_mem>>)
    %dma_start3A_107 = tpu.memref_slice %arg4[%add3A_104] : memref<320000xi32, #tpu.memory_space<hbm>> -> memref<128xi32, #tpu.memory_space<hbm>>
    %dma_start3A_108 = tpu.memref_slice %arg4[%add3A_104] : memref<320000xi32, #tpu.memory_space<hbm>> -> memref<128xi32, #tpu.memory_space<hbm>>
    tpu.enqueue_dma source(%dma_start3A_108 : memref<128xi32, #tpu.memory_space<hbm>>) target(%arg10 : memref<128xi32, #tpu.memory_space<vmem>>) target_semaphore(%arg14 : memref<!tpu.dma_semaphore, #tpu.memory_space<semaphore_mem>>)
    %sub3A_109 = arith.constant 1 : i32
    %sub3A_110 = arith.subi %sub3A_6, %sub3A_109 : i32
    %jit3A = arith.constant 2 : i32
    %div3A = arith.divsi %sub3A_110, %jit3A : i32
    %sign3A = arith.constant 0 : i32
    %sign3A_111 = arith.cmpi sgt, %sub3A_110, %sign3A : i32
    %sign3A_112 = arith.extui %sign3A_111 : i1 to i32
    %sign3A_113 = arith.constant 0 : i32
    %sign3A_114 = arith.cmpi slt, %sub3A_110, %sign3A_113 : i32
    %sign3A_115 = arith.extui %sign3A_114 : i1 to i32
    %sign3A_116 = arith.subi %sign3A_112, %sign3A_115 : i32
    %sign3A_117 = arith.constant 0 : i32
    %sign3A_118 = arith.cmpi sgt, %jit3A, %sign3A_117 : i32
    %sign3A_119 = arith.extui %sign3A_118 : i1 to i32
    %sign3A_120 = arith.constant 0 : i32
    %sign3A_121 = arith.cmpi slt, %jit3A, %sign3A_120 : i32
    %sign3A_122 = arith.extui %sign3A_121 : i1 to i32
    %sign3A_123 = arith.subi %sign3A_119, %sign3A_122 : i32
    %ne3A = arith.cmpi ne, %sign3A_116, %sign3A_123 : i32
    %rem3A = arith.remsi %sub3A_110, %jit3A : i32
    %ne3A_124 = arith.constant 0 : i32
    %ne3A_125 = arith.cmpi ne, %rem3A, %ne3A_124 : i32
    %and3A = arith.andi %ne3A, %ne3A_125 : i1
    %sub3A_126 = arith.constant 1 : i32
    %sub3A_127 = arith.subi %div3A, %sub3A_126 : i32
    %select_n3A = arith.select %and3A, %sub3A_127, %div3A : i32
    %while3A = arith.constant 0 : i32
    %while3A_128 = arith.constant 0 : i32
    %while3A_129 = arith.subi %select_n3A, %while3A_128 : i32
    %while3A_130 = arith.addi %while3A_128, %while3A_129 : i32
    %while3A_131 = arith.constant 1 : i32
    %while3A_132 = arith.divsi %while3A_129, %while3A_131 : i32
    %while3A_133 = arith.muli %while3A_132, %while3A_131 : i32
    %while3A_134 = arith.addi %while3A_128, %while3A_133 : i32
    %while3A_135 = arith.constant 1 : i32
    scf.for %while3A_284 = %while3A_128 to %while3A_134 step %while3A_135  : i32 {
      %mul3A_285 = arith.constant 2 : i32
      %mul3A_286 = arith.muli %while3A_284, %mul3A_285 : i32
      %dma_wait3A_287 = arith.constant 0 : i32
      %dma_wait3A_288 = arith.constant 0 : i32
      %dma_wait3A_289 = tpu.memref_slice %arg2[%dma_wait3A_287, %dma_wait3A_288] : memref<10240x128xf32, #tpu.memory_space<hbm>> -> memref<10240x128xf32, #tpu.memory_space<hbm>>
      tpu.wait_indirect_dma semaphore(%arg15 : memref<!tpu.dma_semaphore, #tpu.memory_space<semaphore_mem>>) src(%dma_wait3A_289 : memref<10240x128xf32, #tpu.memory_space<hbm>>) dst(%arg11 : memref<128x128xf32, #tpu.memory_space<vmem>>)
      %add3A_290 = arith.constant 1 : i32
      %add3A_291 = arith.addi %mul3A_286, %add3A_290 : i32
      %sub3A_292 = arith.constant 1 : i32
      %sub3A_293 = arith.subi %sub3A_6, %sub3A_292 : i32
      %min3A_294 = arith.minsi %add3A_291, %sub3A_293 : i32
      %mul3A_295 = arith.constant 128 : i32
      %mul3A_296 = arith.muli %min3A_294, %mul3A_295 : i32
      %add3A_297 = arith.addi %mul3A_14, %mul3A_296 : i32
      %dma_wait3A_298 = tpu.memref_slice %arg3[%add3A_297] : memref<320000xi32, #tpu.memory_space<hbm>> -> memref<128xi32, #tpu.memory_space<hbm>>
      %dma_wait3A_299 = tpu.memref_slice %arg3[%add3A_297] : memref<320000xi32, #tpu.memory_space<hbm>> -> memref<128xi32, #tpu.memory_space<hbm>>
      tpu.wait_dma2 semaphore(%arg14 : memref<!tpu.dma_semaphore, #tpu.memory_space<semaphore_mem>>) src(%dma_wait3A_299 : memref<128xi32, #tpu.memory_space<hbm>>) dst(%arg8 : memref<128xi32, #tpu.memory_space<vmem>>)
      %dma_wait3A_300 = tpu.memref_slice %arg4[%add3A_297] : memref<320000xi32, #tpu.memory_space<hbm>> -> memref<128xi32, #tpu.memory_space<hbm>>
      %dma_wait3A_301 = tpu.memref_slice %arg4[%add3A_297] : memref<320000xi32, #tpu.memory_space<hbm>> -> memref<128xi32, #tpu.memory_space<hbm>>
      tpu.wait_dma2 semaphore(%arg14 : memref<!tpu.dma_semaphore, #tpu.memory_space<semaphore_mem>>) src(%dma_wait3A_301 : memref<128xi32, #tpu.memory_space<hbm>>) dst(%arg10 : memref<128xi32, #tpu.memory_space<vmem>>)
      %dma_start3A_302 = arith.constant 0 : i32
      %dma_start3A_303 = arith.constant 0 : i32
      %dma_start3A_304 = tpu.memref_slice %arg2[%dma_start3A_302, %dma_start3A_303] : memref<10240x128xf32, #tpu.memory_space<hbm>> -> memref<10240x128xf32, #tpu.memory_space<hbm>>
      tpu.enqueue_indirect_dma source(%dma_start3A_304 : memref<10240x128xf32, #tpu.memory_space<hbm>>) target(%arg12 : memref<128x128xf32, #tpu.memory_space<vmem>>) offsets(%arg8 : memref<128xi32, #tpu.memory_space<vmem>>) semaphore(%arg15 : memref<!tpu.dma_semaphore, #tpu.memory_space<semaphore_mem>>)
      %dma_start3A_305 = arith.constant 0 : i32
      %dma_start3A_306 = arith.constant 0 : i32
      %dma_start3A_307 = tpu.memref_slice %arg13[%dma_start3A_305, %dma_start3A_306] : memref<10240x128xf32, #tpu.memory_space<vmem_shared>> -> memref<10240x128xf32, #tpu.memory_space<vmem_shared>>
      tpu.enqueue_indirect_dma source(%arg11 : memref<128x128xf32, #tpu.memory_space<vmem>>) target(%dma_start3A_307 : memref<10240x128xf32, #tpu.memory_space<vmem_shared>>) offsets(%arg9 : memref<128xi32, #tpu.memory_space<vmem>>) semaphore(%arg16 : memref<!tpu.dma_semaphore, #tpu.memory_space<semaphore_mem>>) {add = true}
      %dma_wait3A_308 = arith.constant 0 : i32
      %dma_wait3A_309 = arith.constant 0 : i32
      %dma_wait3A_310 = tpu.memref_slice %arg13[%dma_wait3A_308, %dma_wait3A_309] : memref<10240x128xf32, #tpu.memory_space<vmem_shared>> -> memref<10240x128xf32, #tpu.memory_space<vmem_shared>>
      tpu.wait_indirect_dma semaphore(%arg16 : memref<!tpu.dma_semaphore, #tpu.memory_space<semaphore_mem>>) src(%arg11 : memref<128x128xf32, #tpu.memory_space<vmem>>) dst(%dma_wait3A_310 : memref<10240x128xf32, #tpu.memory_space<vmem_shared>>)
      %add3A_311 = arith.constant 2 : i32
      %add3A_312 = arith.addi %mul3A_286, %add3A_311 : i32
      %sub3A_313 = arith.constant 1 : i32
      %sub3A_314 = arith.subi %sub3A_6, %sub3A_313 : i32
      %min3A_315 = arith.minsi %add3A_312, %sub3A_314 : i32
      %mul3A_316 = arith.constant 128 : i32
      %mul3A_317 = arith.muli %min3A_315, %mul3A_316 : i32
      %add3A_318 = arith.addi %mul3A_14, %mul3A_317 : i32
      %dma_start3A_319 = tpu.memref_slice %arg3[%add3A_318] : memref<320000xi32, #tpu.memory_space<hbm>> -> memref<128xi32, #tpu.memory_space<hbm>>
      %dma_start3A_320 = tpu.memref_slice %arg3[%add3A_318] : memref<320000xi32, #tpu.memory_space<hbm>> -> memref<128xi32, #tpu.memory_space<hbm>>
      tpu.enqueue_dma source(%dma_start3A_320 : memref<128xi32, #tpu.memory_space<hbm>>) target(%arg7 : memref<128xi32, #tpu.memory_space<vmem>>) target_semaphore(%arg14 : memref<!tpu.dma_semaphore, #tpu.memory_space<semaphore_mem>>)
      %dma_start3A_321 = tpu.memref_slice %arg4[%add3A_318] : memref<320000xi32, #tpu.memory_space<hbm>> -> memref<128xi32, #tpu.memory_space<hbm>>
      %dma_start3A_322 = tpu.memref_slice %arg4[%add3A_318] : memref<320000xi32, #tpu.memory_space<hbm>> -> memref<128xi32, #tpu.memory_space<hbm>>
      tpu.enqueue_dma source(%dma_start3A_322 : memref<128xi32, #tpu.memory_space<hbm>>) target(%arg9 : memref<128xi32, #tpu.memory_space<vmem>>) target_semaphore(%arg14 : memref<!tpu.dma_semaphore, #tpu.memory_space<semaphore_mem>>)
      %add3A_323 = arith.constant 1 : i32
      %add3A_324 = arith.addi %mul3A_286, %add3A_323 : i32
      %dma_wait3A_325 = arith.constant 0 : i32
      %dma_wait3A_326 = arith.constant 0 : i32
      %dma_wait3A_327 = tpu.memref_slice %arg2[%dma_wait3A_325, %dma_wait3A_326] : memref<10240x128xf32, #tpu.memory_space<hbm>> -> memref<10240x128xf32, #tpu.memory_space<hbm>>
      tpu.wait_indirect_dma semaphore(%arg15 : memref<!tpu.dma_semaphore, #tpu.memory_space<semaphore_mem>>) src(%dma_wait3A_327 : memref<10240x128xf32, #tpu.memory_space<hbm>>) dst(%arg12 : memref<128x128xf32, #tpu.memory_space<vmem>>)
      %add3A_328 = arith.constant 1 : i32
      %add3A_329 = arith.addi %add3A_324, %add3A_328 : i32
      %sub3A_330 = arith.constant 1 : i32
      %sub3A_331 = arith.subi %sub3A_6, %sub3A_330 : i32
      %min3A_332 = arith.minsi %add3A_329, %sub3A_331 : i32
      %mul3A_333 = arith.constant 128 : i32
      %mul3A_334 = arith.muli %min3A_332, %mul3A_333 : i32
      %add3A_335 = arith.addi %mul3A_14, %mul3A_334 : i32
      %dma_wait3A_336 = tpu.memref_slice %arg3[%add3A_335] : memref<320000xi32, #tpu.memory_space<hbm>> -> memref<128xi32, #tpu.memory_space<hbm>>
      %dma_wait3A_337 = tpu.memref_slice %arg3[%add3A_335] : memref<320000xi32, #tpu.memory_space<hbm>> -> memref<128xi32, #tpu.memory_space<hbm>>
      tpu.wait_dma2 semaphore(%arg14 : memref<!tpu.dma_semaphore, #tpu.memory_space<semaphore_mem>>) src(%dma_wait3A_337 : memref<128xi32, #tpu.memory_space<hbm>>) dst(%arg7 : memref<128xi32, #tpu.memory_space<vmem>>)
      %dma_wait3A_338 = tpu.memref_slice %arg4[%add3A_335] : memref<320000xi32, #tpu.memory_space<hbm>> -> memref<128xi32, #tpu.memory_space<hbm>>
      %dma_wait3A_339 = tpu.memref_slice %arg4[%add3A_335] : memref<320000xi32, #tpu.memory_space<hbm>> -> memref<128xi32, #tpu.memory_space<hbm>>
      tpu.wait_dma2 semaphore(%arg14 : memref<!tpu.dma_semaphore, #tpu.memory_space<semaphore_mem>>) src(%dma_wait3A_339 : memref<128xi32, #tpu.memory_space<hbm>>) dst(%arg9 : memref<128xi32, #tpu.memory_space<vmem>>)
      %dma_start3A_340 = arith.constant 0 : i32
      %dma_start3A_341 = arith.constant 0 : i32
      %dma_start3A_342 = tpu.memref_slice %arg2[%dma_start3A_340, %dma_start3A_341] : memref<10240x128xf32, #tpu.memory_space<hbm>> -> memref<10240x128xf32, #tpu.memory_space<hbm>>
      tpu.enqueue_indirect_dma source(%dma_start3A_342 : memref<10240x128xf32, #tpu.memory_space<hbm>>) target(%arg11 : memref<128x128xf32, #tpu.memory_space<vmem>>) offsets(%arg7 : memref<128xi32, #tpu.memory_space<vmem>>) semaphore(%arg15 : memref<!tpu.dma_semaphore, #tpu.memory_space<semaphore_mem>>)
      %dma_start3A_343 = arith.constant 0 : i32
      %dma_start3A_344 = arith.constant 0 : i32
      %dma_start3A_345 = tpu.memref_slice %arg13[%dma_start3A_343, %dma_start3A_344] : memref<10240x128xf32, #tpu.memory_space<vmem_shared>> -> memref<10240x128xf32, #tpu.memory_space<vmem_shared>>
      tpu.enqueue_indirect_dma source(%arg12 : memref<128x128xf32, #tpu.memory_space<vmem>>) target(%dma_start3A_345 : memref<10240x128xf32, #tpu.memory_space<vmem_shared>>) offsets(%arg10 : memref<128xi32, #tpu.memory_space<vmem>>) semaphore(%arg16 : memref<!tpu.dma_semaphore, #tpu.memory_space<semaphore_mem>>) {add = true}
      %dma_wait3A_346 = arith.constant 0 : i32
      %dma_wait3A_347 = arith.constant 0 : i32
      %dma_wait3A_348 = tpu.memref_slice %arg13[%dma_wait3A_346, %dma_wait3A_347] : memref<10240x128xf32, #tpu.memory_space<vmem_shared>> -> memref<10240x128xf32, #tpu.memory_space<vmem_shared>>
      tpu.wait_indirect_dma semaphore(%arg16 : memref<!tpu.dma_semaphore, #tpu.memory_space<semaphore_mem>>) src(%arg12 : memref<128x128xf32, #tpu.memory_space<vmem>>) dst(%dma_wait3A_348 : memref<10240x128xf32, #tpu.memory_space<vmem_shared>>)
      %add3A_349 = arith.constant 2 : i32
      %add3A_350 = arith.addi %add3A_324, %add3A_349 : i32
      %sub3A_351 = arith.constant 1 : i32
      %sub3A_352 = arith.subi %sub3A_6, %sub3A_351 : i32
      %min3A_353 = arith.minsi %add3A_350, %sub3A_352 : i32
      %mul3A_354 = arith.constant 128 : i32
      %mul3A_355 = arith.muli %min3A_353, %mul3A_354 : i32
      %add3A_356 = arith.addi %mul3A_14, %mul3A_355 : i32
      %dma_start3A_357 = tpu.memref_slice %arg3[%add3A_356] : memref<320000xi32, #tpu.memory_space<hbm>> -> memref<128xi32, #tpu.memory_space<hbm>>
      %dma_start3A_358 = tpu.memref_slice %arg3[%add3A_356] : memref<320000xi32, #tpu.memory_space<hbm>> -> memref<128xi32, #tpu.memory_space<hbm>>
      tpu.enqueue_dma source(%dma_start3A_358 : memref<128xi32, #tpu.memory_space<hbm>>) target(%arg8 : memref<128xi32, #tpu.memory_space<vmem>>) target_semaphore(%arg14 : memref<!tpu.dma_semaphore, #tpu.memory_space<semaphore_mem>>)
      %dma_start3A_359 = tpu.memref_slice %arg4[%add3A_356] : memref<320000xi32, #tpu.memory_space<hbm>> -> memref<128xi32, #tpu.memory_space<hbm>>
      %dma_start3A_360 = tpu.memref_slice %arg4[%add3A_356] : memref<320000xi32, #tpu.memory_space<hbm>> -> memref<128xi32, #tpu.memory_space<hbm>>
      tpu.enqueue_dma source(%dma_start3A_360 : memref<128xi32, #tpu.memory_space<hbm>>) target(%arg10 : memref<128xi32, #tpu.memory_space<vmem>>) target_semaphore(%arg14 : memref<!tpu.dma_semaphore, #tpu.memory_space<semaphore_mem>>)
    }
    %while3A_136 = arith.constant 1 : i32
    scf.for %while3A_284 = %while3A_134 to %while3A_130 step %while3A_136  : i32 {
      %mul3A_285 = arith.constant 2 : i32
      %mul3A_286 = arith.muli %while3A_284, %mul3A_285 : i32
      %dma_wait3A_287 = arith.constant 0 : i32
      %dma_wait3A_288 = arith.constant 0 : i32
      %dma_wait3A_289 = tpu.memref_slice %arg2[%dma_wait3A_287, %dma_wait3A_288] : memref<10240x128xf32, #tpu.memory_space<hbm>> -> memref<10240x128xf32, #tpu.memory_space<hbm>>
      tpu.wait_indirect_dma semaphore(%arg15 : memref<!tpu.dma_semaphore, #tpu.memory_space<semaphore_mem>>) src(%dma_wait3A_289 : memref<10240x128xf32, #tpu.memory_space<hbm>>) dst(%arg11 : memref<128x128xf32, #tpu.memory_space<vmem>>)
      %add3A_290 = arith.constant 1 : i32
      %add3A_291 = arith.addi %mul3A_286, %add3A_290 : i32
      %sub3A_292 = arith.constant 1 : i32
      %sub3A_293 = arith.subi %sub3A_6, %sub3A_292 : i32
      %min3A_294 = arith.minsi %add3A_291, %sub3A_293 : i32
      %mul3A_295 = arith.constant 128 : i32
      %mul3A_296 = arith.muli %min3A_294, %mul3A_295 : i32
      %add3A_297 = arith.addi %mul3A_14, %mul3A_296 : i32
      %dma_wait3A_298 = tpu.memref_slice %arg3[%add3A_297] : memref<320000xi32, #tpu.memory_space<hbm>> -> memref<128xi32, #tpu.memory_space<hbm>>
      %dma_wait3A_299 = tpu.memref_slice %arg3[%add3A_297] : memref<320000xi32, #tpu.memory_space<hbm>> -> memref<128xi32, #tpu.memory_space<hbm>>
      tpu.wait_dma2 semaphore(%arg14 : memref<!tpu.dma_semaphore, #tpu.memory_space<semaphore_mem>>) src(%dma_wait3A_299 : memref<128xi32, #tpu.memory_space<hbm>>) dst(%arg8 : memref<128xi32, #tpu.memory_space<vmem>>)
      %dma_wait3A_300 = tpu.memref_slice %arg4[%add3A_297] : memref<320000xi32, #tpu.memory_space<hbm>> -> memref<128xi32, #tpu.memory_space<hbm>>
      %dma_wait3A_301 = tpu.memref_slice %arg4[%add3A_297] : memref<320000xi32, #tpu.memory_space<hbm>> -> memref<128xi32, #tpu.memory_space<hbm>>
      tpu.wait_dma2 semaphore(%arg14 : memref<!tpu.dma_semaphore, #tpu.memory_space<semaphore_mem>>) src(%dma_wait3A_301 : memref<128xi32, #tpu.memory_space<hbm>>) dst(%arg10 : memref<128xi32, #tpu.memory_space<vmem>>)
      %dma_start3A_302 = arith.constant 0 : i32
      %dma_start3A_303 = arith.constant 0 : i32
      %dma_start3A_304 = tpu.memref_slice %arg2[%dma_start3A_302, %dma_start3A_303] : memref<10240x128xf32, #tpu.memory_space<hbm>> -> memref<10240x128xf32, #tpu.memory_space<hbm>>
      tpu.enqueue_indirect_dma source(%dma_start3A_304 : memref<10240x128xf32, #tpu.memory_space<hbm>>) target(%arg12 : memref<128x128xf32, #tpu.memory_space<vmem>>) offsets(%arg8 : memref<128xi32, #tpu.memory_space<vmem>>) semaphore(%arg15 : memref<!tpu.dma_semaphore, #tpu.memory_space<semaphore_mem>>)
      %dma_start3A_305 = arith.constant 0 : i32
      %dma_start3A_306 = arith.constant 0 : i32
      %dma_start3A_307 = tpu.memref_slice %arg13[%dma_start3A_305, %dma_start3A_306] : memref<10240x128xf32, #tpu.memory_space<vmem_shared>> -> memref<10240x128xf32, #tpu.memory_space<vmem_shared>>
      tpu.enqueue_indirect_dma source(%arg11 : memref<128x128xf32, #tpu.memory_space<vmem>>) target(%dma_start3A_307 : memref<10240x128xf32, #tpu.memory_space<vmem_shared>>) offsets(%arg9 : memref<128xi32, #tpu.memory_space<vmem>>) semaphore(%arg16 : memref<!tpu.dma_semaphore, #tpu.memory_space<semaphore_mem>>) {add = true}
      %dma_wait3A_308 = arith.constant 0 : i32
      %dma_wait3A_309 = arith.constant 0 : i32
      %dma_wait3A_310 = tpu.memref_slice %arg13[%dma_wait3A_308, %dma_wait3A_309] : memref<10240x128xf32, #tpu.memory_space<vmem_shared>> -> memref<10240x128xf32, #tpu.memory_space<vmem_shared>>
      tpu.wait_indirect_dma semaphore(%arg16 : memref<!tpu.dma_semaphore, #tpu.memory_space<semaphore_mem>>) src(%arg11 : memref<128x128xf32, #tpu.memory_space<vmem>>) dst(%dma_wait3A_310 : memref<10240x128xf32, #tpu.memory_space<vmem_shared>>)
      %add3A_311 = arith.constant 2 : i32
      %add3A_312 = arith.addi %mul3A_286, %add3A_311 : i32
      %sub3A_313 = arith.constant 1 : i32
      %sub3A_314 = arith.subi %sub3A_6, %sub3A_313 : i32
      %min3A_315 = arith.minsi %add3A_312, %sub3A_314 : i32
      %mul3A_316 = arith.constant 128 : i32
      %mul3A_317 = arith.muli %min3A_315, %mul3A_316 : i32
      %add3A_318 = arith.addi %mul3A_14, %mul3A_317 : i32
      %dma_start3A_319 = tpu.memref_slice %arg3[%add3A_318] : memref<320000xi32, #tpu.memory_space<hbm>> -> memref<128xi32, #tpu.memory_space<hbm>>
      %dma_start3A_320 = tpu.memref_slice %arg3[%add3A_318] : memref<320000xi32, #tpu.memory_space<hbm>> -> memref<128xi32, #tpu.memory_space<hbm>>
      tpu.enqueue_dma source(%dma_start3A_320 : memref<128xi32, #tpu.memory_space<hbm>>) target(%arg7 : memref<128xi32, #tpu.memory_space<vmem>>) target_semaphore(%arg14 : memref<!tpu.dma_semaphore, #tpu.memory_space<semaphore_mem>>)
      %dma_start3A_321 = tpu.memref_slice %arg4[%add3A_318] : memref<320000xi32, #tpu.memory_space<hbm>> -> memref<128xi32, #tpu.memory_space<hbm>>
      %dma_start3A_322 = tpu.memref_slice %arg4[%add3A_318] : memref<320000xi32, #tpu.memory_space<hbm>> -> memref<128xi32, #tpu.memory_space<hbm>>
      tpu.enqueue_dma source(%dma_start3A_322 : memref<128xi32, #tpu.memory_space<hbm>>) target(%arg9 : memref<128xi32, #tpu.memory_space<vmem>>) target_semaphore(%arg14 : memref<!tpu.dma_semaphore, #tpu.memory_space<semaphore_mem>>)
      %add3A_323 = arith.constant 1 : i32
      %add3A_324 = arith.addi %mul3A_286, %add3A_323 : i32
      %dma_wait3A_325 = arith.constant 0 : i32
      %dma_wait3A_326 = arith.constant 0 : i32
      %dma_wait3A_327 = tpu.memref_slice %arg2[%dma_wait3A_325, %dma_wait3A_326] : memref<10240x128xf32, #tpu.memory_space<hbm>> -> memref<10240x128xf32, #tpu.memory_space<hbm>>
      tpu.wait_indirect_dma semaphore(%arg15 : memref<!tpu.dma_semaphore, #tpu.memory_space<semaphore_mem>>) src(%dma_wait3A_327 : memref<10240x128xf32, #tpu.memory_space<hbm>>) dst(%arg12 : memref<128x128xf32, #tpu.memory_space<vmem>>)
      %add3A_328 = arith.constant 1 : i32
      %add3A_329 = arith.addi %add3A_324, %add3A_328 : i32
      %sub3A_330 = arith.constant 1 : i32
      %sub3A_331 = arith.subi %sub3A_6, %sub3A_330 : i32
      %min3A_332 = arith.minsi %add3A_329, %sub3A_331 : i32
      %mul3A_333 = arith.constant 128 : i32
      %mul3A_334 = arith.muli %min3A_332, %mul3A_333 : i32
      %add3A_335 = arith.addi %mul3A_14, %mul3A_334 : i32
      %dma_wait3A_336 = tpu.memref_slice %arg3[%add3A_335] : memref<320000xi32, #tpu.memory_space<hbm>> -> memref<128xi32, #tpu.memory_space<hbm>>
      %dma_wait3A_337 = tpu.memref_slice %arg3[%add3A_335] : memref<320000xi32, #tpu.memory_space<hbm>> -> memref<128xi32, #tpu.memory_space<hbm>>
      tpu.wait_dma2 semaphore(%arg14 : memref<!tpu.dma_semaphore, #tpu.memory_space<semaphore_mem>>) src(%dma_wait3A_337 : memref<128xi32, #tpu.memory_space<hbm>>) dst(%arg7 : memref<128xi32, #tpu.memory_space<vmem>>)
      %dma_wait3A_338 = tpu.memref_slice %arg4[%add3A_335] : memref<320000xi32, #tpu.memory_space<hbm>> -> memref<128xi32, #tpu.memory_space<hbm>>
      %dma_wait3A_339 = tpu.memref_slice %arg4[%add3A_335] : memref<320000xi32, #tpu.memory_space<hbm>> -> memref<128xi32, #tpu.memory_space<hbm>>
      tpu.wait_dma2 semaphore(%arg14 : memref<!tpu.dma_semaphore, #tpu.memory_space<semaphore_mem>>) src(%dma_wait3A_339 : memref<128xi32, #tpu.memory_space<hbm>>) dst(%arg9 : memref<128xi32, #tpu.memory_space<vmem>>)
      %dma_start3A_340 = arith.constant 0 : i32
      %dma_start3A_341 = arith.constant 0 : i32
      %dma_start3A_342 = tpu.memref_slice %arg2[%dma_start3A_340, %dma_start3A_341] : memref<10240x128xf32, #tpu.memory_space<hbm>> -> memref<10240x128xf32, #tpu.memory_space<hbm>>
      tpu.enqueue_indirect_dma source(%dma_start3A_342 : memref<10240x128xf32, #tpu.memory_space<hbm>>) target(%arg11 : memref<128x128xf32, #tpu.memory_space<vmem>>) offsets(%arg7 : memref<128xi32, #tpu.memory_space<vmem>>) semaphore(%arg15 : memref<!tpu.dma_semaphore, #tpu.memory_space<semaphore_mem>>)
      %dma_start3A_343 = arith.constant 0 : i32
      %dma_start3A_344 = arith.constant 0 : i32
      %dma_start3A_345 = tpu.memref_slice %arg13[%dma_start3A_343, %dma_start3A_344] : memref<10240x128xf32, #tpu.memory_space<vmem_shared>> -> memref<10240x128xf32, #tpu.memory_space<vmem_shared>>
      tpu.enqueue_indirect_dma source(%arg12 : memref<128x128xf32, #tpu.memory_space<vmem>>) target(%dma_start3A_345 : memref<10240x128xf32, #tpu.memory_space<vmem_shared>>) offsets(%arg10 : memref<128xi32, #tpu.memory_space<vmem>>) semaphore(%arg16 : memref<!tpu.dma_semaphore, #tpu.memory_space<semaphore_mem>>) {add = true}
      %dma_wait3A_346 = arith.constant 0 : i32
      %dma_wait3A_347 = arith.constant 0 : i32
      %dma_wait3A_348 = tpu.memref_slice %arg13[%dma_wait3A_346, %dma_wait3A_347] : memref<10240x128xf32, #tpu.memory_space<vmem_shared>> -> memref<10240x128xf32, #tpu.memory_space<vmem_shared>>
      tpu.wait_indirect_dma semaphore(%arg16 : memref<!tpu.dma_semaphore, #tpu.memory_space<semaphore_mem>>) src(%arg12 : memref<128x128xf32, #tpu.memory_space<vmem>>) dst(%dma_wait3A_348 : memref<10240x128xf32, #tpu.memory_space<vmem_shared>>)
      %add3A_349 = arith.constant 2 : i32
      %add3A_350 = arith.addi %add3A_324, %add3A_349 : i32
      %sub3A_351 = arith.constant 1 : i32
      %sub3A_352 = arith.subi %sub3A_6, %sub3A_351 : i32
      %min3A_353 = arith.minsi %add3A_350, %sub3A_352 : i32
      %mul3A_354 = arith.constant 128 : i32
      %mul3A_355 = arith.muli %min3A_353, %mul3A_354 : i32
      %add3A_356 = arith.addi %mul3A_14, %mul3A_355 : i32
      %dma_start3A_357 = tpu.memref_slice %arg3[%add3A_356] : memref<320000xi32, #tpu.memory_space<hbm>> -> memref<128xi32, #tpu.memory_space<hbm>>
      %dma_start3A_358 = tpu.memref_slice %arg3[%add3A_356] : memref<320000xi32, #tpu.memory_space<hbm>> -> memref<128xi32, #tpu.memory_space<hbm>>
      tpu.enqueue_dma source(%dma_start3A_358 : memref<128xi32, #tpu.memory_space<hbm>>) target(%arg8 : memref<128xi32, #tpu.memory_space<vmem>>) target_semaphore(%arg14 : memref<!tpu.dma_semaphore, #tpu.memory_space<semaphore_mem>>)
      %dma_start3A_359 = tpu.memref_slice %arg4[%add3A_356] : memref<320000xi32, #tpu.memory_space<hbm>> -> memref<128xi32, #tpu.memory_space<hbm>>
      %dma_start3A_360 = tpu.memref_slice %arg4[%add3A_356] : memref<320000xi32, #tpu.memory_space<hbm>> -> memref<128xi32, #tpu.memory_space<hbm>>
      tpu.enqueue_dma source(%dma_start3A_360 : memref<128xi32, #tpu.memory_space<hbm>>) target(%arg10 : memref<128xi32, #tpu.memory_space<vmem>>) target_semaphore(%arg14 : memref<!tpu.dma_semaphore, #tpu.memory_space<semaphore_mem>>)
    }
    %sub3A_137 = arith.constant 1 : i32
    %sub3A_138 = arith.subi %sub3A_6, %sub3A_137 : i32
    %dma_wait3A_139 = arith.constant 0 : i32
    %dma_wait3A_140 = arith.constant 0 : i32
    %dma_wait3A_141 = tpu.memref_slice %arg2[%dma_wait3A_139, %dma_wait3A_140] : memref<10240x128xf32, #tpu.memory_space<hbm>> -> memref<10240x128xf32, #tpu.memory_space<hbm>>
    tpu.wait_indirect_dma semaphore(%arg15 : memref<!tpu.dma_semaphore, #tpu.memory_space<semaphore_mem>>) src(%dma_wait3A_141 : memref<10240x128xf32, #tpu.memory_space<hbm>>) dst(%arg11 : memref<128x128xf32, #tpu.memory_space<vmem>>)
    %add3A_142 = arith.constant 1 : i32
    %add3A_143 = arith.addi %sub3A_138, %add3A_142 : i32
    %sub3A_144 = arith.constant 1 : i32
    %sub3A_145 = arith.subi %sub3A_6, %sub3A_144 : i32
    %min3A_146 = arith.minsi %add3A_143, %sub3A_145 : i32
    %mul3A_147 = arith.constant 128 : i32
    %mul3A_148 = arith.muli %min3A_146, %mul3A_147 : i32
    %add3A_149 = arith.addi %mul3A_14, %mul3A_148 : i32
    %dma_wait3A_150 = tpu.memref_slice %arg3[%add3A_149] : memref<320000xi32, #tpu.memory_space<hbm>> -> memref<128xi32, #tpu.memory_space<hbm>>
    %dma_wait3A_151 = tpu.memref_slice %arg3[%add3A_149] : memref<320000xi32, #tpu.memory_space<hbm>> -> memref<128xi32, #tpu.memory_space<hbm>>
    tpu.wait_dma2 semaphore(%arg14 : memref<!tpu.dma_semaphore, #tpu.memory_space<semaphore_mem>>) src(%dma_wait3A_151 : memref<128xi32, #tpu.memory_space<hbm>>) dst(%arg8 : memref<128xi32, #tpu.memory_space<vmem>>)
    %dma_wait3A_152 = tpu.memref_slice %arg4[%add3A_149] : memref<320000xi32, #tpu.memory_space<hbm>> -> memref<128xi32, #tpu.memory_space<hbm>>
    %dma_wait3A_153 = tpu.memref_slice %arg4[%add3A_149] : memref<320000xi32, #tpu.memory_space<hbm>> -> memref<128xi32, #tpu.memory_space<hbm>>
    tpu.wait_dma2 semaphore(%arg14 : memref<!tpu.dma_semaphore, #tpu.memory_space<semaphore_mem>>) src(%dma_wait3A_153 : memref<128xi32, #tpu.memory_space<hbm>>) dst(%arg10 : memref<128xi32, #tpu.memory_space<vmem>>)
    %dma_start3A_154 = arith.constant 0 : i32
    %dma_start3A_155 = arith.constant 0 : i32
    %dma_start3A_156 = tpu.memref_slice %arg13[%dma_start3A_154, %dma_start3A_155] : memref<10240x128xf32, #tpu.memory_space<vmem_shared>> -> memref<10240x128xf32, #tpu.memory_space<vmem_shared>>
    tpu.enqueue_indirect_dma source(%arg11 : memref<128x128xf32, #tpu.memory_space<vmem>>) target(%dma_start3A_156 : memref<10240x128xf32, #tpu.memory_space<vmem_shared>>) offsets(%arg9 : memref<128xi32, #tpu.memory_space<vmem>>) semaphore(%arg16 : memref<!tpu.dma_semaphore, #tpu.memory_space<semaphore_mem>>) {add = true}
    %dma_wait3A_157 = arith.constant 0 : i32
    %dma_wait3A_158 = arith.constant 0 : i32
    %dma_wait3A_159 = tpu.memref_slice %arg13[%dma_wait3A_157, %dma_wait3A_158] : memref<10240x128xf32, #tpu.memory_space<vmem_shared>> -> memref<10240x128xf32, #tpu.memory_space<vmem_shared>>
    tpu.wait_indirect_dma semaphore(%arg16 : memref<!tpu.dma_semaphore, #tpu.memory_space<semaphore_mem>>) src(%arg11 : memref<128x128xf32, #tpu.memory_space<vmem>>) dst(%dma_wait3A_159 : memref<10240x128xf32, #tpu.memory_space<vmem_shared>>)
    %barrier3A_160 = arith.constant 0 : index
    tpu.barrier barrier_id(%barrier3A_160)
    %mul3A_161 = arith.constant 10240 : i32
    %mul3A_162 = arith.muli %arg0, %mul3A_161 : i32
    %add3A_163 = arith.addi %mul3A_162, %mul3A_0 : i32
    %add3A_164 = arith.constant 0 : i32
    %add3A_165 = arith.addi %mul3A_0, %add3A_164 : i32
    %dma_start3A_166 = arith.constant 0 : i32
    %dma_start3A_167 = tpu.memref_slice %arg13[%add3A_165, %dma_start3A_166] : memref<10240x128xf32, #tpu.memory_space<vmem_shared>> -> memref<128x128xf32, #tpu.memory_space<vmem_shared>>
    %dma_start3A_168 = arith.constant 0 : i32
    %dma_start3A_169 = tpu.memref_slice %arg13[%add3A_165, %dma_start3A_168] : memref<10240x128xf32, #tpu.memory_space<vmem_shared>> -> memref<128x128xf32, #tpu.memory_space<vmem_shared>>
    tpu.enqueue_dma source(%dma_start3A_169 : memref<128x128xf32, #tpu.memory_space<vmem_shared>>) target(%arg11 : memref<128x128xf32, #tpu.memory_space<vmem>>) target_semaphore(%arg15 : memref<!tpu.dma_semaphore, #tpu.memory_space<semaphore_mem>>)
    %add3A_170 = arith.constant 0 : i32
    %add3A_171 = arith.addi %mul3A_0, %add3A_170 : i32
    %dma_wait3A_172 = arith.constant 0 : i32
    %dma_wait3A_173 = tpu.memref_slice %arg13[%add3A_171, %dma_wait3A_172] : memref<10240x128xf32, #tpu.memory_space<vmem_shared>> -> memref<128x128xf32, #tpu.memory_space<vmem_shared>>
    %dma_wait3A_174 = arith.constant 0 : i32
    %dma_wait3A_175 = tpu.memref_slice %arg13[%add3A_171, %dma_wait3A_174] : memref<10240x128xf32, #tpu.memory_space<vmem_shared>> -> memref<128x128xf32, #tpu.memory_space<vmem_shared>>
    tpu.wait_dma2 semaphore(%arg15 : memref<!tpu.dma_semaphore, #tpu.memory_space<semaphore_mem>>) src(%dma_wait3A_175 : memref<128x128xf32, #tpu.memory_space<vmem_shared>>) dst(%arg11 : memref<128x128xf32, #tpu.memory_space<vmem>>)
    %add3A_176 = arith.constant 128 : i32
    %add3A_177 = arith.addi %mul3A_0, %add3A_176 : i32
    %dma_start3A_178 = arith.constant 0 : i32
    %dma_start3A_179 = tpu.memref_slice %arg13[%add3A_177, %dma_start3A_178] : memref<10240x128xf32, #tpu.memory_space<vmem_shared>> -> memref<128x128xf32, #tpu.memory_space<vmem_shared>>
    %dma_start3A_180 = arith.constant 0 : i32
    %dma_start3A_181 = tpu.memref_slice %arg13[%add3A_177, %dma_start3A_180] : memref<10240x128xf32, #tpu.memory_space<vmem_shared>> -> memref<128x128xf32, #tpu.memory_space<vmem_shared>>
    tpu.enqueue_dma source(%dma_start3A_181 : memref<128x128xf32, #tpu.memory_space<vmem_shared>>) target(%arg12 : memref<128x128xf32, #tpu.memory_space<vmem>>) target_semaphore(%arg15 : memref<!tpu.dma_semaphore, #tpu.memory_space<semaphore_mem>>)
    %add3A_182 = arith.constant 0 : i32
    %add3A_183 = arith.addi %add3A_163, %add3A_182 : i32
    %dma_start3A_184 = arith.constant 0 : i32
    %dma_start3A_185 = tpu.memref_slice %arg6[%add3A_183, %dma_start3A_184] : memref<20480x128xf32, #tpu.memory_space<hbm>> -> memref<128x128xf32, #tpu.memory_space<hbm>>
    %dma_start3A_186 = arith.constant 0 : i32
    %dma_start3A_187 = tpu.memref_slice %arg6[%add3A_183, %dma_start3A_186] : memref<20480x128xf32, #tpu.memory_space<hbm>> -> memref<128x128xf32, #tpu.memory_space<hbm>>
    tpu.enqueue_dma source(%arg11 : memref<128x128xf32, #tpu.memory_space<vmem>>) target(%dma_start3A_187 : memref<128x128xf32, #tpu.memory_space<hbm>>) target_semaphore(%arg16 : memref<!tpu.dma_semaphore, #tpu.memory_space<semaphore_mem>>)
    %add3A_188 = arith.constant 0 : i32
    %add3A_189 = arith.addi %add3A_163, %add3A_188 : i32
    %dma_wait3A_190 = arith.constant 0 : i32
    %dma_wait3A_191 = tpu.memref_slice %arg6[%add3A_189, %dma_wait3A_190] : memref<20480x128xf32, #tpu.memory_space<hbm>> -> memref<128x128xf32, #tpu.memory_space<hbm>>
    %dma_wait3A_192 = arith.constant 0 : i32
    %dma_wait3A_193 = tpu.memref_slice %arg6[%add3A_189, %dma_wait3A_192] : memref<20480x128xf32, #tpu.memory_space<hbm>> -> memref<128x128xf32, #tpu.memory_space<hbm>>
    tpu.wait_dma2 semaphore(%arg16 : memref<!tpu.dma_semaphore, #tpu.memory_space<semaphore_mem>>) src(%arg11 : memref<128x128xf32, #tpu.memory_space<vmem>>) dst(%dma_wait3A_193 : memref<128x128xf32, #tpu.memory_space<hbm>>)
    %add3A_194 = arith.constant 128 : i32
    %add3A_195 = arith.addi %mul3A_0, %add3A_194 : i32
    %dma_wait3A_196 = arith.constant 0 : i32
    %dma_wait3A_197 = tpu.memref_slice %arg13[%add3A_195, %dma_wait3A_196] : memref<10240x128xf32, #tpu.memory_space<vmem_shared>> -> memref<128x128xf32, #tpu.memory_space<vmem_shared>>
    %dma_wait3A_198 = arith.constant 0 : i32
    %dma_wait3A_199 = tpu.memref_slice %arg13[%add3A_195, %dma_wait3A_198] : memref<10240x128xf32, #tpu.memory_space<vmem_shared>> -> memref<128x128xf32, #tpu.memory_space<vmem_shared>>
    tpu.wait_dma2 semaphore(%arg15 : memref<!tpu.dma_semaphore, #tpu.memory_space<semaphore_mem>>) src(%dma_wait3A_199 : memref<128x128xf32, #tpu.memory_space<vmem_shared>>) dst(%arg12 : memref<128x128xf32, #tpu.memory_space<vmem>>)
    %add3A_200 = arith.constant 256 : i32
    %add3A_201 = arith.addi %mul3A_0, %add3A_200 : i32
    %dma_start3A_202 = arith.constant 0 : i32
    %dma_start3A_203 = tpu.memref_slice %arg13[%add3A_201, %dma_start3A_202] : memref<10240x128xf32, #tpu.memory_space<vmem_shared>> -> memref<128x128xf32, #tpu.memory_space<vmem_shared>>
    %dma_start3A_204 = arith.constant 0 : i32
    %dma_start3A_205 = tpu.memref_slice %arg13[%add3A_201, %dma_start3A_204] : memref<10240x128xf32, #tpu.memory_space<vmem_shared>> -> memref<128x128xf32, #tpu.memory_space<vmem_shared>>
    tpu.enqueue_dma source(%dma_start3A_205 : memref<128x128xf32, #tpu.memory_space<vmem_shared>>) target(%arg11 : memref<128x128xf32, #tpu.memory_space<vmem>>) target_semaphore(%arg15 : memref<!tpu.dma_semaphore, #tpu.memory_space<semaphore_mem>>)
    %add3A_206 = arith.constant 128 : i32
    %add3A_207 = arith.addi %add3A_163, %add3A_206 : i32
    %dma_start3A_208 = arith.constant 0 : i32
    %dma_start3A_209 = tpu.memref_slice %arg6[%add3A_207, %dma_start3A_208] : memref<20480x128xf32, #tpu.memory_space<hbm>> -> memref<128x128xf32, #tpu.memory_space<hbm>>
    %dma_start3A_210 = arith.constant 0 : i32
    %dma_start3A_211 = tpu.memref_slice %arg6[%add3A_207, %dma_start3A_210] : memref<20480x128xf32, #tpu.memory_space<hbm>> -> memref<128x128xf32, #tpu.memory_space<hbm>>
    tpu.enqueue_dma source(%arg12 : memref<128x128xf32, #tpu.memory_space<vmem>>) target(%dma_start3A_211 : memref<128x128xf32, #tpu.memory_space<hbm>>) target_semaphore(%arg16 : memref<!tpu.dma_semaphore, #tpu.memory_space<semaphore_mem>>)
    %add3A_212 = arith.constant 128 : i32
    %add3A_213 = arith.addi %add3A_163, %add3A_212 : i32
    %dma_wait3A_214 = arith.constant 0 : i32
    %dma_wait3A_215 = tpu.memref_slice %arg6[%add3A_213, %dma_wait3A_214] : memref<20480x128xf32, #tpu.memory_space<hbm>> -> memref<128x128xf32, #tpu.memory_space<hbm>>
    %dma_wait3A_216 = arith.constant 0 : i32
    %dma_wait3A_217 = tpu.memref_slice %arg6[%add3A_213, %dma_wait3A_216] : memref<20480x128xf32, #tpu.memory_space<hbm>> -> memref<128x128xf32, #tpu.memory_space<hbm>>
    tpu.wait_dma2 semaphore(%arg16 : memref<!tpu.dma_semaphore, #tpu.memory_space<semaphore_mem>>) src(%arg12 : memref<128x128xf32, #tpu.memory_space<vmem>>) dst(%dma_wait3A_217 : memref<128x128xf32, #tpu.memory_space<hbm>>)
    %add3A_218 = arith.constant 256 : i32
    %add3A_219 = arith.addi %mul3A_0, %add3A_218 : i32
    %dma_wait3A_220 = arith.constant 0 : i32
    %dma_wait3A_221 = tpu.memref_slice %arg13[%add3A_219, %dma_wait3A_220] : memref<10240x128xf32, #tpu.memory_space<vmem_shared>> -> memref<128x128xf32, #tpu.memory_space<vmem_shared>>
    %dma_wait3A_222 = arith.constant 0 : i32
    %dma_wait3A_223 = tpu.memref_slice %arg13[%add3A_219, %dma_wait3A_222] : memref<10240x128xf32, #tpu.memory_space<vmem_shared>> -> memref<128x128xf32, #tpu.memory_space<vmem_shared>>
    tpu.wait_dma2 semaphore(%arg15 : memref<!tpu.dma_semaphore, #tpu.memory_space<semaphore_mem>>) src(%dma_wait3A_223 : memref<128x128xf32, #tpu.memory_space<vmem_shared>>) dst(%arg11 : memref<128x128xf32, #tpu.memory_space<vmem>>)
    %add3A_224 = arith.constant 384 : i32
    %add3A_225 = arith.addi %mul3A_0, %add3A_224 : i32
    %dma_start3A_226 = arith.constant 0 : i32
    %dma_start3A_227 = tpu.memref_slice %arg13[%add3A_225, %dma_start3A_226] : memref<10240x128xf32, #tpu.memory_space<vmem_shared>> -> memref<128x128xf32, #tpu.memory_space<vmem_shared>>
    %dma_start3A_228 = arith.constant 0 : i32
    %dma_start3A_229 = tpu.memref_slice %arg13[%add3A_225, %dma_start3A_228] : memref<10240x128xf32, #tpu.memory_space<vmem_shared>> -> memref<128x128xf32, #tpu.memory_space<vmem_shared>>
    tpu.enqueue_dma source(%dma_start3A_229 : memref<128x128xf32, #tpu.memory_space<vmem_shared>>) target(%arg12 : memref<128x128xf32, #tpu.memory_space<vmem>>) target_semaphore(%arg15 : memref<!tpu.dma_semaphore, #tpu.memory_space<semaphore_mem>>)
    %add3A_230 = arith.constant 256 : i32
    %add3A_231 = arith.addi %add3A_163, %add3A_230 : i32
    %dma_start3A_232 = arith.constant 0 : i32
    %dma_start3A_233 = tpu.memref_slice %arg6[%add3A_231, %dma_start3A_232] : memref<20480x128xf32, #tpu.memory_space<hbm>> -> memref<128x128xf32, #tpu.memory_space<hbm>>
    %dma_start3A_234 = arith.constant 0 : i32
    %dma_start3A_235 = tpu.memref_slice %arg6[%add3A_231, %dma_start3A_234] : memref<20480x128xf32, #tpu.memory_space<hbm>> -> memref<128x128xf32, #tpu.memory_space<hbm>>
    tpu.enqueue_dma source(%arg11 : memref<128x128xf32, #tpu.memory_space<vmem>>) target(%dma_start3A_235 : memref<128x128xf32, #tpu.memory_space<hbm>>) target_semaphore(%arg16 : memref<!tpu.dma_semaphore, #tpu.memory_space<semaphore_mem>>)
    %add3A_236 = arith.constant 256 : i32
    %add3A_237 = arith.addi %add3A_163, %add3A_236 : i32
    %dma_wait3A_238 = arith.constant 0 : i32
    %dma_wait3A_239 = tpu.memref_slice %arg6[%add3A_237, %dma_wait3A_238] : memref<20480x128xf32, #tpu.memory_space<hbm>> -> memref<128x128xf32, #tpu.memory_space<hbm>>
    %dma_wait3A_240 = arith.constant 0 : i32
    %dma_wait3A_241 = tpu.memref_slice %arg6[%add3A_237, %dma_wait3A_240] : memref<20480x128xf32, #tpu.memory_space<hbm>> -> memref<128x128xf32, #tpu.memory_space<hbm>>
    tpu.wait_dma2 semaphore(%arg16 : memref<!tpu.dma_semaphore, #tpu.memory_space<semaphore_mem>>) src(%arg11 : memref<128x128xf32, #tpu.memory_space<vmem>>) dst(%dma_wait3A_241 : memref<128x128xf32, #tpu.memory_space<hbm>>)
    %add3A_242 = arith.constant 384 : i32
    %add3A_243 = arith.addi %mul3A_0, %add3A_242 : i32
    %dma_wait3A_244 = arith.constant 0 : i32
    %dma_wait3A_245 = tpu.memref_slice %arg13[%add3A_243, %dma_wait3A_244] : memref<10240x128xf32, #tpu.memory_space<vmem_shared>> -> memref<128x128xf32, #tpu.memory_space<vmem_shared>>
    %dma_wait3A_246 = arith.constant 0 : i32
    %dma_wait3A_247 = tpu.memref_slice %arg13[%add3A_243, %dma_wait3A_246] : memref<10240x128xf32, #tpu.memory_space<vmem_shared>> -> memref<128x128xf32, #tpu.memory_space<vmem_shared>>
    tpu.wait_dma2 semaphore(%arg15 : memref<!tpu.dma_semaphore, #tpu.memory_space<semaphore_mem>>) src(%dma_wait3A_247 : memref<128x128xf32, #tpu.memory_space<vmem_shared>>) dst(%arg12 : memref<128x128xf32, #tpu.memory_space<vmem>>)
    %add3A_248 = arith.constant 512 : i32
    %add3A_249 = arith.addi %mul3A_0, %add3A_248 : i32
    %dma_start3A_250 = arith.constant 0 : i32
    %dma_start3A_251 = tpu.memref_slice %arg13[%add3A_249, %dma_start3A_250] : memref<10240x128xf32, #tpu.memory_space<vmem_shared>> -> memref<128x128xf32, #tpu.memory_space<vmem_shared>>
    %dma_start3A_252 = arith.constant 0 : i32
    %dma_start3A_253 = tpu.memref_slice %arg13[%add3A_249, %dma_start3A_252] : memref<10240x128xf32, #tpu.memory_space<vmem_shared>> -> memref<128x128xf32, #tpu.memory_space<vmem_shared>>
    tpu.enqueue_dma source(%dma_start3A_253 : memref<128x128xf32, #tpu.memory_space<vmem_shared>>) target(%arg11 : memref<128x128xf32, #tpu.memory_space<vmem>>) target_semaphore(%arg15 : memref<!tpu.dma_semaphore, #tpu.memory_space<semaphore_mem>>)
    %add3A_254 = arith.constant 384 : i32
    %add3A_255 = arith.addi %add3A_163, %add3A_254 : i32
    %dma_start3A_256 = arith.constant 0 : i32
    %dma_start3A_257 = tpu.memref_slice %arg6[%add3A_255, %dma_start3A_256] : memref<20480x128xf32, #tpu.memory_space<hbm>> -> memref<128x128xf32, #tpu.memory_space<hbm>>
    %dma_start3A_258 = arith.constant 0 : i32
    %dma_start3A_259 = tpu.memref_slice %arg6[%add3A_255, %dma_start3A_258] : memref<20480x128xf32, #tpu.memory_space<hbm>> -> memref<128x128xf32, #tpu.memory_space<hbm>>
    tpu.enqueue_dma source(%arg12 : memref<128x128xf32, #tpu.memory_space<vmem>>) target(%dma_start3A_259 : memref<128x128xf32, #tpu.memory_space<hbm>>) target_semaphore(%arg16 : memref<!tpu.dma_semaphore, #tpu.memory_space<semaphore_mem>>)
    %add3A_260 = arith.constant 384 : i32
    %add3A_261 = arith.addi %add3A_163, %add3A_260 : i32
    %dma_wait3A_262 = arith.constant 0 : i32
    %dma_wait3A_263 = tpu.memref_slice %arg6[%add3A_261, %dma_wait3A_262] : memref<20480x128xf32, #tpu.memory_space<hbm>> -> memref<128x128xf32, #tpu.memory_space<hbm>>
    %dma_wait3A_264 = arith.constant 0 : i32
    %dma_wait3A_265 = tpu.memref_slice %arg6[%add3A_261, %dma_wait3A_264] : memref<20480x128xf32, #tpu.memory_space<hbm>> -> memref<128x128xf32, #tpu.memory_space<hbm>>
    tpu.wait_dma2 semaphore(%arg16 : memref<!tpu.dma_semaphore, #tpu.memory_space<semaphore_mem>>) src(%arg12 : memref<128x128xf32, #tpu.memory_space<vmem>>) dst(%dma_wait3A_265 : memref<128x128xf32, #tpu.memory_space<hbm>>)
    %add3A_266 = arith.constant 512 : i32
    %add3A_267 = arith.addi %mul3A_0, %add3A_266 : i32
    %dma_wait3A_268 = arith.constant 0 : i32
    %dma_wait3A_269 = tpu.memref_slice %arg13[%add3A_267, %dma_wait3A_268] : memref<10240x128xf32, #tpu.memory_space<vmem_shared>> -> memref<128x128xf32, #tpu.memory_space<vmem_shared>>
    %dma_wait3A_270 = arith.constant 0 : i32
    %dma_wait3A_271 = tpu.memref_slice %arg13[%add3A_267, %dma_wait3A_270] : memref<10240x128xf32, #tpu.memory_space<vmem_shared>> -> memref<128x128xf32, #tpu.memory_space<vmem_shared>>
    tpu.wait_dma2 semaphore(%arg15 : memref<!tpu.dma_semaphore, #tpu.memory_space<semaphore_mem>>) src(%dma_wait3A_271 : memref<128x128xf32, #tpu.memory_space<vmem_shared>>) dst(%arg11 : memref<128x128xf32, #tpu.memory_space<vmem>>)
    %add3A_272 = arith.constant 512 : i32
    %add3A_273 = arith.addi %add3A_163, %add3A_272 : i32
    %dma_start3A_274 = arith.constant 0 : i32
    %dma_start3A_275 = tpu.memref_slice %arg6[%add3A_273, %dma_start3A_274] : memref<20480x128xf32, #tpu.memory_space<hbm>> -> memref<128x128xf32, #tpu.memory_space<hbm>>
    %dma_start3A_276 = arith.constant 0 : i32
    %dma_start3A_277 = tpu.memref_slice %arg6[%add3A_273, %dma_start3A_276] : memref<20480x128xf32, #tpu.memory_space<hbm>> -> memref<128x128xf32, #tpu.memory_space<hbm>>
    tpu.enqueue_dma source(%arg11 : memref<128x128xf32, #tpu.memory_space<vmem>>) target(%dma_start3A_277 : memref<128x128xf32, #tpu.memory_space<hbm>>) target_semaphore(%arg16 : memref<!tpu.dma_semaphore, #tpu.memory_space<semaphore_mem>>)
    %add3A_278 = arith.constant 512 : i32
    %add3A_279 = arith.addi %add3A_163, %add3A_278 : i32
    %dma_wait3A_280 = arith.constant 0 : i32
    %dma_wait3A_281 = tpu.memref_slice %arg6[%add3A_279, %dma_wait3A_280] : memref<20480x128xf32, #tpu.memory_space<hbm>> -> memref<128x128xf32, #tpu.memory_space<hbm>>
    %dma_wait3A_282 = arith.constant 0 : i32
    %dma_wait3A_283 = tpu.memref_slice %arg6[%add3A_279, %dma_wait3A_282] : memref<20480x128xf32, #tpu.memory_space<hbm>> -> memref<128x128xf32, #tpu.memory_space<hbm>>
    tpu.wait_dma2 semaphore(%arg16 : memref<!tpu.dma_semaphore, #tpu.memory_space<semaphore_mem>>) src(%arg11 : memref<128x128xf32, #tpu.memory_space<vmem>>) dst(%dma_wait3A_283 : memref<128x128xf32, #tpu.memory_space<hbm>>)
    return
  }
}

module attributes {stable_mosaic.version = 14 : i64} {
  func.func @_tc_transform_body(%arg0: i32, %arg1: memref<1024x128xf32, #tpu.memory_space<vmem>>, %arg2: memref<128x128xf32, #tpu.memory_space<vmem>>, %arg3: memref<1024x128xf32, #tpu.memory_space<vmem>>) attributes {dimension_semantics = [#tpu.dimension_semantics<arbitrary>], iteration_bounds = array<i64: 10>, scalar_prefetch = 0 : i64, scratch_operands = 0 : i64, tpu.core_type = #tpu.core_type<tc>, window_params = [{transform_indices = @transform_0, window_bounds = array<i64: 1024, 128>}, {pipeline_mode = #tpu.pipeline_mode<synchronous>, transform_indices = @transform_1, window_bounds = array<i64: 128, 128>}, {transform_indices = @transform_2, window_bounds = array<i64: 1024, 128>}]} {
    %get3A = arith.constant 0 : index
    %get3A_0 = arith.constant 0 : index
    %get3A_1 = vector.load %arg1[%get3A, %get3A_0] : memref<1024x128xf32, #tpu.memory_space<vmem>>, vector<1024x128xf32>
    %get3A_2 = arith.constant 0 : index
    %get3A_3 = arith.constant 0 : index
    %get3A_4 = vector.load %arg2[%get3A_2, %get3A_3] : memref<128x128xf32, #tpu.memory_space<vmem>>, vector<128x128xf32>
    %dot_general3A = arith.constant dense<0.000000e+00> : vector<1024x128xf32>
    %dot_general3A_5 = tpu.matmul %get3A_1, %get3A_4, %dot_general3A {dimension_numbers = #tpu.dot_dimension_numbers<[1], [0], [0], [1], [0, 0, 1, 1], [], []>, transpose_lhs_hint = false} : vector<1024x128xf32>, vector<128x128xf32>, vector<1024x128xf32> -> vector<1024x128xf32>
    %swap3A = arith.constant 0 : index
    %swap3A_6 = arith.constant 0 : index
    %swap3A_7 = vector.load %arg3[%swap3A, %swap3A_6] : memref<1024x128xf32, #tpu.memory_space<vmem>>, vector<1024x128xf32>
    tpu.vector_store %arg3[%swap3A, %swap3A_6], %dot_general3A_5 {strides = array<i32>} : memref<1024x128xf32, #tpu.memory_space<vmem>>, vector<1024x128xf32>,
    return
  }
  func.func @transform_0(%arg0: i32) -> (i32, i32) {
    %c0_i32 = arith.constant 0 : i32
    %c0_i32_0 = arith.constant 0 : i32
    return %arg0, %c0_i32 : i32, i32
  }
  func.func @transform_1(%arg0: i32) -> (i32, i32) {
    %c0_i32 = arith.constant 0 : i32
    %c0_i32_0 = arith.constant 0 : i32
    %c0_i32_1 = arith.constant 0 : i32
    return %c0_i32, %c0_i32_0 : i32, i32
  }
  func.func @transform_2(%arg0: i32) -> (i32, i32) {
    %c0_i32 = arith.constant 0 : i32
    %c0_i32_0 = arith.constant 0 : i32
    return %arg0, %c0_i32 : i32, i32
  }
}

module attributes {stable_mosaic.version = 14 : i64} {
  func.func @_tc_mid_body(%arg0: i32, %arg1: memref<1024x128xf32, #tpu.memory_space<vmem>>, %arg2: memref<1024x128xf32, #tpu.memory_space<vmem>>, %arg3: memref<1024x128xf32, #tpu.memory_space<vmem>>, %arg4: memref<32x1024xf32, #tpu.memory_space<vmem>>, %arg5: memref<128x128xf32, #tpu.memory_space<vmem>>, %arg6: memref<1x128xf32, #tpu.memory_space<vmem>>, %arg7: memref<128x128xf32, #tpu.memory_space<vmem>>, %arg8: memref<1024x128xf32, #tpu.memory_space<vmem>>, %arg9: memref<1024x128xf32, #tpu.memory_space<vmem>>) attributes {dimension_semantics = [#tpu.dimension_semantics<arbitrary>], iteration_bounds = array<i64: 10>, scalar_prefetch = 0 : i64, scratch_operands = 0 : i64, tpu.core_type = #tpu.core_type<tc>, window_params = [{transform_indices = @transform_0, window_bounds = array<i64: 1024, 128>}, {transform_indices = @transform_1, window_bounds = array<i64: 1024, 128>}, {transform_indices = @transform_2, window_bounds = array<i64: 1024, 128>}, {transform_indices = @transform_3, window_bounds = array<i64: 32, 1024>}, {pipeline_mode = #tpu.pipeline_mode<synchronous>, transform_indices = @transform_4, window_bounds = array<i64: 128, 128>}, {pipeline_mode = #tpu.pipeline_mode<synchronous>, transform_indices = @transform_5, window_bounds = array<i64: 1, 128>}, {pipeline_mode = #tpu.pipeline_mode<synchronous>, transform_indices = @transform_6, window_bounds = array<i64: 128, 128>}, {transform_indices = @transform_7, window_bounds = array<i64: 1024, 128>}, {transform_indices = @transform_8, window_bounds = array<i64: 1024, 128>}]} {
    %get3A = arith.constant 0 : index
    %get3A_0 = arith.constant 0 : index
    %get3A_1 = vector.load %arg1[%get3A, %get3A_0] : memref<1024x128xf32, #tpu.memory_space<vmem>>, vector<1024x128xf32>
    %get3A_2 = arith.constant 0 : index
    %get3A_3 = arith.constant 0 : index
    %get3A_4 = vector.load %arg5[%get3A_2, %get3A_3] : memref<128x128xf32, #tpu.memory_space<vmem>>, vector<128x128xf32>
    %get3A_5 = arith.constant 0 : index
    %get3A_6 = arith.constant 0 : index
    %get3A_7 = vector.load %arg6[%get3A_5, %get3A_6] : memref<1x128xf32, #tpu.memory_space<vmem>>, vector<1x128xf32>
    %get3A_8 = arith.constant 0 : index
    %get3A_9 = arith.constant 0 : index
    %get3A_10 = vector.load %arg2[%get3A_8, %get3A_9] : memref<1024x128xf32, #tpu.memory_space<vmem>>, vector<1024x128xf32>
    %get3A_11 = arith.constant 0 : index
    %get3A_12 = arith.constant 0 : index
    %get3A_13 = vector.load %arg3[%get3A_11, %get3A_12] : memref<1024x128xf32, #tpu.memory_space<vmem>>, vector<1024x128xf32>
    %get3A_14 = arith.constant 0 : index
    %get3A_15 = arith.constant 0 : index
    %get3A_16 = vector.load %arg4[%get3A_14, %get3A_15] : memref<32x1024xf32, #tpu.memory_space<vmem>>, vector<32x1024xf32>
    %reduce_sum3A = arith.constant dense<0.000000e+00> : vector<1024xf32>
    %reduce_sum3A_17 = vector.multi_reduction <add>, %get3A_16, %reduce_sum3A [0] : vector<32x1024xf32> to vector<1024xf32>
    %broadcast_in_dim3A = vector.shape_cast %reduce_sum3A_17 : vector<1024xf32> to vector<1024x1xf32>
    %max3A = arith.constant 1.000000e+00 : f32
    %max3A_18 = vector.broadcast %max3A : f32 to vector<1024x1xf32>
    %max3A_19 = arith.maximumf %broadcast_in_dim3A, %max3A_18 : vector<1024x1xf32>
    %div3A = arith.constant 1.000000e+00 : f32
    %div3A_20 = vector.broadcast %div3A : f32 to vector<1024x1xf32>
    %div3A_21 = arith.divf %div3A_20, %max3A_19 : vector<1024x1xf32>
    %dot_general3A = arith.constant dense<0.000000e+00> : vector<1024x128xf32>
    %dot_general3A_22 = tpu.matmul %get3A_1, %get3A_4, %dot_general3A {dimension_numbers = #tpu.dot_dimension_numbers<[1], [0], [0], [1], [0, 0, 1, 1], [], []>, transpose_lhs_hint = false} : vector<1024x128xf32>, vector<128x128xf32>, vector<1024x128xf32> -> vector<1024x128xf32>
    %add3A = arith.addf %get3A_10, %get3A_13 : vector<1024x128xf32>
    %mul3A = vector.broadcast %div3A_21 : vector<1024x1xf32> to vector<1024x128xf32>
    %mul3A_23 = arith.mulf %add3A, %mul3A : vector<1024x128xf32>
    %add3A_24 = arith.addf %dot_general3A_22, %mul3A_23 : vector<1024x128xf32>
    %add3A_25 = vector.broadcast %get3A_7 : vector<1x128xf32> to vector<1024x128xf32>
    %add3A_26 = arith.addf %add3A_24, %add3A_25 : vector<1024x128xf32>
    %gt3A = arith.constant 0.000000e+00 : f32
    %gt3A_27 = vector.broadcast %gt3A : f32 to vector<1024x128xf32>
    %gt3A_28 = arith.cmpf ogt, %add3A_26, %gt3A_27 : vector<1024x128xf32>
    %min3A = arith.constant 0.000000e+00 : f32
    %min3A_29 = vector.broadcast %min3A : f32 to vector<1024x128xf32>
    %min3A_30 = arith.minimumf %add3A_26, %min3A_29 : vector<1024x128xf32>
    %exp3A = math.exp %min3A_30 : vector<1024x128xf32>
    %sub3A = arith.constant 1.000000e+00 : f32
    %sub3A_31 = vector.broadcast %sub3A : f32 to vector<1024x128xf32>
    %sub3A_32 = arith.subf %exp3A, %sub3A_31 : vector<1024x128xf32>
    %select_n3A = arith.select %gt3A_28, %add3A_26, %sub3A_32 : vector<1024x128xi1>, vector<1024x128xf32>
    %swap3A = arith.constant 0 : index
    %swap3A_33 = arith.constant 0 : index
    %swap3A_34 = vector.load %arg8[%swap3A, %swap3A_33] : memref<1024x128xf32, #tpu.memory_space<vmem>>, vector<1024x128xf32>
    tpu.vector_store %arg8[%swap3A, %swap3A_33], %select_n3A {strides = array<i32>} : memref<1024x128xf32, #tpu.memory_space<vmem>>, vector<1024x128xf32>,
    %get3A_35 = arith.constant 0 : index
    %get3A_36 = arith.constant 0 : index
    %get3A_37 = vector.load %arg7[%get3A_35, %get3A_36] : memref<128x128xf32, #tpu.memory_space<vmem>>, vector<128x128xf32>
    %dot_general3A_38 = arith.constant dense<0.000000e+00> : vector<1024x128xf32>
    %dot_general3A_39 = tpu.matmul %select_n3A, %get3A_37, %dot_general3A_38 {dimension_numbers = #tpu.dot_dimension_numbers<[1], [0], [0], [1], [0, 0, 1, 1], [], []>, transpose_lhs_hint = false} : vector<1024x128xf32>, vector<128x128xf32>, vector<1024x128xf32> -> vector<1024x128xf32>
    %swap3A_40 = arith.constant 0 : index
    %swap3A_41 = arith.constant 0 : index
    %swap3A_42 = vector.load %arg9[%swap3A_40, %swap3A_41] : memref<1024x128xf32, #tpu.memory_space<vmem>>, vector<1024x128xf32>
    tpu.vector_store %arg9[%swap3A_40, %swap3A_41], %dot_general3A_39 {strides = array<i32>} : memref<1024x128xf32, #tpu.memory_space<vmem>>, vector<1024x128xf32>,
    return
  }
  func.func @transform_0(%arg0: i32) -> (i32, i32) {
    %c0_i32 = arith.constant 0 : i32
    %c0_i32_0 = arith.constant 0 : i32
    return %arg0, %c0_i32 : i32, i32
  }
  func.func @transform_1(%arg0: i32) -> (i32, i32) {
    %c0_i32 = arith.constant 0 : i32
    %c0_i32_0 = arith.constant 0 : i32
    return %arg0, %c0_i32 : i32, i32
  }
  func.func @transform_2(%arg0: i32) -> (i32, i32) {
    %add3A = arith.constant 10 : i32
    %add3A_0 = arith.addi %add3A, %arg0 : i32
    %c0_i32 = arith.constant 0 : i32
    %c0_i32_1 = arith.constant 0 : i32
    return %add3A_0, %c0_i32 : i32, i32
  }
  func.func @transform_3(%arg0: i32) -> (i32, i32) {
    %c0_i32 = arith.constant 0 : i32
    %c0_i32_0 = arith.constant 0 : i32
    return %c0_i32, %arg0 : i32, i32
  }
  func.func @transform_4(%arg0: i32) -> (i32, i32) {
    %c0_i32 = arith.constant 0 : i32
    %c0_i32_0 = arith.constant 0 : i32
    %c0_i32_1 = arith.constant 0 : i32
    return %c0_i32, %c0_i32_0 : i32, i32
  }
  func.func @transform_5(%arg0: i32) -> (i32, i32) {
    %c0_i32 = arith.constant 0 : i32
    %c0_i32_0 = arith.constant 0 : i32
    %c0_i32_1 = arith.constant 0 : i32
    return %c0_i32, %c0_i32_0 : i32, i32
  }
  func.func @transform_6(%arg0: i32) -> (i32, i32) {
    %c0_i32 = arith.constant 0 : i32
    %c0_i32_0 = arith.constant 0 : i32
    %c0_i32_1 = arith.constant 0 : i32
    return %c0_i32, %c0_i32_0 : i32, i32
  }
  func.func @transform_7(%arg0: i32) -> (i32, i32) {
    %c0_i32 = arith.constant 0 : i32
    %c0_i32_0 = arith.constant 0 : i32
    return %arg0, %c0_i32 : i32, i32
  }
  func.func @transform_8(%arg0: i32) -> (i32, i32) {
    %c0_i32 = arith.constant 0 : i32
    %c0_i32_0 = arith.constant 0 : i32
    return %arg0, %c0_i32 : i32, i32
  }
}

module attributes {stable_mosaic.version = 14 : i64} {
  func.func @_tc_last_body(%arg0: i32, %arg1: memref<1024x128xf32, #tpu.memory_space<vmem>>, %arg2: memref<1024x128xf32, #tpu.memory_space<vmem>>, %arg3: memref<1024x128xf32, #tpu.memory_space<vmem>>, %arg4: memref<32x1024xf32, #tpu.memory_space<vmem>>, %arg5: memref<128x64xf32, #tpu.memory_space<vmem>>, %arg6: memref<1x64xf32, #tpu.memory_space<vmem>>, %arg7: memref<1024x64xf32, #tpu.memory_space<vmem>>) attributes {dimension_semantics = [#tpu.dimension_semantics<arbitrary>], iteration_bounds = array<i64: 10>, scalar_prefetch = 0 : i64, scratch_operands = 0 : i64, tpu.core_type = #tpu.core_type<tc>, window_params = [{transform_indices = @transform_0, window_bounds = array<i64: 1024, 128>}, {transform_indices = @transform_1, window_bounds = array<i64: 1024, 128>}, {transform_indices = @transform_2, window_bounds = array<i64: 1024, 128>}, {transform_indices = @transform_3, window_bounds = array<i64: 32, 1024>}, {pipeline_mode = #tpu.pipeline_mode<synchronous>, transform_indices = @transform_4, window_bounds = array<i64: 128, 64>}, {pipeline_mode = #tpu.pipeline_mode<synchronous>, transform_indices = @transform_5, window_bounds = array<i64: 1, 64>}, {transform_indices = @transform_6, window_bounds = array<i64: 1024, 64>}]} {
    %get3A = arith.constant 0 : index
    %get3A_0 = arith.constant 0 : index
    %get3A_1 = vector.load %arg1[%get3A, %get3A_0] : memref<1024x128xf32, #tpu.memory_space<vmem>>, vector<1024x128xf32>
    %get3A_2 = arith.constant 0 : index
    %get3A_3 = arith.constant 0 : index
    %get3A_4 = vector.load %arg5[%get3A_2, %get3A_3] : memref<128x64xf32, #tpu.memory_space<vmem>>, vector<128x64xf32>
    %get3A_5 = arith.constant 0 : index
    %get3A_6 = arith.constant 0 : index
    %get3A_7 = vector.load %arg6[%get3A_5, %get3A_6] : memref<1x64xf32, #tpu.memory_space<vmem>>, vector<1x64xf32>
    %get3A_8 = arith.constant 0 : index
    %get3A_9 = arith.constant 0 : index
    %get3A_10 = vector.load %arg2[%get3A_8, %get3A_9] : memref<1024x128xf32, #tpu.memory_space<vmem>>, vector<1024x64xf32>
    %get3A_11 = arith.constant 0 : index
    %get3A_12 = arith.constant 0 : index
    %get3A_13 = vector.load %arg3[%get3A_11, %get3A_12] : memref<1024x128xf32, #tpu.memory_space<vmem>>, vector<1024x64xf32>
    %get3A_14 = arith.constant 0 : index
    %get3A_15 = arith.constant 0 : index
    %get3A_16 = vector.load %arg4[%get3A_14, %get3A_15] : memref<32x1024xf32, #tpu.memory_space<vmem>>, vector<32x1024xf32>
    %reduce_sum3A = arith.constant dense<0.000000e+00> : vector<1024xf32>
    %reduce_sum3A_17 = vector.multi_reduction <add>, %get3A_16, %reduce_sum3A [0] : vector<32x1024xf32> to vector<1024xf32>
    %broadcast_in_dim3A = vector.shape_cast %reduce_sum3A_17 : vector<1024xf32> to vector<1024x1xf32>
    %max3A = arith.constant 1.000000e+00 : f32
    %max3A_18 = vector.broadcast %max3A : f32 to vector<1024x1xf32>
    %max3A_19 = arith.maximumf %broadcast_in_dim3A, %max3A_18 : vector<1024x1xf32>
    %div3A = arith.constant 1.000000e+00 : f32
    %div3A_20 = vector.broadcast %div3A : f32 to vector<1024x1xf32>
    %div3A_21 = arith.divf %div3A_20, %max3A_19 : vector<1024x1xf32>
    %dot_general3A = arith.constant dense<0.000000e+00> : vector<1024x64xf32>
    %dot_general3A_22 = tpu.matmul %get3A_1, %get3A_4, %dot_general3A {dimension_numbers = #tpu.dot_dimension_numbers<[1], [0], [0], [1], [0, 0, 1, 1], [], []>, transpose_lhs_hint = false} : vector<1024x128xf32>, vector<128x64xf32>, vector<1024x64xf32> -> vector<1024x64xf32>
    %add3A = arith.addf %get3A_10, %get3A_13 : vector<1024x64xf32>
    %mul3A = vector.broadcast %div3A_21 : vector<1024x1xf32> to vector<1024x64xf32>
    %mul3A_23 = arith.mulf %add3A, %mul3A : vector<1024x64xf32>
    %add3A_24 = arith.addf %dot_general3A_22, %mul3A_23 : vector<1024x64xf32>
    %add3A_25 = vector.broadcast %get3A_7 : vector<1x64xf32> to vector<1024x64xf32>
    %add3A_26 = arith.addf %add3A_24, %add3A_25 : vector<1024x64xf32>
    %swap3A = arith.constant 0 : index
    %swap3A_27 = arith.constant 0 : index
    %swap3A_28 = vector.load %arg7[%swap3A, %swap3A_27] : memref<1024x64xf32, #tpu.memory_space<vmem>>, vector<1024x64xf32>
    tpu.vector_store %arg7[%swap3A, %swap3A_27], %add3A_26 {strides = array<i32>} : memref<1024x64xf32, #tpu.memory_space<vmem>>, vector<1024x64xf32>,
    return
  }
  func.func @transform_0(%arg0: i32) -> (i32, i32) {
    %c0_i32 = arith.constant 0 : i32
    %c0_i32_0 = arith.constant 0 : i32
    return %arg0, %c0_i32 : i32, i32
  }
  func.func @transform_1(%arg0: i32) -> (i32, i32) {
    %c0_i32 = arith.constant 0 : i32
    %c0_i32_0 = arith.constant 0 : i32
    return %arg0, %c0_i32 : i32, i32
  }
  func.func @transform_2(%arg0: i32) -> (i32, i32) {
    %add3A = arith.constant 10 : i32
    %add3A_0 = arith.addi %add3A, %arg0 : i32
    %c0_i32 = arith.constant 0 : i32
    %c0_i32_1 = arith.constant 0 : i32
    return %add3A_0, %c0_i32 : i32, i32
  }
  func.func @transform_3(%arg0: i32) -> (i32, i32) {
    %c0_i32 = arith.constant 0 : i32
    %c0_i32_0 = arith.constant 0 : i32
    return %c0_i32, %arg0 : i32, i32
  }
  func.func @transform_4(%arg0: i32) -> (i32, i32) {
    %c0_i32 = arith.constant 0 : i32
    %c0_i32_0 = arith.constant 0 : i32
    %c0_i32_1 = arith.constant 0 : i32
    return %c0_i32, %c0_i32_0 : i32, i32
  }
  func.func @transform_5(%arg0: i32) -> (i32, i32) {
    %c0_i32 = arith.constant 0 : i32
    %c0_i32_0 = arith.constant 0 : i32
    %c0_i32_1 = arith.constant 0 : i32
    return %c0_i32, %c0_i32_0 : i32, i32
  }
  func.func @transform_6(%arg0: i32) -> (i32, i32) {
    %c0_i32 = arith.constant 0 : i32
    %c0_i32_0 = arith.constant 0 : i32
    return %arg0, %c0_i32 : i32, i32
  }
}

</mosaic_0001>

<sc_bundles>
// kernel: kernel.12.cloned.1.call-start
scs
__scs_entry_jumppad:
0x0: {  	(pc) =	sbr.rel $0x88, $3  }
0x1: {  	(tag) =	ssettag $0x0;
	lr =	simm.s32 $0x1  }
0x2: {  	[smem:$0x3F96] =	sst lr;
	_ =	strace $0xD0000000  }
0x3: {  	_ = 	snop  }
0x4: {  	_ = 	snop  }
0x5: {  	_ = 	snop  }
0x6: {  	_ = 	snop  }
0x7: {  	_ = 	snop  }
__scs_overlays_trampoline_lowered:
0x8: {  	[smem:$0x3FA5] =	sst s0  }
0x9: {  	[smem:$0x3FA6] =	sst s1  }
0xa: {  	[smem:$0x3FA7] =	sst s2  }
0xb: {  	[smem:$0x3FA8] =	sst s3  }
0xc: {  	[smem:$0x3FA9] =	sst s4  }
0xd: {  	[smem:$0x3FAA] =	sst s5  }
0xe: {  	[smem:$0x3FAB] =	sst s6  }
0xf: {  	[smem:$0x3FAC] =	sst s7  }
0x10: {  	[smem:$0x3FAD] =	sst s8  }
0x11: {  	[smem:$0x3FAE] =	sst s9;
	s0 =	simm.s32 @!p0 $0x0  }
0x12: {  	s1 =	sld [smem:$0x3F94];
	s0 =	simm.s32 @p0 $0x1  }
0x13: {  	[smem:$0x3FAF] =	sst s0;
	s0 =	simm.s32 @!p1 $0x0  }
0x14: {  	s2 =	sld [smem:$0x3F93];
	s0 =	simm.s32 @p1 $0x1  }
0x15: {  	[smem:$0x3FB0] =	sst s0;
	s0 =	simm.s32 @!p2 $0x0  }
0x16: {  	s3 =	sld [smem:$0x3FDB];
	s0 =	simm.s32 @p2 $0x1  }
0x17: {  	s4 =	simm.s32 $0x1BF5;
	[smem:$0x3FB2] =	sst s0  }
0x18: {  	s0 =	sld [smem:$0x3F95];
	_ =	swait.ge [sflag:s4], $0x0  }
0x19: {  	s7 =	sld [smem:$0x3F96]  }
0x1a: {  	s8 =	sadd.s32 $0xFFFFE003, lr  }
0x1b: {  	s9 =	sadd.s32 $0xFFFFFEF7, lr;
	s5 =	simm.s32 $0xFFFFFFFF;
	p2 =	slt.u32 s8, $0xFFFFF086  }
0x1c: {  	p1 =	slt.u32 s9, $0xF7A;
	s5 =	simm.s32 @!p2 $0x0  }
0x1d: {  	s5 =	simm.s32 @p1 $0x1;
	p0 =	seq.s32 s7, s2  }
0x1e: {  	s7 =	smul.u32 @!p0 $0xF7A, s2;
	p2 =	seq.s32 @!p0 s5, $0x0  }
0x1f: {  	s9 =	smul.u32 $0xF7A, s1;
	s8 =	simm.s32 @!p0 $0x1BF5;
	p2 =	por !p2, p0  }
0x20: {  	[sflag:s8] =	ssyncset.s32 @!p0 $0xFFFFF086;
	s6 =	sadd.s32 @!p0 s3, s7;
	s7 =	simm.s32 @!p0 $0x108  }
0x21: {  	s3 =	sadd.s32 s3, s9;
	s6 =	sadd.s32 @!p0 $0x88, s6;
	s7 =	simm.s32 @p2 $0x1082  }
0x22: {  	[simem:s7], [sflag:s8] =	dma.local @!p0 [hbm:s6], $0xF7A  }
0x23: {  	s9 =	sor.u32 $0xD0000000, s2;
	s6 =	simm.s32 $0x108;
	_ =	swait.ge @!p0 [sflag:s8], $0x0  }
0x24: {  	s3 =	sadd.s32 $0x88, s3;
	s6 =	simm.s32 @!p1 $0x1082;
	[sflag:s4] =	ssyncset.s32 $0xFFFFF086  }
0x25: {  	[simem:s6], [sflag:s4] =	dma.local [hbm:s3], $0xF7A  }
0x26: {  	[smem:$0x3F96] =	sst s1;
	(tag) =	ssettag s2;
	_ =	strace s9  }
0x27: {  	s1 =	sld [smem:$0x3FA6]  }
0x28: {  	s2 =	sld [smem:$0x3FA7]  }
0x29: {  	s4 =	sld [smem:$0x3FA9]  }
0x2a: {  	p0 =	seq.s32 s5, $0x0;
	s5 =	sld [smem:$0x3FAA]  }
0x2b: {  	s6 =	sld [smem:$0x3FAB]  }
0x2c: {  	s7 =	sld [smem:$0x3FAC]  }
0x2d: {  	s3 =	simm.s32 $0x108;
	s8 =	sld [smem:$0x3FAD]  }
0x2e: {  	s3 =	simm.s32 @!p0 $0x1082;
	s9 =	sld [smem:$0x3FAE]  }
0x2f: {  	lr =	sadd.s32 s0, s3;
	s0 =	sld [smem:$0x3FA5]  }
0x30: {  	s3 =	sld [smem:$0x3FA8]  }
0x31: {  	[smem:$0x3FB1] =	sst s10  }
0x32: {  	s10 =	sld [smem:$0x3FAF];
	_ =	sdelay $0x3  }
0x33: {  	p0 =	seq.s32 s10, $0x1;
	s10 =	sld [smem:$0x3FB1];
	_ =	sdelay $0x3  }
0x34: {  	[smem:$0x3FB1] =	sst s10  }
0x35: {  	s10 =	sld [smem:$0x3FB0];
	_ =	sdelay $0x3  }
0x36: {  	p1 =	seq.s32 s10, $0x1;
	s10 =	sld [smem:$0x3FB1];
	_ =	sdelay $0x3  }
0x37: {  	[smem:$0x3FB1] =	sst s10  }
0x38: {  	s10 =	sld [smem:$0x3FB2]  }
0x39: {  	_ = 	snop;
	(pc) =	sbr.ind lr, $3  }
0x3a: {  	_ = 	snop  }
0x3b: {  	_ = 	snop  }
0x3c: {  	p2 =	seq.s32 s10, $0x1;
	s10 =	sld [smem:$0x3FB1]  }
0x3d: {  	_ =	shalt  }
0x3e: {  	_ =	shalt  }
0x3f: {  	_ =	shalt  }
0x40: {  	_ =	shalt  }
0x41: {  	_ =	shalt  }
0x42: {  	_ =	shalt  }
0x43: {  	_ =	shalt  }
0x44: {  	_ =	shalt  }
0x45: {  	_ =	shalt  }
0x46: {  	_ =	shalt  }
0x47: {  	_ =	shalt  }
0x48: {  	_ =	shalt  }
0x49: {  	_ =	shalt  }
0x4a: {  	_ =	shalt  }
0x4b: {  	_ =	shalt  }
0x4c: {  	_ =	shalt  }
0x4d: {  	_ =	shalt  }
0x4e: {  	_ =	shalt  }
0x4f: {  	_ =	shalt  }
0x50: {  	_ =	shalt  }
0x51: {  	_ =	shalt  }
0x52: {  	_ =	shalt  }
0x53: {  	_ =	shalt  }
0x54: {  	_ =	shalt  }
0x55: {  	_ =	shalt  }
0x56: {  	_ =	shalt  }
0x57: {  	_ =	shalt  }
0x58: {  	_ =	shalt  }
0x59: {  	_ =	shalt  }
0x5a: {  	_ =	shalt  }
0x5b: {  	_ =	shalt  }
0x5c: {  	_ =	shalt  }
0x5d: {  	_ =	shalt  }
0x5e: {  	_ =	shalt  }
0x5f: {  	_ =	shalt  }
0x60: {  	_ =	shalt  }
0x61: {  	_ =	shalt  }
0x62: {  	_ =	shalt  }
0x63: {  	_ =	shalt  }
0x64: {  	_ =	shalt  }
0x65: {  	_ =	shalt  }
0x66: {  	_ =	shalt  }
0x67: {  	_ =	shalt  }
0x68: {  	_ =	shalt  }
0x69: {  	_ =	shalt  }
0x6a: {  	_ =	shalt  }
0x6b: {  	_ =	shalt  }
0x6c: {  	_ =	shalt  }
0x6d: {  	_ =	shalt  }
0x6e: {  	_ =	shalt  }
0x6f: {  	_ =	shalt  }
0x70: {  	_ =	shalt  }
0x71: {  	_ =	shalt  }
0x72: {  	_ =	shalt  }
0x73: {  	_ =	shalt  }
0x74: {  	_ =	shalt  }
0x75: {  	_ =	shalt  }
0x76: {  	_ =	shalt  }
0x77: {  	_ =	shalt  }
0x78: {  	_ =	shalt  }
0x79: {  	_ =	shalt  }
0x7a: {  	_ =	shalt  }
0x7b: {  	_ =	shalt  }
0x7c: {  	_ =	shalt  }
0x7d: {  	_ =	shalt  }
0x7e: {  	_ =	shalt  }
0x7f: {  	_ =	shalt  }
0x80: {  	_ =	shalt  }
0x81: {  	_ =	shalt  }
0x82: {  	_ =	shalt  }
0x83: {  	_ =	shalt  }
0x84: {  	_ =	shalt  }
0x85: {  	_ =	shalt  }
0x86: {  	_ =	shalt  }
0x87: {  	_ =	shalt  }
.Lfunc_end0:
.L_simem_size_0:
called_computation.1_lowered:
.L_overlay_start_0:
0x88: {  	s2 =	sld [smem:$0x3FD9]  }
0x89: {  	s3 =	sld [smem:$0x3FFE];
	_ =	sdelay $0x1  }
0x8a: {  	s1 =	srdreg.scid  }
0x8b: {  	s0 =	sand.u32 $0x1, s1  }
0x8c: {  	s16 =	sshll.u32 s0, $0xA;
	s2 =	sadd.s32 s3, s2  }
0x8d: {  	s2 =	sadd.s32 s2, s16  }
0x8e: {  	[smem:$0x3FBD] =	sst s2  }
0x8f: {  	_ = 	snop  }
0x90: {  	(tm) =	ssettm $0x1  }
0x91: {  	s17 =	sld [smem:$0x3FFB];
	_ =	sdelay $0x3  }
0x92: {  	_ =	strace s17  }
0x93: {  	s2 =	sld [smem:$0x3FFC];
	_ =	sdelay $0x3  }
0x94: {  	_ =	strace s2  }
0x95: {  	s2 =	sld [smem:$0x3FFD];
	_ =	sdelay $0x3  }
0x96: {  	_ =	strace s2  }
0x97: {  	_ =	strace $0x8FFFFFFF  }
0x98: {  	s18 =	sld [smem:$0x3FDB];
	_ =	sdelay $0x1  }
0x99: {  	s19 =	simm.s32 $_scs_section_size  }
0x9a: {  	s4 =	simm.s32 $_size__tile_overlayer_lowered;
	s5 =	simm.s32 $_tile_overlayer_lowered  }
0x9b: {  	s22 =	simm.s32 $0x1BFF;
	s21 =	sshll.u32 s5, $0x1;
	s2 =	sadd.s32 s19, s18  }
0x9c: {  	s6 =	simm.s32 $0x0;
	s20 =	sshll.u32 s4, $0x1;
	s4 =	sadd.s32 s21, s2  }
0x9d: {  	[timem:s6], [sflag:s22] =	dma.local [hbm:s4], s20  }
0x9e: {  	_ =	swait.ge [sflag:s22], s20  }
0x9f: {  	s3 =	ssub.s32 $0x0, s20;
	[sflag:s22] =	ssyncset.done $0x0  }
0xa0: {  	[sflag:s22] =	ssyncadd.s32 s3;
	_ =	sdelay $0x1  }
0xa1: {  	s23 =	simm.s32 $0x1B8B  }
0xa2: {  	_ =	swait.ge [sflag:s23], $0x1  }
0xa3: {  	[sflag:s23] =	ssyncset.done $0x0  }
0xa4: {  	s25 =	simm.s32 $0x1B8E;
	s24 =	sld [smem:$0x3FFE];
	[sflag:s23] =	ssyncadd.s32 $0xFFFFFFFF  }
0xa5: {  	s26 =	simm.s32 $execute0_lowered;
	[smem:$0x3FD2] =	sst s25  }
0xa6: {  	s4 =	sshll.u32 s26, $0x1;
	_ =	strace $0x80000049;
	[dreg:$0x1] =	wrdreg $0xFFFFFFFF  }
0xa7: {  	s28 =	simm.s32 $_size_execute0_lowered;
	s2 =	sadd.s32 s2, s4;
	[dreg:$0x0] =	wrdreg $0x0  }
0xa8: {  	s4 =	sshll.u32 s28, $0x1;
	[dreg:$0x2] =	wrdreg s2  }
0xa9: {  	[dreg:$0x3] =	wrdreg s4  }
0xaa: {  	[dreg:$0x4] =	wrdreg $0xC0  }
0xab: {  	_ =	task [dreg:s6], $0x5FFFF  }
0xac: {  	[dreg:$0x1] =	wrdreg $0xFFFFFFFF  }
0xad: {  	[dreg:$0x0] =	wrdreg $0x60  }
0xae: {  	[dreg:$0x2] =	wrdreg s24  }
0xaf: {  	[dreg:$0x3] =	wrdreg $0x82000  }
0xb0: {  	[dreg:$0x4] =	wrdreg $0x9  }
0xb1: {  	_ =	task.clear_ibuf [dreg:s6], $0x5FFFF;
	_ =	strace $0x90000049  }
0xb2: {  	s29 =	simm.s32 $0x9;
	_ =	strace $0x8000004B  }
0xb3: {  	_ =	swait.ge [sflag:s29], $0x1  }
0xb4: {  	[sflag:s29] =	ssyncadd.s32 $0xFFFFFFFF  }
0xb5: {  	_ =	strace $0x9000004B  }
0xb6: {  	_ =	sfence  }
0xb7: {  	s30 =	sld [smem:$0x0];
	_ =	sdelay $0x2  }
0xb8: {  	s31 =	sshll.u32 s1, $0xD;
	s1 =	sshrl.u32 s1, $0x2  }
0xb9: {  	s3 =	sand.u32 $0x4000, s31;
	s1 =	sadd.s32 s1, s30  }
0xba: {  	s0 =	sor.u32 s3, s0;
	s1 =	sshll.u32 s1, $0x11  }
0xbb: {  	s0 =	sor.u32 s1, s0  }
0xbc: {  	s0 =	sadd.s32 $0x8F2B, s0  }
0xbd: {  	[sflag:s0] =	ssyncadd.remote.s32 $0x1  }
0xbe: {  	_ =	sfence.sel $0xFFFF  }
0xbf: {  	[dreg:$0x0] =	wrdreg $0xFFFFFFFF;
	(pc) =	sbr.abs _section_cstart, $3  }
0xc0: {  	[dreg:$0x1] =	wrdreg $0xFFFFFFFF  }
0xc1: {  	_ =	task.clear_ibuf [dreg:s6], $0x2FFFF;
	_ =	strace $0x9FFFFFFF  }
0xc2: {  	(tm) =	ssettm $0x7FFFFFFF  }
0xc3: {  	_ =	shalt  }
tec
execute0_lowered:
.L_overlay_start_1:
0x0: {  	(tag) =	ssettag $0x1  }
0x1: {  	s0 =	rddreg [dreg:$0x0]  }
0x2: {  	s2 =	rddreg [dreg:$0x1]  }
0x3: {  	s1 =	srdreg.scid;
	s16 =	stileid.u32;
	s3 =	simm.s32 $0x0  }
0x4: {  	s13 =	simm.s32 $0x4C;
	s28 =	simm.s32 $0x200;
	s29 =	simm.s32 $0x4  }
0x5: {  	s30 =	simm.s32 $0x100;
	s31 =	simm.s32 $0x1;
	s1 =	sand.u32 $0x1, s1  }
0x6: {  	s7 =	smul.u32 $0x280, s16;
	[smem:$0x7FF] =	sst s3;
	s4 =	sadd.s32 $0x16600, s0  }
0x7: {  	s5 =	sadd.s32 $0xC800, s0;
	s6 =	sadd.s32 $0x2A00, s0;
	s11 =	smul.u32 $0x50000, s16  }
0x8: {  	s14 =	sadd.s32 $0x3E600, s0;
	s8 =	smul.u32 $0x2800, s1;
	_ =	strace $0x8000004A  }
0x9: {  	[dreg:$0x3] =	wrdreg s14;
	s15 =	ssub.s32 $0x2, s1;
	s10 =	sshll.u32 s1, $0x4  }
0xa: {  	s1 =	smul.u32 $0x26800, s1;
	s9 =	sshrl.u32 s15, $0x1;
	s17 =	sor.u32 s16, s10  }
0xb: {  	s11 =	sshrl.u32 s11, $0x2;
	s16 =	smul.u32 $0x2680, s16;
	s7 =	sadd.s32 s7, s8  }
0xc: {  	s18 =	smin.u32 s17, $0x12;
	s10 =	smul.u32 $0x2680, s17;
	p0 =	sgt.u32 s17, $0x11  }
0xd: {  	s8 =	sadd.s32 s11, s2;
	s7 =	sshll.u32 s7, $0x4;
	s14 =	sshll.u32 s18, $0x8  }
0xe: {  	s11 =	sadd.s32 $0x8000, s8;
	s12 =	sadd.s32 $0xC000, s8;
	s13 =	simm.s32 @!p0 $0x4E  }
0xf: {  	s1 =	sadd.s32 s16, s1;
	s16 =	simm.s32 $0x0;
	s0 =	sadd.s32 s7, s0  }
0x10: {  	s7 =	ssub.s32 s15, s9;
	s9 =	sadd.s32 s10, s14;
	s10 =	sadd.s32 $0x4000, s8  }
0x11: {  	s21 =	sshrl.u32 s13, $0x1;
	s1 =	sadd.s32 s14, s1;
	s14 =	simm.s32 $0x4200  }
0x12: {  	s15 =	sshrl.u32 s9, $0x3;
	s23 =	sadd.s32 $0x3EE00, s0;
	s24 =	sadd.s32 $0x3F600, s0  }
0x13: {  	s25 =	sadd.s32 $0x3FE00, s0;
	s26 =	sadd.s32 $0x40600, s0;
	[dreg:$0x8] =	wrdreg s23  }
0x14: {  	s22 =	sadd.s32 $0x40E00, s0;
	s0 =	simm.s32 $0x80;
	[dreg:$0x9] =	wrdreg s24  }
0x15: {  	s17 =	sadd.s32 s5, s15;
	s19 =	sadd.s32 s6, s15;
	[dreg:$0xa] =	wrdreg s25  }
0x16: {  	s15 =	sadd.s32 $0x10, s15;
	[dreg:$0xb] =	wrdreg s26;
	s23 =	smax.u32 s7, $0x1  }
0x17: {  	s24 =	sadd.s32 $0xFFFFFFFF, s21;
	s26 =	sadd.s32 $0x10000, s8;
	[dreg:$0x4] =	wrdreg s17  }
0x18: {  	s7 =	simm.s32 $0x2;
	[dreg:$0x5] =	wrdreg s19;
	s20 =	sadd.s32 s5, s15  }
0x19: {  	s15 =	sadd.s32 s6, s15;
	s19 =	sadd.s32 $0x100, s1;
	[dreg:$0x6] =	wrdreg s20  }
0x1a: {  	s1 =	simm.s32 $0x180;
	[dreg:$0x7] =	wrdreg s15;
	s15 =	simm.s32 $0x3  }
.LBB2_1:
0x1b: {  	s17 =	rddreg [dreg:$0x3]  }
0x1c: {  	[tilespmem:s28], [sflag:$0x4] =	stream.linear.gather [hbm4b:s17+s3], $0x4000, $0x38;
	[tilespmem:$0x1C200] =	vst v63  }
0x1d: {  	_ =	swait.ge [sflag:s29], $0x4000  }
0x1e: {  	[sflag:s29] =	ssyncset.done $0x0  }
0x1f: {  	[sflag:s29] =	ssyncadd.s32 $0xFFFFC000  }
0x20: {  	[spmem:s8] =	stream.linear.scatter [tilespmem:s28], [sflag:$0x3], $0x4000, $0x38;
	[tilespmem:$0x1C200] =	vst v63  }
0x21: {  	_ = 	snop  }
0x22: {  	[spmem:s10] =	stream.linear.scatter [tilespmem:s28], [sflag:$0x3], $0x4000, $0x38;
	[tilespmem:$0x1C200] =	vst v63  }
0x23: {  	_ = 	snop  }
0x24: {  	[spmem:s11] =	stream.linear.scatter [tilespmem:s28], [sflag:$0x3], $0x4000, $0x38;
	[tilespmem:$0x1C200] =	vst v63  }
0x25: {  	_ = 	snop  }
0x26: {  	[spmem:s12] =	stream.linear.scatter [tilespmem:s28], [sflag:$0x3], $0x4000, $0x38;
	[tilespmem:$0x1C200] =	vst v63  }
0x27: {  	_ = 	snop  }
0x28: {  	[spmem:s26] =	stream.linear.scatter [tilespmem:s28], [sflag:$0x3], $0x4000, $0x38;
	[tilespmem:$0x1C200] =	vst v63  }
0x29: {  	_ =	swait.ge [sflag:s15], $0x4000  }
0x2a: {  	[sflag:s15] =	ssyncset.done $0x0  }
0x2b: {  	[sflag:s15] =	ssyncadd.s32 $0xFFFFC000  }
0x2c: {  	_ =	swait.ge [sflag:s15], $0x4000  }
0x2d: {  	[sflag:s15] =	ssyncset.done $0x0  }
0x2e: {  	[sflag:s15] =	ssyncadd.s32 $0xFFFFC000  }
0x2f: {  	_ =	swait.ge [sflag:s15], $0x4000  }
0x30: {  	[sflag:s15] =	ssyncset.done $0x0  }
0x31: {  	[sflag:s15] =	ssyncadd.s32 $0xFFFFC000  }
0x32: {  	_ =	swait.ge [sflag:s15], $0x4000  }
0x33: {  	[sflag:s15] =	ssyncset.done $0x0  }
0x34: {  	[sflag:s15] =	ssyncadd.s32 $0xFFFFC000  }
0x35: {  	_ =	swait.ge [sflag:s15], $0x4000  }
0x36: {  	[sflag:s15] =	ssyncset.done $0x0  }
0x37: {  	[sflag:s15] =	ssyncadd.s32 $0xFFFFC000  }
0x38: {  	[bflag:$0x0] =	sbarrier.arrive $0xFFFF  }
0x39: {  	s21 =	rddreg [dreg:$0x4]  }
0x3a: {  	[tilespmem:s3], [sflag:$0x1] =	stream.linear.gather [hbm4b:s21+s3], $0x80, $0x38;
	[tilespmem:$0x1C200] =	vst v63  }
0x3b: {  	s25 =	rddreg [dreg:$0x5]  }
0x3c: {  	[tilespmem:s30], [sflag:$0x1] =	stream.linear.gather [hbm4b:s25+s3], $0x80, $0x38;
	[tilespmem:$0x1C200] =	vst v63  }
0x3d: {  	_ =	swait.ge [sflag:s31], $0x80  }
0x3e: {  	[sflag:s31] =	ssyncset.done $0x0  }
0x3f: {  	[sflag:s31] =	ssyncadd.s32 $0xFFFFFF80  }
0x40: {  	_ =	swait.ge [sflag:s31], $0x80  }
0x41: {  	[sflag:s31] =	ssyncset.done $0x0  }
0x42: {  	[sflag:s31] =	ssyncadd.s32 $0xFFFFFF80  }
0x43: {  	[tilespmem:s28], [sflag:$0x2] =	stream.indirect.gather [hbm4b:s4+s0], $0x80, s3, s0, $0xb8;
	[tilespmem:$0x1C200] =	vst v63  }
0x44: {  	s18 =	rddreg [dreg:$0x6]  }
0x45: {  	[tilespmem:s0], [sflag:$0x1] =	stream.linear.gather [hbm4b:s18+s3], $0x80, $0x38;
	[tilespmem:$0x1C200] =	vst v63  }
0x46: {  	s20 =	rddreg [dreg:$0x7]  }
0x47: {  	[tilespmem:s1], [sflag:$0x1] =	stream.linear.gather [hbm4b:s20+s3], $0x80, $0x38;
	[tilespmem:$0x1C200] =	vst v63  }
0x48: {  	_ =	swait.ge [sflag:s7], $0x4000  }
0x49: {  	[sflag:s7] =	ssyncset.done $0x0  }
0x4a: {  	[sflag:s7] =	ssyncadd.s32 $0xFFFFC000  }
0x4b: {  	_ =	swait.ge [sflag:s31], $0x80  }
0x4c: {  	[sflag:s31] =	ssyncset.done $0x0  }
0x4d: {  	[sflag:s31] =	ssyncadd.s32 $0xFFFFFF80  }
0x4e: {  	_ =	swait.ge [sflag:s31], $0x80  }
0x4f: {  	[sflag:s31] =	ssyncset.done $0x0  }
0x50: {  	[sflag:s31] =	ssyncadd.s32 $0xFFFFFF80  }
0x51: {  	[tilespmem:s14], [sflag:$0x2] =	stream.indirect.gather [hbm4b:s4+s0], $0x80, s0, s0, $0xb8;
	[tilespmem:$0x1C200] =	vst v63  }
0x52: {  	_ = 	snop  }
0x53: {  	[spmem:s2] =	stream.indirect.scatter.add.f32 [tilespmem:s28], [sflag:$0x3], $0x80, s30, s0, $0xb8;
	[tilespmem:$0x1C200] =	vst v63  }
0x54: {  	_ =	swait.ge [sflag:s15], $0x4000  }
0x55: {  	s21 =	sshrl.u32 s19, $0x3;
	[sflag:s15] =	ssyncset.done $0x0  }
0x56: {  	s18 =	sadd.s32 s5, s21;
	[sflag:s15] =	ssyncadd.s32 $0xFFFFC000  }
0x57: {  	[tilespmem:s3], [sflag:$0x1] =	stream.linear.gather [hbm4b:s18+s3], $0x80, $0x38;
	[tilespmem:$0x1C200] =	vst v63  }
0x58: {  	s17 =	sadd.s32 s6, s21  }
0x59: {  	[tilespmem:s30], [sflag:$0x1] =	stream.linear.gather [hbm4b:s17+s3], $0x80, $0x38;
	[tilespmem:$0x1C200] =	vst v63  }
0x5a: {  	_ =	swait.ge [sflag:s7], $0x4000  }
0x5b: {  	[sflag:s7] =	ssyncset.done $0x0  }
0x5c: {  	[sflag:s7] =	ssyncadd.s32 $0xFFFFC000  }
0x5d: {  	_ =	swait.ge [sflag:s31], $0x80  }
0x5e: {  	[sflag:s31] =	ssyncset.done $0x0  }
0x5f: {  	[sflag:s31] =	ssyncadd.s32 $0xFFFFFF80  }
0x60: {  	_ =	swait.ge [sflag:s31], $0x80  }
0x61: {  	p0 =	sgt.s32 s13, $0x3;
	s17 =	smov.u32 s13;
	[sflag:s31] =	ssyncset.done $0x0  }
0x62: {  	s17 =	smov.u32 @p0 s15;
	[sflag:s31] =	ssyncadd.s32 $0xFFFFFF80  }
0x63: {  	[tilespmem:s28], [sflag:$0x2] =	stream.indirect.gather [hbm4b:s4+s0], $0x80, s3, s0, $0xb8;
	[tilespmem:$0x1C200] =	vst v63  }
0x64: {  	p0 =	sne.s32 s24, $0x1;
	s17 =	sshll.u32 s17, $0x7  }
0x65: {  	[spmem:s2] =	stream.indirect.scatter.add.f32 [tilespmem:s14], [sflag:$0x3], $0x80, s1, s0, $0xb8;
	[tilespmem:$0x1C200] =	vst v63  }
.Ltmp0:
0x66: {  	s17 =	sadd.s32 s9, s17;
	_ =	swait.ge [sflag:s15], $0x4000;
	(pc) =	sbr.rel @!p0 .LBB2_3-.Ltmp0, $4  }
0x67: {  	s17 =	sshrl.u32 s17, $0x3;
	[sflag:s15] =	ssyncset.done $0x0  }
0x68: {  	s18 =	sadd.s32 $0xFFFFFFFF, s24;
	s25 =	sadd.s32 s5, s17;
	[sflag:s15] =	ssyncadd.s32 $0xFFFFC000  }
0x69: {  	[tilespmem:s0], [sflag:$0x1] =	stream.linear.gather [hbm4b:s25+s3], $0x80, $0x38;
	[tilespmem:$0x1C200] =	vst v63  }
0x6a: {  	s20 =	sadd.s32 s6, s17;
	s17 =	simm.s32 $0x3;
	s25 =	smov.u32 s19  }
.LBB2_2:
0x6b: {  	p0 =	sne.s32 s18, $0x1;
	s17 =	sadd.s32 $0x2, s17;
	s25 =	sadd.s32 $0x100, s25  }
0x6c: {  	[tilespmem:s1], [sflag:$0x1] =	stream.linear.gather [hbm4b:s20+s3], $0x80, $0x38;
	[tilespmem:$0x1C200] =	vst v63  }
0x6d: {  	s18 =	sadd.s32 $0xFFFFFFFF, s18;
	_ =	swait.ge [sflag:s7], $0x4000  }
0x6e: {  	[sflag:s7] =	ssyncset.done $0x0  }
0x6f: {  	[sflag:s7] =	ssyncadd.s32 $0xFFFFC000  }
0x70: {  	_ =	swait.ge [sflag:s31], $0x80  }
0x71: {  	[sflag:s31] =	ssyncset.done $0x0  }
0x72: {  	[sflag:s31] =	ssyncadd.s32 $0xFFFFFF80  }
0x73: {  	_ =	swait.ge [sflag:s31], $0x80  }
0x74: {  	[sflag:s31] =	ssyncset.done $0x0  }
0x75: {  	[sflag:s31] =	ssyncadd.s32 $0xFFFFFF80  }
0x76: {  	[tilespmem:s14], [sflag:$0x2] =	stream.indirect.gather [hbm4b:s4+s0], $0x80, s0, s0, $0xb8;
	[tilespmem:$0x1C200] =	vst v63  }
0x77: {  	_ = 	snop  }
0x78: {  	[spmem:s2] =	stream.indirect.scatter.add.f32 [tilespmem:s28], [sflag:$0x3], $0x80, s30, s0, $0xb8;
	[tilespmem:$0x1C200] =	vst v63  }
0x79: {  	_ =	swait.ge [sflag:s15], $0x4000  }
0x7a: {  	s20 =	sshrl.u32 s25, $0x3;
	[sflag:s15] =	ssyncset.done $0x0  }
0x7b: {  	s21 =	sadd.s32 s5, s20;
	[sflag:s15] =	ssyncadd.s32 $0xFFFFC000  }
0x7c: {  	[tilespmem:s3], [sflag:$0x1] =	stream.linear.gather [hbm4b:s21+s3], $0x80, $0x38;
	[tilespmem:$0x1C200] =	vst v63  }
0x7d: {  	s20 =	sadd.s32 s6, s20  }
0x7e: {  	[tilespmem:s30], [sflag:$0x1] =	stream.linear.gather [hbm4b:s20+s3], $0x80, $0x38;
	[tilespmem:$0x1C200] =	vst v63  }
0x7f: {  	_ =	swait.ge [sflag:s7], $0x4000  }
0x80: {  	[sflag:s7] =	ssyncset.done $0x0  }
0x81: {  	[sflag:s7] =	ssyncadd.s32 $0xFFFFC000  }
0x82: {  	_ =	swait.ge [sflag:s31], $0x80  }
0x83: {  	[sflag:s31] =	ssyncset.done $0x0  }
0x84: {  	[sflag:s31] =	ssyncadd.s32 $0xFFFFFF80  }
0x85: {  	_ =	swait.ge [sflag:s31], $0x80  }
0x86: {  	[sflag:s31] =	ssyncset.done $0x0  }
0x87: {  	p1 =	slt.s32 s17, s13;
	s20 =	smov.u32 s13;
	[sflag:s31] =	ssyncadd.s32 $0xFFFFFF80  }
0x88: {  	[tilespmem:s28], [sflag:$0x2] =	stream.indirect.gather [hbm4b:s4+s0], $0x80, s3, s0, $0xb8;
	[tilespmem:$0x1C200] =	vst v63  }
0x89: {  	s20 =	smov.u32 @p1 s17  }
0x8a: {  	[spmem:s2] =	stream.indirect.scatter.add.f32 [tilespmem:s14], [sflag:$0x3], $0x80, s1, s0, $0xb8;
	[tilespmem:$0x1C200] =	vst v63  }
.Ltmp1:
0x8b: {  	s20 =	sshll.u32 s20, $0x7;
	_ =	swait.ge [sflag:s15], $0x4000;
	(pc) =	sbr.rel @p0 .LBB2_2-.Ltmp1, $4  }
0x8c: {  	s20 =	sadd.s32 s9, s20;
	[sflag:s15] =	ssyncset.done $0x0  }
0x8d: {  	s20 =	sshrl.u32 s20, $0x3;
	[sflag:s15] =	ssyncadd.s32 $0xFFFFC000  }
0x8e: {  	s21 =	sadd.s32 s5, s20;
	s20 =	sadd.s32 s6, s20  }
0x8f: {  	[tilespmem:s0], [sflag:$0x1] =	stream.linear.gather [hbm4b:s21+s3], $0x80, $0x38;
	[tilespmem:$0x1C200] =	vst v63  }
.LBB2_3:
0x90: {  	[tilespmem:s1], [sflag:$0x1] =	stream.linear.gather [hbm4b:s20+s3], $0x80, $0x38;
	[tilespmem:$0x1C200] =	vst v63  }
0x91: {  	_ =	swait.ge [sflag:s7], $0x4000  }
0x92: {  	[sflag:s7] =	ssyncset.done $0x0  }
0x93: {  	[sflag:s7] =	ssyncadd.s32 $0xFFFFC000  }
0x94: {  	_ =	swait.ge [sflag:s31], $0x80  }
0x95: {  	[sflag:s31] =	ssyncset.done $0x0  }
0x96: {  	s17 =	sadd.s32 $0x2, s17;
	[sflag:s31] =	ssyncadd.s32 $0xFFFFFF80  }
0x97: {  	s18 =	sadd.s32 $0xFFFFFFFF, s17;
	_ =	swait.ge [sflag:s31], $0x80  }
0x98: {  	s20 =	smov.u32 s13;
	p0 =	slt.s32 s18, s13;
	[sflag:s31] =	ssyncset.done $0x0  }
0x99: {  	s20 =	smov.u32 @p0 s18;
	[sflag:s31] =	ssyncadd.s32 $0xFFFFFF80  }
0x9a: {  	[tilespmem:s14], [sflag:$0x2] =	stream.indirect.gather [hbm4b:s4+s0], $0x80, s0, s0, $0xb8;
	[tilespmem:$0x1C200] =	vst v63  }
0x9b: {  	s18 =	sshll.u32 s20, $0x7  }
0x9c: {  	[spmem:s2] =	stream.indirect.scatter.add.f32 [tilespmem:s28], [sflag:$0x3], $0x80, s30, s0, $0xb8;
	[tilespmem:$0x1C200] =	vst v63  }
0x9d: {  	s18 =	sadd.s32 s9, s18;
	_ =	swait.ge [sflag:s15], $0x4000  }
0x9e: {  	s18 =	sshrl.u32 s18, $0x3;
	[sflag:s15] =	ssyncset.done $0x0  }
0x9f: {  	s21 =	sadd.s32 s5, s18;
	[sflag:s15] =	ssyncadd.s32 $0xFFFFC000  }
0xa0: {  	[tilespmem:s3], [sflag:$0x1] =	stream.linear.gather [hbm4b:s21+s3], $0x80, $0x38;
	[tilespmem:$0x1C200] =	vst v63  }
0xa1: {  	s18 =	sadd.s32 s6, s18  }
0xa2: {  	[tilespmem:s30], [sflag:$0x1] =	stream.linear.gather [hbm4b:s18+s3], $0x80, $0x38;
	[tilespmem:$0x1C200] =	vst v63  }
0xa3: {  	_ =	swait.ge [sflag:s7], $0x4000  }
0xa4: {  	[sflag:s7] =	ssyncset.done $0x0  }
0xa5: {  	[sflag:s7] =	ssyncadd.s32 $0xFFFFC000  }
0xa6: {  	_ =	swait.ge [sflag:s31], $0x80  }
0xa7: {  	[sflag:s31] =	ssyncset.done $0x0  }
0xa8: {  	[sflag:s31] =	ssyncadd.s32 $0xFFFFFF80  }
0xa9: {  	_ =	swait.ge [sflag:s31], $0x80  }
0xaa: {  	p0 =	slt.s32 s17, s13;
	s18 =	smov.u32 s13;
	[sflag:s31] =	ssyncset.done $0x0  }
0xab: {  	s18 =	smov.u32 @p0 s17;
	[sflag:s31] =	ssyncadd.s32 $0xFFFFFF80  }
0xac: {  	[tilespmem:s28], [sflag:$0x2] =	stream.indirect.gather [hbm4b:s4+s0], $0x80, s3, s0, $0xb8;
	[tilespmem:$0x1C200] =	vst v63  }
0xad: {  	s17 =	sshll.u32 s18, $0x7  }
0xae: {  	[spmem:s2] =	stream.indirect.scatter.add.f32 [tilespmem:s14], [sflag:$0x3], $0x80, s1, s0, $0xb8;
	[tilespmem:$0x1C200] =	vst v63  }
0xaf: {  	s17 =	sadd.s32 s9, s17;
	_ =	swait.ge [sflag:s15], $0x4000  }
0xb0: {  	s17 =	sshrl.u32 s17, $0x3;
	[sflag:s15] =	ssyncset.done $0x0  }
0xb1: {  	s25 =	sadd.s32 s5, s17;
	[sflag:s15] =	ssyncadd.s32 $0xFFFFC000  }
0xb2: {  	[tilespmem:s0], [sflag:$0x1] =	stream.linear.gather [hbm4b:s25+s3], $0x80, $0x38;
	[tilespmem:$0x1C200] =	vst v63  }
0xb3: {  	s17 =	sadd.s32 s6, s17  }
0xb4: {  	[tilespmem:s1], [sflag:$0x1] =	stream.linear.gather [hbm4b:s17+s3], $0x80, $0x38;
	[tilespmem:$0x1C200] =	vst v63  }
0xb5: {  	_ =	swait.ge [sflag:s7], $0x4000  }
0xb6: {  	[sflag:s7] =	ssyncset.done $0x0  }
0xb7: {  	[sflag:s7] =	ssyncadd.s32 $0xFFFFC000  }
0xb8: {  	_ =	swait.ge [sflag:s31], $0x80  }
0xb9: {  	[sflag:s31] =	ssyncset.done $0x0  }
0xba: {  	[sflag:s31] =	ssyncadd.s32 $0xFFFFFF80  }
0xbb: {  	_ =	swait.ge [sflag:s31], $0x80  }
0xbc: {  	[sflag:s31] =	ssyncset.done $0x0  }
0xbd: {  	[sflag:s31] =	ssyncadd.s32 $0xFFFFFF80  }
0xbe: {  	[spmem:s2] =	stream.indirect.scatter.add.f32 [tilespmem:s28], [sflag:$0x3], $0x80, s30, s0, $0xb8;
	[tilespmem:$0x1C200] =	vst v63  }
0xbf: {  	_ =	swait.ge [sflag:s15], $0x4000  }
0xc0: {  	[sflag:s15] =	ssyncset.done $0x0  }
0xc1: {  	[sflag:s15] =	ssyncadd.s32 $0xFFFFC000  }
0xc2: {  	[bflag:$0x0] =	sbarrier.arrive $0xFFFF  }
0xc3: {  	[tilespmem:s28], [sflag:$0x2] =	stream.linear.gather [spmem:s8], $0x4000, $0x38;
	[tilespmem:$0x1C200] =	vst v63  }
0xc4: {  	_ =	swait.ge [sflag:s7], $0x4000  }
0xc5: {  	[sflag:s7] =	ssyncset.done $0x0  }
0xc6: {  	[sflag:s7] =	ssyncadd.s32 $0xFFFFC000  }
0xc7: {  	[tilespmem:s14], [sflag:$0x2] =	stream.linear.gather [spmem:s10], $0x4000, $0x38;
	[tilespmem:$0x1C200] =	vst v63  }
0xc8: {  	s18 =	rddreg [dreg:$0x8]  }
0xc9: {  	[hbm4b:s18+s3] =	stream.linear.scatter [tilespmem:s28], [sflag:$0x3], $0x4000, $0x38;
	[tilespmem:$0x1C200] =	vst v63  }
0xca: {  	_ =	swait.ge [sflag:s15], $0x4000  }
0xcb: {  	[sflag:s15] =	ssyncset.done $0x0  }
0xcc: {  	[sflag:s15] =	ssyncadd.s32 $0xFFFFC000  }
0xcd: {  	_ =	swait.ge [sflag:s7], $0x4000  }
0xce: {  	[sflag:s7] =	ssyncset.done $0x0  }
0xcf: {  	[sflag:s7] =	ssyncadd.s32 $0xFFFFC000  }
0xd0: {  	[tilespmem:s28], [sflag:$0x2] =	stream.linear.gather [spmem:s11], $0x4000, $0x38;
	[tilespmem:$0x1C200] =	vst v63  }
0xd1: {  	s20 =	rddreg [dreg:$0x9]  }
0xd2: {  	[hbm4b:s20+s3] =	stream.linear.scatter [tilespmem:s14], [sflag:$0x3], $0x4000, $0x38;
	[tilespmem:$0x1C200] =	vst v63  }
0xd3: {  	_ =	swait.ge [sflag:s15], $0x4000  }
0xd4: {  	[sflag:s15] =	ssyncset.done $0x0  }
0xd5: {  	[sflag:s15] =	ssyncadd.s32 $0xFFFFC000  }
0xd6: {  	_ =	swait.ge [sflag:s7], $0x4000  }
0xd7: {  	[sflag:s7] =	ssyncset.done $0x0  }
0xd8: {  	[sflag:s7] =	ssyncadd.s32 $0xFFFFC000  }
0xd9: {  	[tilespmem:s14], [sflag:$0x2] =	stream.linear.gather [spmem:s12], $0x4000, $0x38;
	[tilespmem:$0x1C200] =	vst v63  }
0xda: {  	s21 =	rddreg [dreg:$0xa]  }
0xdb: {  	[hbm4b:s21+s3] =	stream.linear.scatter [tilespmem:s28], [sflag:$0x3], $0x4000, $0x38;
	[tilespmem:$0x1C200] =	vst v63  }
0xdc: {  	_ =	swait.ge [sflag:s15], $0x4000  }
0xdd: {  	[sflag:s15] =	ssyncset.done $0x0  }
0xde: {  	[sflag:s15] =	ssyncadd.s32 $0xFFFFC000  }
0xdf: {  	_ =	swait.ge [sflag:s7], $0x4000  }
0xe0: {  	[sflag:s7] =	ssyncset.done $0x0  }
0xe1: {  	[sflag:s7] =	ssyncadd.s32 $0xFFFFC000  }
0xe2: {  	[tilespmem:s28], [sflag:$0x2] =	stream.linear.gather [spmem:s26], $0x4000, $0x38;
	[tilespmem:$0x1C200] =	vst v63  }
0xe3: {  	s25 =	rddreg [dreg:$0xb]  }
0xe4: {  	[hbm4b:s25+s3] =	stream.linear.scatter [tilespmem:s14], [sflag:$0x3], $0x4000, $0x38;
	[tilespmem:$0x1C200] =	vst v63  }
0xe5: {  	_ =	swait.ge [sflag:s15], $0x4000  }
0xe6: {  	[sflag:s15] =	ssyncset.done $0x0  }
0xe7: {  	[sflag:s15] =	ssyncadd.s32 $0xFFFFC000  }
0xe8: {  	s16 =	sadd.s32 $0x1, s16;
	_ =	swait.ge [sflag:s7], $0x4000  }
0xe9: {  	p0 =	sne.s32 s16, s23;
	[sflag:s7] =	ssyncset.done $0x0  }
.Ltmp2:
0xea: {  	[sflag:s7] =	ssyncadd.s32 $0xFFFFC000;
	(pc) =	sbr.rel @p0 .LBB2_1-.Ltmp2, $4  }
0xeb: {  	[hbm4b:s22+s3] =	stream.linear.scatter [tilespmem:s28], [sflag:$0x3], $0x4000, $0x38;
	[tilespmem:$0x1C200] =	vst v63  }
0xec: {  	_ =	swait.ge [sflag:s15], $0x4000  }
0xed: {  	[sflag:s15] =	ssyncset.done $0x0  }
0xee: {  	[sflag:s15] =	ssyncadd.s32 $0xFFFFC000  }
0xef: {  	_ =	sfence.sel $0x180000  }
0xf0: {  	[bflag:$0x0] =	sbarrier.arrive $0xFFFF  }
0xf1: {  	_ =	strace $0x9000004A  }
0xf2: {  	s0 =	stileid.u32;
	[bflag:$0x2] =	sbarrier.arrive $0xFFFF  }
0xf3: {  	p0 =	sne.s32 s0, $0x0;
	s0 =	rddreg [dreg:$0x2]  }
0xf4: {  	s0 =	sadd.s32 @!p0 $0x100000, s0  }
0xf5: {  	[sflag:s0] =	ssyncadd.tile.s32 @!p0 $0x1;
	_ =	shalt  }
.Lfunc_end2:
_tile_overlayer_lowered:
.L_overlay_start_2:
0xf6: {  	(tag) =	ssettag $0x2  }
0xf7: {  	s0 =	rddreg [dreg:$0x0];
	s2 =	stileid.u32  }
0xf8: {  	s1 =	rddreg [dreg:$0x1];
	p0 =	sne.s32 s2, $0x0  }
0xf9: {  	s3 =	rddreg [dreg:$0x2];
	[bflag:$0x3] =	sbarrier.arrive $0xFFFF;
	s2 =	simm.s32 @!p0 $0x1C04  }
0xfa: {  	[timem:s3], [sflag:s2] =	dma.local @!p0 [hbm:s0], s1  }
0xfb: {  	s0 =	simm.s32 @!p0 $0x4  }
0xfc: {  	_ =	swait.ge @!p0 [sflag:s0], s1  }
0xfd: {  	s1 =	ssub.s32 @!p0 $0x0, s1;
	[sflag:s0] =	ssyncset.done @!p0 $0x0  }
0xfe: {  	[sflag:s0] =	ssyncadd.s32 @!p0 s1  }
0xff: {  	[bflag:$0x3] =	sbarrier.arrive $0xFFFF  }
0x100: {  	_ =	shalt  }

// kernel: kernel.15.cloned.1.call-start
scs
__scs_entry_jumppad:
0x0: {  	(pc) =	sbr.rel $0x88, $3  }
0x1: {  	(tag) =	ssettag $0x0;
	lr =	simm.s32 $0x1  }
0x2: {  	[smem:$0x3F96] =	sst lr;
	_ =	strace $0xD0000000  }
0x3: {  	_ = 	snop  }
0x4: {  	_ = 	snop  }
0x5: {  	_ = 	snop  }
0x6: {  	_ = 	snop  }
0x7: {  	_ = 	snop  }
__scs_overlays_trampoline_lowered:
0x8: {  	[smem:$0x3FA5] =	sst s0  }
0x9: {  	[smem:$0x3FA6] =	sst s1  }
0xa: {  	[smem:$0x3FA7] =	sst s2  }
0xb: {  	[smem:$0x3FA8] =	sst s3  }
0xc: {  	[smem:$0x3FA9] =	sst s4  }
0xd: {  	[smem:$0x3FAA] =	sst s5  }
0xe: {  	[smem:$0x3FAB] =	sst s6  }
0xf: {  	[smem:$0x3FAC] =	sst s7  }
0x10: {  	[smem:$0x3FAD] =	sst s8  }
0x11: {  	[smem:$0x3FAE] =	sst s9;
	s0 =	simm.s32 @!p0 $0x0  }
0x12: {  	s1 =	sld [smem:$0x3F94];
	s0 =	simm.s32 @p0 $0x1  }
0x13: {  	[smem:$0x3FAF] =	sst s0;
	s0 =	simm.s32 @!p1 $0x0  }
0x14: {  	s2 =	sld [smem:$0x3F93];
	s0 =	simm.s32 @p1 $0x1  }
0x15: {  	[smem:$0x3FB0] =	sst s0;
	s0 =	simm.s32 @!p2 $0x0  }
0x16: {  	s3 =	sld [smem:$0x3FDB];
	s0 =	simm.s32 @p2 $0x1  }
0x17: {  	s4 =	simm.s32 $0x1BF5;
	[smem:$0x3FB2] =	sst s0  }
0x18: {  	s0 =	sld [smem:$0x3F95];
	_ =	swait.ge [sflag:s4], $0x0  }
0x19: {  	s7 =	sld [smem:$0x3F96]  }
0x1a: {  	s8 =	sadd.s32 $0xFFFFE003, lr  }
0x1b: {  	s9 =	sadd.s32 $0xFFFFFEF7, lr;
	s5 =	simm.s32 $0xFFFFFFFF;
	p2 =	slt.u32 s8, $0xFFFFF086  }
0x1c: {  	p1 =	slt.u32 s9, $0xF7A;
	s5 =	simm.s32 @!p2 $0x0  }
0x1d: {  	s5 =	simm.s32 @p1 $0x1;
	p0 =	seq.s32 s7, s2  }
0x1e: {  	s7 =	smul.u32 @!p0 $0xF7A, s2;
	p2 =	seq.s32 @!p0 s5, $0x0  }
0x1f: {  	s9 =	smul.u32 $0xF7A, s1;
	s8 =	simm.s32 @!p0 $0x1BF5;
	p2 =	por !p2, p0  }
0x20: {  	[sflag:s8] =	ssyncset.s32 @!p0 $0xFFFFF086;
	s6 =	sadd.s32 @!p0 s3, s7;
	s7 =	simm.s32 @!p0 $0x108  }
0x21: {  	s3 =	sadd.s32 s3, s9;
	s6 =	sadd.s32 @!p0 $0x88, s6;
	s7 =	simm.s32 @p2 $0x1082  }
0x22: {  	[simem:s7], [sflag:s8] =	dma.local @!p0 [hbm:s6], $0xF7A  }
0x23: {  	s9 =	sor.u32 $0xD0000000, s2;
	s6 =	simm.s32 $0x108;
	_ =	swait.ge @!p0 [sflag:s8], $0x0  }
0x24: {  	s3 =	sadd.s32 $0x88, s3;
	s6 =	simm.s32 @!p1 $0x1082;
	[sflag:s4] =	ssyncset.s32 $0xFFFFF086  }
0x25: {  	[simem:s6], [sflag:s4] =	dma.local [hbm:s3], $0xF7A  }
0x26: {  	[smem:$0x3F96] =	sst s1;
	(tag) =	ssettag s2;
	_ =	strace s9  }
0x27: {  	s1 =	sld [smem:$0x3FA6]  }
0x28: {  	s2 =	sld [smem:$0x3FA7]  }
0x29: {  	s4 =	sld [smem:$0x3FA9]  }
0x2a: {  	p0 =	seq.s32 s5, $0x0;
	s5 =	sld [smem:$0x3FAA]  }
0x2b: {  	s6 =	sld [smem:$0x3FAB]  }
0x2c: {  	s7 =	sld [smem:$0x3FAC]  }
0x2d: {  	s3 =	simm.s32 $0x108;
	s8 =	sld [smem:$0x3FAD]  }
0x2e: {  	s3 =	simm.s32 @!p0 $0x1082;
	s9 =	sld [smem:$0x3FAE]  }
0x2f: {  	lr =	sadd.s32 s0, s3;
	s0 =	sld [smem:$0x3FA5]  }
0x30: {  	s3 =	sld [smem:$0x3FA8]  }
0x31: {  	[smem:$0x3FB1] =	sst s10  }
0x32: {  	s10 =	sld [smem:$0x3FAF];
	_ =	sdelay $0x3  }
0x33: {  	p0 =	seq.s32 s10, $0x1;
	s10 =	sld [smem:$0x3FB1];
	_ =	sdelay $0x3  }
0x34: {  	[smem:$0x3FB1] =	sst s10  }
0x35: {  	s10 =	sld [smem:$0x3FB0];
	_ =	sdelay $0x3  }
0x36: {  	p1 =	seq.s32 s10, $0x1;
	s10 =	sld [smem:$0x3FB1];
	_ =	sdelay $0x3  }
0x37: {  	[smem:$0x3FB1] =	sst s10  }
0x38: {  	s10 =	sld [smem:$0x3FB2]  }
0x39: {  	_ = 	snop;
	(pc) =	sbr.ind lr, $3  }
0x3a: {  	_ = 	snop  }
0x3b: {  	_ = 	snop  }
0x3c: {  	p2 =	seq.s32 s10, $0x1;
	s10 =	sld [smem:$0x3FB1]  }
0x3d: {  	_ =	shalt  }
0x3e: {  	_ =	shalt  }
0x3f: {  	_ =	shalt  }
0x40: {  	_ =	shalt  }
0x41: {  	_ =	shalt  }
0x42: {  	_ =	shalt  }
0x43: {  	_ =	shalt  }
0x44: {  	_ =	shalt  }
0x45: {  	_ =	shalt  }
0x46: {  	_ =	shalt  }
0x47: {  	_ =	shalt  }
0x48: {  	_ =	shalt  }
0x49: {  	_ =	shalt  }
0x4a: {  	_ =	shalt  }
0x4b: {  	_ =	shalt  }
0x4c: {  	_ =	shalt  }
0x4d: {  	_ =	shalt  }
0x4e: {  	_ =	shalt  }
0x4f: {  	_ =	shalt  }
0x50: {  	_ =	shalt  }
0x51: {  	_ =	shalt  }
0x52: {  	_ =	shalt  }
0x53: {  	_ =	shalt  }
0x54: {  	_ =	shalt  }
0x55: {  	_ =	shalt  }
0x56: {  	_ =	shalt  }
0x57: {  	_ =	shalt  }
0x58: {  	_ =	shalt  }
0x59: {  	_ =	shalt  }
0x5a: {  	_ =	shalt  }
0x5b: {  	_ =	shalt  }
0x5c: {  	_ =	shalt  }
0x5d: {  	_ =	shalt  }
0x5e: {  	_ =	shalt  }
0x5f: {  	_ =	shalt  }
0x60: {  	_ =	shalt  }
0x61: {  	_ =	shalt  }
0x62: {  	_ =	shalt  }
0x63: {  	_ =	shalt  }
0x64: {  	_ =	shalt  }
0x65: {  	_ =	shalt  }
0x66: {  	_ =	shalt  }
0x67: {  	_ =	shalt  }
0x68: {  	_ =	shalt  }
0x69: {  	_ =	shalt  }
0x6a: {  	_ =	shalt  }
0x6b: {  	_ =	shalt  }
0x6c: {  	_ =	shalt  }
0x6d: {  	_ =	shalt  }
0x6e: {  	_ =	shalt  }
0x6f: {  	_ =	shalt  }
0x70: {  	_ =	shalt  }
0x71: {  	_ =	shalt  }
0x72: {  	_ =	shalt  }
0x73: {  	_ =	shalt  }
0x74: {  	_ =	shalt  }
0x75: {  	_ =	shalt  }
0x76: {  	_ =	shalt  }
0x77: {  	_ =	shalt  }
0x78: {  	_ =	shalt  }
0x79: {  	_ =	shalt  }
0x7a: {  	_ =	shalt  }
0x7b: {  	_ =	shalt  }
0x7c: {  	_ =	shalt  }
0x7d: {  	_ =	shalt  }
0x7e: {  	_ =	shalt  }
0x7f: {  	_ =	shalt  }
0x80: {  	_ =	shalt  }
0x81: {  	_ =	shalt  }
0x82: {  	_ =	shalt  }
0x83: {  	_ =	shalt  }
0x84: {  	_ =	shalt  }
0x85: {  	_ =	shalt  }
0x86: {  	_ =	shalt  }
0x87: {  	_ =	shalt  }
.Lfunc_end0:
.L_simem_size_0:
called_computation.2_lowered:
.L_overlay_start_0:
0x88: {  	s2 =	sld [smem:$0x3FD9]  }
0x89: {  	s3 =	sld [smem:$0x3FFE];
	_ =	sdelay $0x1  }
0x8a: {  	s1 =	srdreg.scid  }
0x8b: {  	s0 =	sand.u32 $0x1, s1  }
0x8c: {  	s16 =	sshll.u32 s0, $0xA;
	s2 =	sadd.s32 s3, s2  }
0x8d: {  	s2 =	sadd.s32 s2, s16  }
0x8e: {  	[smem:$0x3FBD] =	sst s2  }
0x8f: {  	_ = 	snop  }
0x90: {  	(tm) =	ssettm $0x1  }
0x91: {  	s17 =	sld [smem:$0x3FFB];
	_ =	sdelay $0x3  }
0x92: {  	_ =	strace s17  }
0x93: {  	s2 =	sld [smem:$0x3FFC];
	_ =	sdelay $0x3  }
0x94: {  	_ =	strace s2  }
0x95: {  	s2 =	sld [smem:$0x3FFD];
	_ =	sdelay $0x3  }
0x96: {  	_ =	strace s2  }
0x97: {  	_ =	strace $0x8FFFFFFF  }
0x98: {  	s18 =	sld [smem:$0x3FDB];
	_ =	sdelay $0x1  }
0x99: {  	s19 =	simm.s32 $_scs_section_size  }
0x9a: {  	s4 =	simm.s32 $_size__tile_overlayer_lowered;
	s5 =	simm.s32 $_tile_overlayer_lowered  }
0x9b: {  	s22 =	simm.s32 $0x1BFF;
	s21 =	sshll.u32 s5, $0x1;
	s2 =	sadd.s32 s19, s18  }
0x9c: {  	s6 =	simm.s32 $0x0;
	s20 =	sshll.u32 s4, $0x1;
	s4 =	sadd.s32 s21, s2  }
0x9d: {  	[timem:s6], [sflag:s22] =	dma.local [hbm:s4], s20  }
0x9e: {  	_ =	swait.ge [sflag:s22], s20  }
0x9f: {  	s3 =	ssub.s32 $0x0, s20;
	[sflag:s22] =	ssyncset.done $0x0  }
0xa0: {  	[sflag:s22] =	ssyncadd.s32 s3;
	_ =	sdelay $0x1  }
0xa1: {  	s23 =	simm.s32 $0x1B8B  }
0xa2: {  	_ =	swait.ge [sflag:s23], $0x1  }
0xa3: {  	[sflag:s23] =	ssyncset.done $0x0  }
0xa4: {  	s25 =	simm.s32 $0x1B8E;
	s24 =	sld [smem:$0x3FFE];
	[sflag:s23] =	ssyncadd.s32 $0xFFFFFFFF  }
0xa5: {  	s26 =	simm.s32 $execute0_lowered;
	[smem:$0x3FD2] =	sst s25  }
0xa6: {  	s4 =	sshll.u32 s26, $0x1;
	_ =	strace $0x8000004C;
	[dreg:$0x1] =	wrdreg $0xFFFFFFFF  }
0xa7: {  	s28 =	simm.s32 $_size_execute0_lowered;
	s2 =	sadd.s32 s2, s4;
	[dreg:$0x0] =	wrdreg $0x0  }
0xa8: {  	s4 =	sshll.u32 s28, $0x1;
	[dreg:$0x2] =	wrdreg s2  }
0xa9: {  	[dreg:$0x3] =	wrdreg s4  }
0xaa: {  	[dreg:$0x4] =	wrdreg $0xC0  }
0xab: {  	_ =	task [dreg:s6], $0x5FFFF  }
0xac: {  	[dreg:$0x1] =	wrdreg $0xFFFFFFFF  }
0xad: {  	[dreg:$0x0] =	wrdreg $0x60  }
0xae: {  	[dreg:$0x2] =	wrdreg s24  }
0xaf: {  	[dreg:$0x3] =	wrdreg $0x82000  }
0xb0: {  	[dreg:$0x4] =	wrdreg $0x9  }
0xb1: {  	_ =	task.clear_ibuf [dreg:s6], $0x5FFFF;
	_ =	strace $0x9000004C  }
0xb2: {  	s29 =	simm.s32 $0x9;
	_ =	strace $0x8000004E  }
0xb3: {  	_ =	swait.ge [sflag:s29], $0x1  }
0xb4: {  	[sflag:s29] =	ssyncadd.s32 $0xFFFFFFFF  }
0xb5: {  	_ =	strace $0x9000004E  }
0xb6: {  	_ =	sfence  }
0xb7: {  	s30 =	sld [smem:$0x0];
	_ =	sdelay $0x2  }
0xb8: {  	s31 =	sshll.u32 s1, $0xD;
	s1 =	sshrl.u32 s1, $0x2  }
0xb9: {  	s3 =	sand.u32 $0x4000, s31;
	s1 =	sadd.s32 s1, s30  }
0xba: {  	s0 =	sor.u32 s3, s0;
	s1 =	sshll.u32 s1, $0x11  }
0xbb: {  	s0 =	sor.u32 s1, s0  }
0xbc: {  	s0 =	sadd.s32 $0x8F2B, s0  }
0xbd: {  	[sflag:s0] =	ssyncadd.remote.s32 $0x1  }
0xbe: {  	_ =	sfence.sel $0xFFFF  }
0xbf: {  	[dreg:$0x0] =	wrdreg $0xFFFFFFFF;
	(pc) =	sbr.abs _section_cstart, $3  }
0xc0: {  	[dreg:$0x1] =	wrdreg $0xFFFFFFFF  }
0xc1: {  	_ =	task.clear_ibuf [dreg:s6], $0x2FFFF;
	_ =	strace $0x9FFFFFFF  }
0xc2: {  	(tm) =	ssettm $0x7FFFFFFF  }
0xc3: {  	_ =	shalt  }
tec
execute0_lowered:
.L_overlay_start_1:
0x0: {  	(tag) =	ssettag $0x1  }
0x1: {  	s0 =	rddreg [dreg:$0x0]  }
0x2: {  	s2 =	rddreg [dreg:$0x1]  }
0x3: {  	s1 =	srdreg.scid;
	s16 =	stileid.u32;
	s3 =	simm.s32 $0x0  }
0x4: {  	s13 =	simm.s32 $0x4C;
	s28 =	simm.s32 $0x200;
	s29 =	simm.s32 $0x4  }
0x5: {  	s30 =	simm.s32 $0x100;
	s31 =	simm.s32 $0x1;
	s1 =	sand.u32 $0x1, s1  }
0x6: {  	s7 =	smul.u32 $0x280, s16;
	[smem:$0x7FF] =	sst s3;
	s4 =	sadd.s32 $0x16600, s0  }
0x7: {  	s5 =	sadd.s32 $0xC800, s0;
	s6 =	sadd.s32 $0x2A00, s0;
	s11 =	smul.u32 $0x50000, s16  }
0x8: {  	s14 =	sadd.s32 $0x3E600, s0;
	s8 =	smul.u32 $0x2800, s1;
	_ =	strace $0x8000004D  }
0x9: {  	[dreg:$0x3] =	wrdreg s14;
	s15 =	ssub.s32 $0x2, s1;
	s10 =	sshll.u32 s1, $0x4  }
0xa: {  	s1 =	smul.u32 $0x26800, s1;
	s9 =	sshrl.u32 s15, $0x1;
	s17 =	sor.u32 s16, s10  }
0xb: {  	s11 =	sshrl.u32 s11, $0x2;
	s16 =	smul.u32 $0x2680, s16;
	s7 =	sadd.s32 s7, s8  }
0xc: {  	s18 =	smin.u32 s17, $0x12;
	s10 =	smul.u32 $0x2680, s17;
	p0 =	sgt.u32 s17, $0x11  }
0xd: {  	s8 =	sadd.s32 s11, s2;
	s7 =	sshll.u32 s7, $0x4;
	s14 =	sshll.u32 s18, $0x8  }
0xe: {  	s11 =	sadd.s32 $0x8000, s8;
	s12 =	sadd.s32 $0xC000, s8;
	s13 =	simm.s32 @!p0 $0x4E  }
0xf: {  	s1 =	sadd.s32 s16, s1;
	s16 =	simm.s32 $0x0;
	s0 =	sadd.s32 s7, s0  }
0x10: {  	s7 =	ssub.s32 s15, s9;
	s9 =	sadd.s32 s10, s14;
	s10 =	sadd.s32 $0x4000, s8  }
0x11: {  	s21 =	sshrl.u32 s13, $0x1;
	s1 =	sadd.s32 s14, s1;
	s14 =	simm.s32 $0x4200  }
0x12: {  	s15 =	sshrl.u32 s9, $0x3;
	s23 =	sadd.s32 $0x3EE00, s0;
	s24 =	sadd.s32 $0x3F600, s0  }
0x13: {  	s25 =	sadd.s32 $0x3FE00, s0;
	s26 =	sadd.s32 $0x40600, s0;
	[dreg:$0x8] =	wrdreg s23  }
0x14: {  	s22 =	sadd.s32 $0x40E00, s0;
	s0 =	simm.s32 $0x80;
	[dreg:$0x9] =	wrdreg s24  }
0x15: {  	s17 =	sadd.s32 s5, s15;
	s19 =	sadd.s32 s6, s15;
	[dreg:$0xa] =	wrdreg s25  }
0x16: {  	s15 =	sadd.s32 $0x10, s15;
	[dreg:$0xb] =	wrdreg s26;
	s23 =	smax.u32 s7, $0x1  }
0x17: {  	s24 =	sadd.s32 $0xFFFFFFFF, s21;
	s26 =	sadd.s32 $0x10000, s8;
	[dreg:$0x4] =	wrdreg s17  }
0x18: {  	s7 =	simm.s32 $0x2;
	[dreg:$0x5] =	wrdreg s19;
	s20 =	sadd.s32 s5, s15  }
0x19: {  	s15 =	sadd.s32 s6, s15;
	s19 =	sadd.s32 $0x100, s1;
	[dreg:$0x6] =	wrdreg s20  }
0x1a: {  	s1 =	simm.s32 $0x180;
	[dreg:$0x7] =	wrdreg s15;
	s15 =	simm.s32 $0x3  }
.LBB2_1:
0x1b: {  	s17 =	rddreg [dreg:$0x3]  }
0x1c: {  	[tilespmem:s28], [sflag:$0x4] =	stream.linear.gather [hbm4b:s17+s3], $0x4000, $0x38;
	[tilespmem:$0x1C200] =	vst v63  }
0x1d: {  	_ =	swait.ge [sflag:s29], $0x4000  }
0x1e: {  	[sflag:s29] =	ssyncset.done $0x0  }
0x1f: {  	[sflag:s29] =	ssyncadd.s32 $0xFFFFC000  }
0x20: {  	[spmem:s8] =	stream.linear.scatter [tilespmem:s28], [sflag:$0x3], $0x4000, $0x38;
	[tilespmem:$0x1C200] =	vst v63  }
0x21: {  	_ = 	snop  }
0x22: {  	[spmem:s10] =	stream.linear.scatter [tilespmem:s28], [sflag:$0x3], $0x4000, $0x38;
	[tilespmem:$0x1C200] =	vst v63  }
0x23: {  	_ = 	snop  }
0x24: {  	[spmem:s11] =	stream.linear.scatter [tilespmem:s28], [sflag:$0x3], $0x4000, $0x38;
	[tilespmem:$0x1C200] =	vst v63  }
0x25: {  	_ = 	snop  }
0x26: {  	[spmem:s12] =	stream.linear.scatter [tilespmem:s28], [sflag:$0x3], $0x4000, $0x38;
	[tilespmem:$0x1C200] =	vst v63  }
0x27: {  	_ = 	snop  }
0x28: {  	[spmem:s26] =	stream.linear.scatter [tilespmem:s28], [sflag:$0x3], $0x4000, $0x38;
	[tilespmem:$0x1C200] =	vst v63  }
0x29: {  	_ =	swait.ge [sflag:s15], $0x4000  }
0x2a: {  	[sflag:s15] =	ssyncset.done $0x0  }
0x2b: {  	[sflag:s15] =	ssyncadd.s32 $0xFFFFC000  }
0x2c: {  	_ =	swait.ge [sflag:s15], $0x4000  }
0x2d: {  	[sflag:s15] =	ssyncset.done $0x0  }
0x2e: {  	[sflag:s15] =	ssyncadd.s32 $0xFFFFC000  }
0x2f: {  	_ =	swait.ge [sflag:s15], $0x4000  }
0x30: {  	[sflag:s15] =	ssyncset.done $0x0  }
0x31: {  	[sflag:s15] =	ssyncadd.s32 $0xFFFFC000  }
0x32: {  	_ =	swait.ge [sflag:s15], $0x4000  }
0x33: {  	[sflag:s15] =	ssyncset.done $0x0  }
0x34: {  	[sflag:s15] =	ssyncadd.s32 $0xFFFFC000  }
0x35: {  	_ =	swait.ge [sflag:s15], $0x4000  }
0x36: {  	[sflag:s15] =	ssyncset.done $0x0  }
0x37: {  	[sflag:s15] =	ssyncadd.s32 $0xFFFFC000  }
0x38: {  	[bflag:$0x0] =	sbarrier.arrive $0xFFFF  }
0x39: {  	s21 =	rddreg [dreg:$0x4]  }
0x3a: {  	[tilespmem:s3], [sflag:$0x1] =	stream.linear.gather [hbm4b:s21+s3], $0x80, $0x38;
	[tilespmem:$0x1C200] =	vst v63  }
0x3b: {  	s25 =	rddreg [dreg:$0x5]  }
0x3c: {  	[tilespmem:s30], [sflag:$0x1] =	stream.linear.gather [hbm4b:s25+s3], $0x80, $0x38;
	[tilespmem:$0x1C200] =	vst v63  }
0x3d: {  	_ =	swait.ge [sflag:s31], $0x80  }
0x3e: {  	[sflag:s31] =	ssyncset.done $0x0  }
0x3f: {  	[sflag:s31] =	ssyncadd.s32 $0xFFFFFF80  }
0x40: {  	_ =	swait.ge [sflag:s31], $0x80  }
0x41: {  	[sflag:s31] =	ssyncset.done $0x0  }
0x42: {  	[sflag:s31] =	ssyncadd.s32 $0xFFFFFF80  }
0x43: {  	[tilespmem:s28], [sflag:$0x2] =	stream.indirect.gather [hbm4b:s4+s0], $0x80, s3, s0, $0xb8;
	[tilespmem:$0x1C200] =	vst v63  }
0x44: {  	s18 =	rddreg [dreg:$0x6]  }
0x45: {  	[tilespmem:s0], [sflag:$0x1] =	stream.linear.gather [hbm4b:s18+s3], $0x80, $0x38;
	[tilespmem:$0x1C200] =	vst v63  }
0x46: {  	s20 =	rddreg [dreg:$0x7]  }
0x47: {  	[tilespmem:s1], [sflag:$0x1] =	stream.linear.gather [hbm4b:s20+s3], $0x80, $0x38;
	[tilespmem:$0x1C200] =	vst v63  }
0x48: {  	_ =	swait.ge [sflag:s7], $0x4000  }
0x49: {  	[sflag:s7] =	ssyncset.done $0x0  }
0x4a: {  	[sflag:s7] =	ssyncadd.s32 $0xFFFFC000  }
0x4b: {  	_ =	swait.ge [sflag:s31], $0x80  }
0x4c: {  	[sflag:s31] =	ssyncset.done $0x0  }
0x4d: {  	[sflag:s31] =	ssyncadd.s32 $0xFFFFFF80  }
0x4e: {  	_ =	swait.ge [sflag:s31], $0x80  }
0x4f: {  	[sflag:s31] =	ssyncset.done $0x0  }
0x50: {  	[sflag:s31] =	ssyncadd.s32 $0xFFFFFF80  }
0x51: {  	[tilespmem:s14], [sflag:$0x2] =	stream.indirect.gather [hbm4b:s4+s0], $0x80, s0, s0, $0xb8;
	[tilespmem:$0x1C200] =	vst v63  }
0x52: {  	_ = 	snop  }
0x53: {  	[spmem:s2] =	stream.indirect.scatter.add.f32 [tilespmem:s28], [sflag:$0x3], $0x80, s30, s0, $0xb8;
	[tilespmem:$0x1C200] =	vst v63  }
0x54: {  	_ =	swait.ge [sflag:s15], $0x4000  }
0x55: {  	s21 =	sshrl.u32 s19, $0x3;
	[sflag:s15] =	ssyncset.done $0x0  }
0x56: {  	s18 =	sadd.s32 s5, s21;
	[sflag:s15] =	ssyncadd.s32 $0xFFFFC000  }
0x57: {  	[tilespmem:s3], [sflag:$0x1] =	stream.linear.gather [hbm4b:s18+s3], $0x80, $0x38;
	[tilespmem:$0x1C200] =	vst v63  }
0x58: {  	s17 =	sadd.s32 s6, s21  }
0x59: {  	[tilespmem:s30], [sflag:$0x1] =	stream.linear.gather [hbm4b:s17+s3], $0x80, $0x38;
	[tilespmem:$0x1C200] =	vst v63  }
0x5a: {  	_ =	swait.ge [sflag:s7], $0x4000  }
0x5b: {  	[sflag:s7] =	ssyncset.done $0x0  }
0x5c: {  	[sflag:s7] =	ssyncadd.s32 $0xFFFFC000  }
0x5d: {  	_ =	swait.ge [sflag:s31], $0x80  }
0x5e: {  	[sflag:s31] =	ssyncset.done $0x0  }
0x5f: {  	[sflag:s31] =	ssyncadd.s32 $0xFFFFFF80  }
0x60: {  	_ =	swait.ge [sflag:s31], $0x80  }
0x61: {  	p0 =	sgt.s32 s13, $0x3;
	s17 =	smov.u32 s13;
	[sflag:s31] =	ssyncset.done $0x0  }
0x62: {  	s17 =	smov.u32 @p0 s15;
	[sflag:s31] =	ssyncadd.s32 $0xFFFFFF80  }
0x63: {  	[tilespmem:s28], [sflag:$0x2] =	stream.indirect.gather [hbm4b:s4+s0], $0x80, s3, s0, $0xb8;
	[tilespmem:$0x1C200] =	vst v63  }
0x64: {  	p0 =	sne.s32 s24, $0x1;
	s17 =	sshll.u32 s17, $0x7  }
0x65: {  	[spmem:s2] =	stream.indirect.scatter.add.f32 [tilespmem:s14], [sflag:$0x3], $0x80, s1, s0, $0xb8;
	[tilespmem:$0x1C200] =	vst v63  }
.Ltmp0:
0x66: {  	s17 =	sadd.s32 s9, s17;
	_ =	swait.ge [sflag:s15], $0x4000;
	(pc) =	sbr.rel @!p0 .LBB2_3-.Ltmp0, $4  }
0x67: {  	s17 =	sshrl.u32 s17, $0x3;
	[sflag:s15] =	ssyncset.done $0x0  }
0x68: {  	s18 =	sadd.s32 $0xFFFFFFFF, s24;
	s25 =	sadd.s32 s5, s17;
	[sflag:s15] =	ssyncadd.s32 $0xFFFFC000  }
0x69: {  	[tilespmem:s0], [sflag:$0x1] =	stream.linear.gather [hbm4b:s25+s3], $0x80, $0x38;
	[tilespmem:$0x1C200] =	vst v63  }
0x6a: {  	s20 =	sadd.s32 s6, s17;
	s17 =	simm.s32 $0x3;
	s25 =	smov.u32 s19  }
.LBB2_2:
0x6b: {  	p0 =	sne.s32 s18, $0x1;
	s17 =	sadd.s32 $0x2, s17;
	s25 =	sadd.s32 $0x100, s25  }
0x6c: {  	[tilespmem:s1], [sflag:$0x1] =	stream.linear.gather [hbm4b:s20+s3], $0x80, $0x38;
	[tilespmem:$0x1C200] =	vst v63  }
0x6d: {  	s18 =	sadd.s32 $0xFFFFFFFF, s18;
	_ =	swait.ge [sflag:s7], $0x4000  }
0x6e: {  	[sflag:s7] =	ssyncset.done $0x0  }
0x6f: {  	[sflag:s7] =	ssyncadd.s32 $0xFFFFC000  }
0x70: {  	_ =	swait.ge [sflag:s31], $0x80  }
0x71: {  	[sflag:s31] =	ssyncset.done $0x0  }
0x72: {  	[sflag:s31] =	ssyncadd.s32 $0xFFFFFF80  }
0x73: {  	_ =	swait.ge [sflag:s31], $0x80  }
0x74: {  	[sflag:s31] =	ssyncset.done $0x0  }
0x75: {  	[sflag:s31] =	ssyncadd.s32 $0xFFFFFF80  }
0x76: {  	[tilespmem:s14], [sflag:$0x2] =	stream.indirect.gather [hbm4b:s4+s0], $0x80, s0, s0, $0xb8;
	[tilespmem:$0x1C200] =	vst v63  }
0x77: {  	_ = 	snop  }
0x78: {  	[spmem:s2] =	stream.indirect.scatter.add.f32 [tilespmem:s28], [sflag:$0x3], $0x80, s30, s0, $0xb8;
	[tilespmem:$0x1C200] =	vst v63  }
0x79: {  	_ =	swait.ge [sflag:s15], $0x4000  }
0x7a: {  	s20 =	sshrl.u32 s25, $0x3;
	[sflag:s15] =	ssyncset.done $0x0  }
0x7b: {  	s21 =	sadd.s32 s5, s20;
	[sflag:s15] =	ssyncadd.s32 $0xFFFFC000  }
0x7c: {  	[tilespmem:s3], [sflag:$0x1] =	stream.linear.gather [hbm4b:s21+s3], $0x80, $0x38;
	[tilespmem:$0x1C200] =	vst v63  }
0x7d: {  	s20 =	sadd.s32 s6, s20  }
0x7e: {  	[tilespmem:s30], [sflag:$0x1] =	stream.linear.gather [hbm4b:s20+s3], $0x80, $0x38;
	[tilespmem:$0x1C200] =	vst v63  }
0x7f: {  	_ =	swait.ge [sflag:s7], $0x4000  }
0x80: {  	[sflag:s7] =	ssyncset.done $0x0  }
0x81: {  	[sflag:s7] =	ssyncadd.s32 $0xFFFFC000  }
0x82: {  	_ =	swait.ge [sflag:s31], $0x80  }
0x83: {  	[sflag:s31] =	ssyncset.done $0x0  }
0x84: {  	[sflag:s31] =	ssyncadd.s32 $0xFFFFFF80  }
0x85: {  	_ =	swait.ge [sflag:s31], $0x80  }
0x86: {  	[sflag:s31] =	ssyncset.done $0x0  }
0x87: {  	p1 =	slt.s32 s17, s13;
	s20 =	smov.u32 s13;
	[sflag:s31] =	ssyncadd.s32 $0xFFFFFF80  }
0x88: {  	[tilespmem:s28], [sflag:$0x2] =	stream.indirect.gather [hbm4b:s4+s0], $0x80, s3, s0, $0xb8;
	[tilespmem:$0x1C200] =	vst v63  }
0x89: {  	s20 =	smov.u32 @p1 s17  }
0x8a: {  	[spmem:s2] =	stream.indirect.scatter.add.f32 [tilespmem:s14], [sflag:$0x3], $0x80, s1, s0, $0xb8;
	[tilespmem:$0x1C200] =	vst v63  }
.Ltmp1:
0x8b: {  	s20 =	sshll.u32 s20, $0x7;
	_ =	swait.ge [sflag:s15], $0x4000;
	(pc) =	sbr.rel @p0 .LBB2_2-.Ltmp1, $4  }
0x8c: {  	s20 =	sadd.s32 s9, s20;
	[sflag:s15] =	ssyncset.done $0x0  }
0x8d: {  	s20 =	sshrl.u32 s20, $0x3;
	[sflag:s15] =	ssyncadd.s32 $0xFFFFC000  }
0x8e: {  	s21 =	sadd.s32 s5, s20;
	s20 =	sadd.s32 s6, s20  }
0x8f: {  	[tilespmem:s0], [sflag:$0x1] =	stream.linear.gather [hbm4b:s21+s3], $0x80, $0x38;
	[tilespmem:$0x1C200] =	vst v63  }
.LBB2_3:
0x90: {  	[tilespmem:s1], [sflag:$0x1] =	stream.linear.gather [hbm4b:s20+s3], $0x80, $0x38;
	[tilespmem:$0x1C200] =	vst v63  }
0x91: {  	_ =	swait.ge [sflag:s7], $0x4000  }
0x92: {  	[sflag:s7] =	ssyncset.done $0x0  }
0x93: {  	[sflag:s7] =	ssyncadd.s32 $0xFFFFC000  }
0x94: {  	_ =	swait.ge [sflag:s31], $0x80  }
0x95: {  	[sflag:s31] =	ssyncset.done $0x0  }
0x96: {  	s17 =	sadd.s32 $0x2, s17;
	[sflag:s31] =	ssyncadd.s32 $0xFFFFFF80  }
0x97: {  	s18 =	sadd.s32 $0xFFFFFFFF, s17;
	_ =	swait.ge [sflag:s31], $0x80  }
0x98: {  	s20 =	smov.u32 s13;
	p0 =	slt.s32 s18, s13;
	[sflag:s31] =	ssyncset.done $0x0  }
0x99: {  	s20 =	smov.u32 @p0 s18;
	[sflag:s31] =	ssyncadd.s32 $0xFFFFFF80  }
0x9a: {  	[tilespmem:s14], [sflag:$0x2] =	stream.indirect.gather [hbm4b:s4+s0], $0x80, s0, s0, $0xb8;
	[tilespmem:$0x1C200] =	vst v63  }
0x9b: {  	s18 =	sshll.u32 s20, $0x7  }
0x9c: {  	[spmem:s2] =	stream.indirect.scatter.add.f32 [tilespmem:s28], [sflag:$0x3], $0x80, s30, s0, $0xb8;
	[tilespmem:$0x1C200] =	vst v63  }
0x9d: {  	s18 =	sadd.s32 s9, s18;
	_ =	swait.ge [sflag:s15], $0x4000  }
0x9e: {  	s18 =	sshrl.u32 s18, $0x3;
	[sflag:s15] =	ssyncset.done $0x0  }
0x9f: {  	s21 =	sadd.s32 s5, s18;
	[sflag:s15] =	ssyncadd.s32 $0xFFFFC000  }
0xa0: {  	[tilespmem:s3], [sflag:$0x1] =	stream.linear.gather [hbm4b:s21+s3], $0x80, $0x38;
	[tilespmem:$0x1C200] =	vst v63  }
0xa1: {  	s18 =	sadd.s32 s6, s18  }
0xa2: {  	[tilespmem:s30], [sflag:$0x1] =	stream.linear.gather [hbm4b:s18+s3], $0x80, $0x38;
	[tilespmem:$0x1C200] =	vst v63  }
0xa3: {  	_ =	swait.ge [sflag:s7], $0x4000  }
0xa4: {  	[sflag:s7] =	ssyncset.done $0x0  }
0xa5: {  	[sflag:s7] =	ssyncadd.s32 $0xFFFFC000  }
0xa6: {  	_ =	swait.ge [sflag:s31], $0x80  }
0xa7: {  	[sflag:s31] =	ssyncset.done $0x0  }
0xa8: {  	[sflag:s31] =	ssyncadd.s32 $0xFFFFFF80  }
0xa9: {  	_ =	swait.ge [sflag:s31], $0x80  }
0xaa: {  	p0 =	slt.s32 s17, s13;
	s18 =	smov.u32 s13;
	[sflag:s31] =	ssyncset.done $0x0  }
0xab: {  	s18 =	smov.u32 @p0 s17;
	[sflag:s31] =	ssyncadd.s32 $0xFFFFFF80  }
0xac: {  	[tilespmem:s28], [sflag:$0x2] =	stream.indirect.gather [hbm4b:s4+s0], $0x80, s3, s0, $0xb8;
	[tilespmem:$0x1C200] =	vst v63  }
0xad: {  	s17 =	sshll.u32 s18, $0x7  }
0xae: {  	[spmem:s2] =	stream.indirect.scatter.add.f32 [tilespmem:s14], [sflag:$0x3], $0x80, s1, s0, $0xb8;
	[tilespmem:$0x1C200] =	vst v63  }
0xaf: {  	s17 =	sadd.s32 s9, s17;
	_ =	swait.ge [sflag:s15], $0x4000  }
0xb0: {  	s17 =	sshrl.u32 s17, $0x3;
	[sflag:s15] =	ssyncset.done $0x0  }
0xb1: {  	s25 =	sadd.s32 s5, s17;
	[sflag:s15] =	ssyncadd.s32 $0xFFFFC000  }
0xb2: {  	[tilespmem:s0], [sflag:$0x1] =	stream.linear.gather [hbm4b:s25+s3], $0x80, $0x38;
	[tilespmem:$0x1C200] =	vst v63  }
0xb3: {  	s17 =	sadd.s32 s6, s17  }
0xb4: {  	[tilespmem:s1], [sflag:$0x1] =	stream.linear.gather [hbm4b:s17+s3], $0x80, $0x38;
	[tilespmem:$0x1C200] =	vst v63  }
0xb5: {  	_ =	swait.ge [sflag:s7], $0x4000  }
0xb6: {  	[sflag:s7] =	ssyncset.done $0x0  }
0xb7: {  	[sflag:s7] =	ssyncadd.s32 $0xFFFFC000  }
0xb8: {  	_ =	swait.ge [sflag:s31], $0x80  }
0xb9: {  	[sflag:s31] =	ssyncset.done $0x0  }
0xba: {  	[sflag:s31] =	ssyncadd.s32 $0xFFFFFF80  }
0xbb: {  	_ =	swait.ge [sflag:s31], $0x80  }
0xbc: {  	[sflag:s31] =	ssyncset.done $0x0  }
0xbd: {  	[sflag:s31] =	ssyncadd.s32 $0xFFFFFF80  }
0xbe: {  	[spmem:s2] =	stream.indirect.scatter.add.f32 [tilespmem:s28], [sflag:$0x3], $0x80, s30, s0, $0xb8;
	[tilespmem:$0x1C200] =	vst v63  }
0xbf: {  	_ =	swait.ge [sflag:s15], $0x4000  }
0xc0: {  	[sflag:s15] =	ssyncset.done $0x0  }
0xc1: {  	[sflag:s15] =	ssyncadd.s32 $0xFFFFC000  }
0xc2: {  	[bflag:$0x0] =	sbarrier.arrive $0xFFFF  }
0xc3: {  	[tilespmem:s28], [sflag:$0x2] =	stream.linear.gather [spmem:s8], $0x4000, $0x38;
	[tilespmem:$0x1C200] =	vst v63  }
0xc4: {  	_ =	swait.ge [sflag:s7], $0x4000  }
0xc5: {  	[sflag:s7] =	ssyncset.done $0x0  }
0xc6: {  	[sflag:s7] =	ssyncadd.s32 $0xFFFFC000  }
0xc7: {  	[tilespmem:s14], [sflag:$0x2] =	stream.linear.gather [spmem:s10], $0x4000, $0x38;
	[tilespmem:$0x1C200] =	vst v63  }
0xc8: {  	s18 =	rddreg [dreg:$0x8]  }
0xc9: {  	[hbm4b:s18+s3] =	stream.linear.scatter [tilespmem:s28], [sflag:$0x3], $0x4000, $0x38;
	[tilespmem:$0x1C200] =	vst v63  }
0xca: {  	_ =	swait.ge [sflag:s15], $0x4000  }
0xcb: {  	[sflag:s15] =	ssyncset.done $0x0  }
0xcc: {  	[sflag:s15] =	ssyncadd.s32 $0xFFFFC000  }
0xcd: {  	_ =	swait.ge [sflag:s7], $0x4000  }
0xce: {  	[sflag:s7] =	ssyncset.done $0x0  }
0xcf: {  	[sflag:s7] =	ssyncadd.s32 $0xFFFFC000  }
0xd0: {  	[tilespmem:s28], [sflag:$0x2] =	stream.linear.gather [spmem:s11], $0x4000, $0x38;
	[tilespmem:$0x1C200] =	vst v63  }
0xd1: {  	s20 =	rddreg [dreg:$0x9]  }
0xd2: {  	[hbm4b:s20+s3] =	stream.linear.scatter [tilespmem:s14], [sflag:$0x3], $0x4000, $0x38;
	[tilespmem:$0x1C200] =	vst v63  }
0xd3: {  	_ =	swait.ge [sflag:s15], $0x4000  }
0xd4: {  	[sflag:s15] =	ssyncset.done $0x0  }
0xd5: {  	[sflag:s15] =	ssyncadd.s32 $0xFFFFC000  }
0xd6: {  	_ =	swait.ge [sflag:s7], $0x4000  }
0xd7: {  	[sflag:s7] =	ssyncset.done $0x0  }
0xd8: {  	[sflag:s7] =	ssyncadd.s32 $0xFFFFC000  }
0xd9: {  	[tilespmem:s14], [sflag:$0x2] =	stream.linear.gather [spmem:s12], $0x4000, $0x38;
	[tilespmem:$0x1C200] =	vst v63  }
0xda: {  	s21 =	rddreg [dreg:$0xa]  }
0xdb: {  	[hbm4b:s21+s3] =	stream.linear.scatter [tilespmem:s28], [sflag:$0x3], $0x4000, $0x38;
	[tilespmem:$0x1C200] =	vst v63  }
0xdc: {  	_ =	swait.ge [sflag:s15], $0x4000  }
0xdd: {  	[sflag:s15] =	ssyncset.done $0x0  }
0xde: {  	[sflag:s15] =	ssyncadd.s32 $0xFFFFC000  }
0xdf: {  	_ =	swait.ge [sflag:s7], $0x4000  }
0xe0: {  	[sflag:s7] =	ssyncset.done $0x0  }
0xe1: {  	[sflag:s7] =	ssyncadd.s32 $0xFFFFC000  }
0xe2: {  	[tilespmem:s28], [sflag:$0x2] =	stream.linear.gather [spmem:s26], $0x4000, $0x38;
	[tilespmem:$0x1C200] =	vst v63  }
0xe3: {  	s25 =	rddreg [dreg:$0xb]  }
0xe4: {  	[hbm4b:s25+s3] =	stream.linear.scatter [tilespmem:s14], [sflag:$0x3], $0x4000, $0x38;
	[tilespmem:$0x1C200] =	vst v63  }
0xe5: {  	_ =	swait.ge [sflag:s15], $0x4000  }
0xe6: {  	[sflag:s15] =	ssyncset.done $0x0  }
0xe7: {  	[sflag:s15] =	ssyncadd.s32 $0xFFFFC000  }
0xe8: {  	s16 =	sadd.s32 $0x1, s16;
	_ =	swait.ge [sflag:s7], $0x4000  }
0xe9: {  	p0 =	sne.s32 s16, s23;
	[sflag:s7] =	ssyncset.done $0x0  }
.Ltmp2:
0xea: {  	[sflag:s7] =	ssyncadd.s32 $0xFFFFC000;
	(pc) =	sbr.rel @p0 .LBB2_1-.Ltmp2, $4  }
0xeb: {  	[hbm4b:s22+s3] =	stream.linear.scatter [tilespmem:s28], [sflag:$0x3], $0x4000, $0x38;
	[tilespmem:$0x1C200] =	vst v63  }
0xec: {  	_ =	swait.ge [sflag:s15], $0x4000  }
0xed: {  	[sflag:s15] =	ssyncset.done $0x0  }
0xee: {  	[sflag:s15] =	ssyncadd.s32 $0xFFFFC000  }
0xef: {  	_ =	sfence.sel $0x180000  }
0xf0: {  	[bflag:$0x0] =	sbarrier.arrive $0xFFFF  }
0xf1: {  	_ =	strace $0x9000004D  }
0xf2: {  	s0 =	stileid.u32;
	[bflag:$0x2] =	sbarrier.arrive $0xFFFF  }
0xf3: {  	p0 =	sne.s32 s0, $0x0;
	s0 =	rddreg [dreg:$0x2]  }
0xf4: {  	s0 =	sadd.s32 @!p0 $0x100000, s0  }
0xf5: {  	[sflag:s0] =	ssyncadd.tile.s32 @!p0 $0x1;
	_ =	shalt  }
.Lfunc_end2:
_tile_overlayer_lowered:
.L_overlay_start_2:
0xf6: {  	(tag) =	ssettag $0x2  }
0xf7: {  	s0 =	rddreg [dreg:$0x0];
	s2 =	stileid.u32  }
0xf8: {  	s1 =	rddreg [dreg:$0x1];
	p0 =	sne.s32 s2, $0x0  }
0xf9: {  	s3 =	rddreg [dreg:$0x2];
	[bflag:$0x3] =	sbarrier.arrive $0xFFFF;
	s2 =	simm.s32 @!p0 $0x1C04  }
0xfa: {  	[timem:s3], [sflag:s2] =	dma.local @!p0 [hbm:s0], s1  }
0xfb: {  	s0 =	simm.s32 @!p0 $0x4  }
0xfc: {  	_ =	swait.ge @!p0 [sflag:s0], s1  }
0xfd: {  	s1 =	ssub.s32 @!p0 $0x0, s1;
	[sflag:s0] =	ssyncset.done @!p0 $0x0  }
0xfe: {  	[sflag:s0] =	ssyncadd.s32 @!p0 s1  }
0xff: {  	[bflag:$0x3] =	sbarrier.arrive $0xFFFF  }
0x100: {  	_ =	shalt  }

// kernel: kernel.9.cloned.1.call-start
scs
__scs_entry_jumppad:
0x0: {  	(pc) =	sbr.rel $0x88, $3  }
0x1: {  	(tag) =	ssettag $0x0;
	lr =	simm.s32 $0x1  }
0x2: {  	[smem:$0x3F96] =	sst lr;
	_ =	strace $0xD0000000  }
0x3: {  	_ = 	snop  }
0x4: {  	_ = 	snop  }
0x5: {  	_ = 	snop  }
0x6: {  	_ = 	snop  }
0x7: {  	_ = 	snop  }
__scs_overlays_trampoline_lowered:
0x8: {  	[smem:$0x3FA5] =	sst s0  }
0x9: {  	[smem:$0x3FA6] =	sst s1  }
0xa: {  	[smem:$0x3FA7] =	sst s2  }
0xb: {  	[smem:$0x3FA8] =	sst s3  }
0xc: {  	[smem:$0x3FA9] =	sst s4  }
0xd: {  	[smem:$0x3FAA] =	sst s5  }
0xe: {  	[smem:$0x3FAB] =	sst s6  }
0xf: {  	[smem:$0x3FAC] =	sst s7  }
0x10: {  	[smem:$0x3FAD] =	sst s8  }
0x11: {  	[smem:$0x3FAE] =	sst s9;
	s0 =	simm.s32 @!p0 $0x0  }
0x12: {  	s1 =	sld [smem:$0x3F94];
	s0 =	simm.s32 @p0 $0x1  }
0x13: {  	[smem:$0x3FAF] =	sst s0;
	s0 =	simm.s32 @!p1 $0x0  }
0x14: {  	s2 =	sld [smem:$0x3F93];
	s0 =	simm.s32 @p1 $0x1  }
0x15: {  	[smem:$0x3FB0] =	sst s0;
	s0 =	simm.s32 @!p2 $0x0  }
0x16: {  	s3 =	sld [smem:$0x3FDB];
	s0 =	simm.s32 @p2 $0x1  }
0x17: {  	s4 =	simm.s32 $0x1BF5;
	[smem:$0x3FB2] =	sst s0  }
0x18: {  	s0 =	sld [smem:$0x3F95];
	_ =	swait.ge [sflag:s4], $0x0  }
0x19: {  	s7 =	sld [smem:$0x3F96]  }
0x1a: {  	s8 =	sadd.s32 $0xFFFFE003, lr  }
0x1b: {  	s9 =	sadd.s32 $0xFFFFFEF7, lr;
	s5 =	simm.s32 $0xFFFFFFFF;
	p2 =	slt.u32 s8, $0xFFFFF086  }
0x1c: {  	p1 =	slt.u32 s9, $0xF7A;
	s5 =	simm.s32 @!p2 $0x0  }
0x1d: {  	s5 =	simm.s32 @p1 $0x1;
	p0 =	seq.s32 s7, s2  }
0x1e: {  	s7 =	smul.u32 @!p0 $0xF7A, s2;
	p2 =	seq.s32 @!p0 s5, $0x0  }
0x1f: {  	s9 =	smul.u32 $0xF7A, s1;
	s8 =	simm.s32 @!p0 $0x1BF5;
	p2 =	por !p2, p0  }
0x20: {  	[sflag:s8] =	ssyncset.s32 @!p0 $0xFFFFF086;
	s6 =	sadd.s32 @!p0 s3, s7;
	s7 =	simm.s32 @!p0 $0x108  }
0x21: {  	s3 =	sadd.s32 s3, s9;
	s6 =	sadd.s32 @!p0 $0x88, s6;
	s7 =	simm.s32 @p2 $0x1082  }
0x22: {  	[simem:s7], [sflag:s8] =	dma.local @!p0 [hbm:s6], $0xF7A  }
0x23: {  	s9 =	sor.u32 $0xD0000000, s2;
	s6 =	simm.s32 $0x108;
	_ =	swait.ge @!p0 [sflag:s8], $0x0  }
0x24: {  	s3 =	sadd.s32 $0x88, s3;
	s6 =	simm.s32 @!p1 $0x1082;
	[sflag:s4] =	ssyncset.s32 $0xFFFFF086  }
0x25: {  	[simem:s6], [sflag:s4] =	dma.local [hbm:s3], $0xF7A  }
0x26: {  	[smem:$0x3F96] =	sst s1;
	(tag) =	ssettag s2;
	_ =	strace s9  }
0x27: {  	s1 =	sld [smem:$0x3FA6]  }
0x28: {  	s2 =	sld [smem:$0x3FA7]  }
0x29: {  	s4 =	sld [smem:$0x3FA9]  }
0x2a: {  	p0 =	seq.s32 s5, $0x0;
	s5 =	sld [smem:$0x3FAA]  }
0x2b: {  	s6 =	sld [smem:$0x3FAB]  }
0x2c: {  	s7 =	sld [smem:$0x3FAC]  }
0x2d: {  	s3 =	simm.s32 $0x108;
	s8 =	sld [smem:$0x3FAD]  }
0x2e: {  	s3 =	simm.s32 @!p0 $0x1082;
	s9 =	sld [smem:$0x3FAE]  }
0x2f: {  	lr =	sadd.s32 s0, s3;
	s0 =	sld [smem:$0x3FA5]  }
0x30: {  	s3 =	sld [smem:$0x3FA8]  }
0x31: {  	[smem:$0x3FB1] =	sst s10  }
0x32: {  	s10 =	sld [smem:$0x3FAF];
	_ =	sdelay $0x3  }
0x33: {  	p0 =	seq.s32 s10, $0x1;
	s10 =	sld [smem:$0x3FB1];
	_ =	sdelay $0x3  }
0x34: {  	[smem:$0x3FB1] =	sst s10  }
0x35: {  	s10 =	sld [smem:$0x3FB0];
	_ =	sdelay $0x3  }
0x36: {  	p1 =	seq.s32 s10, $0x1;
	s10 =	sld [smem:$0x3FB1];
	_ =	sdelay $0x3  }
0x37: {  	[smem:$0x3FB1] =	sst s10  }
0x38: {  	s10 =	sld [smem:$0x3FB2]  }
0x39: {  	_ = 	snop;
	(pc) =	sbr.ind lr, $3  }
0x3a: {  	_ = 	snop  }
0x3b: {  	_ = 	snop  }
0x3c: {  	p2 =	seq.s32 s10, $0x1;
	s10 =	sld [smem:$0x3FB1]  }
0x3d: {  	_ =	shalt  }
0x3e: {  	_ =	shalt  }
0x3f: {  	_ =	shalt  }
0x40: {  	_ =	shalt  }
0x41: {  	_ =	shalt  }
0x42: {  	_ =	shalt  }
0x43: {  	_ =	shalt  }
0x44: {  	_ =	shalt  }
0x45: {  	_ =	shalt  }
0x46: {  	_ =	shalt  }
0x47: {  	_ =	shalt  }
0x48: {  	_ =	shalt  }
0x49: {  	_ =	shalt  }
0x4a: {  	_ =	shalt  }
0x4b: {  	_ =	shalt  }
0x4c: {  	_ =	shalt  }
0x4d: {  	_ =	shalt  }
0x4e: {  	_ =	shalt  }
0x4f: {  	_ =	shalt  }
0x50: {  	_ =	shalt  }
0x51: {  	_ =	shalt  }
0x52: {  	_ =	shalt  }
0x53: {  	_ =	shalt  }
0x54: {  	_ =	shalt  }
0x55: {  	_ =	shalt  }
0x56: {  	_ =	shalt  }
0x57: {  	_ =	shalt  }
0x58: {  	_ =	shalt  }
0x59: {  	_ =	shalt  }
0x5a: {  	_ =	shalt  }
0x5b: {  	_ =	shalt  }
0x5c: {  	_ =	shalt  }
0x5d: {  	_ =	shalt  }
0x5e: {  	_ =	shalt  }
0x5f: {  	_ =	shalt  }
0x60: {  	_ =	shalt  }
0x61: {  	_ =	shalt  }
0x62: {  	_ =	shalt  }
0x63: {  	_ =	shalt  }
0x64: {  	_ =	shalt  }
0x65: {  	_ =	shalt  }
0x66: {  	_ =	shalt  }
0x67: {  	_ =	shalt  }
0x68: {  	_ =	shalt  }
0x69: {  	_ =	shalt  }
0x6a: {  	_ =	shalt  }
0x6b: {  	_ =	shalt  }
0x6c: {  	_ =	shalt  }
0x6d: {  	_ =	shalt  }
0x6e: {  	_ =	shalt  }
0x6f: {  	_ =	shalt  }
0x70: {  	_ =	shalt  }
0x71: {  	_ =	shalt  }
0x72: {  	_ =	shalt  }
0x73: {  	_ =	shalt  }
0x74: {  	_ =	shalt  }
0x75: {  	_ =	shalt  }
0x76: {  	_ =	shalt  }
0x77: {  	_ =	shalt  }
0x78: {  	_ =	shalt  }
0x79: {  	_ =	shalt  }
0x7a: {  	_ =	shalt  }
0x7b: {  	_ =	shalt  }
0x7c: {  	_ =	shalt  }
0x7d: {  	_ =	shalt  }
0x7e: {  	_ =	shalt  }
0x7f: {  	_ =	shalt  }
0x80: {  	_ =	shalt  }
0x81: {  	_ =	shalt  }
0x82: {  	_ =	shalt  }
0x83: {  	_ =	shalt  }
0x84: {  	_ =	shalt  }
0x85: {  	_ =	shalt  }
0x86: {  	_ =	shalt  }
0x87: {  	_ =	shalt  }
.Lfunc_end0:
.L_simem_size_0:
called_computation_lowered:
.L_overlay_start_0:
0x88: {  	s2 =	sld [smem:$0x3FD9]  }
0x89: {  	s3 =	sld [smem:$0x3FFE];
	_ =	sdelay $0x1  }
0x8a: {  	s1 =	srdreg.scid  }
0x8b: {  	s0 =	sand.u32 $0x1, s1  }
0x8c: {  	s17 =	sshll.u32 s0, $0xA;
	s2 =	sadd.s32 s3, s2  }
0x8d: {  	s2 =	sadd.s32 s2, s17  }
0x8e: {  	[smem:$0x3FBD] =	sst s2  }
0x8f: {  	_ = 	snop  }
0x90: {  	s2 =	sld [smem:$0x3FD0];
	(tm) =	ssettm $0x1  }
0x91: {  	s18 =	sld [smem:$0x3FFB];
	_ =	sdelay $0x3  }
0x92: {  	_ =	strace s18  }
0x93: {  	s3 =	sld [smem:$0x3FFC];
	_ =	sdelay $0x3  }
0x94: {  	_ =	strace s3  }
0x95: {  	s3 =	sld [smem:$0x3FFD];
	_ =	sdelay $0x3  }
0x96: {  	_ =	strace s3  }
0x97: {  	_ =	strace $0x8FFFFFFF  }
0x98: {  	s19 =	sld [smem:$0x3FDB];
	_ =	sdelay $0x1  }
0x99: {  	s4 =	simm.s32 $_scs_section_size  }
0x9a: {  	s5 =	simm.s32 $_size__tile_overlayer_lowered;
	s6 =	simm.s32 $_tile_overlayer_lowered  }
0x9b: {  	s22 =	simm.s32 $0x1BFF;
	s21 =	sshll.u32 s6, $0x1;
	s3 =	sadd.s32 s4, s19  }
0x9c: {  	s7 =	simm.s32 $0x0;
	s20 =	sshll.u32 s5, $0x1;
	s5 =	sadd.s32 s21, s3  }
0x9d: {  	[timem:s7], [sflag:s22] =	dma.local [hbm:s5], s20  }
0x9e: {  	_ =	swait.ge [sflag:s22], s20  }
0x9f: {  	s4 =	ssub.s32 $0x0, s20;
	[sflag:s22] =	ssyncset.done $0x0  }
0xa0: {  	[sflag:s22] =	ssyncadd.s32 s4;
	_ =	sdelay $0x1  }
0xa1: {  	s23 =	simm.s32 $0x1B8B  }
0xa2: {  	_ =	swait.ge [sflag:s23], $0x1  }
0xa3: {  	[sflag:s23] =	ssyncset.done $0x0  }
0xa4: {  	s25 =	simm.s32 $0x1B8E;
	s24 =	sld [smem:$0x3FFE];
	[sflag:s23] =	ssyncadd.s32 $0xFFFFFFFF  }
0xa5: {  	s26 =	simm.s32 $execute0_lowered;
	[smem:$0x3FD2] =	sst s25  }
0xa6: {  	s5 =	sshll.u32 s26, $0x1;
	_ =	strace $0x80000046;
	[dreg:$0x1] =	wrdreg $0xFFFFFFFF  }
0xa7: {  	s28 =	simm.s32 $_size_execute0_lowered;
	s3 =	sadd.s32 s3, s5;
	[dreg:$0x0] =	wrdreg $0x0  }
0xa8: {  	s5 =	sshll.u32 s28, $0x1;
	[dreg:$0x2] =	wrdreg s3  }
0xa9: {  	[dreg:$0x3] =	wrdreg s5  }
0xaa: {  	[dreg:$0x4] =	wrdreg $0xC0  }
0xab: {  	_ =	task [dreg:s7], $0x5FFFF  }
0xac: {  	[dreg:$0x1] =	wrdreg $0xFFFFFFFF  }
0xad: {  	[dreg:$0x0] =	wrdreg $0x60  }
0xae: {  	[dreg:$0x2] =	wrdreg s24  }
0xaf: {  	[dreg:$0x3] =	wrdreg s2  }
0xb0: {  	[dreg:$0x4] =	wrdreg $0x82000  }
0xb1: {  	[dreg:$0x5] =	wrdreg $0x9  }
0xb2: {  	_ =	task.clear_ibuf [dreg:s7], $0x6FFFF;
	_ =	strace $0x90000046  }
0xb3: {  	s29 =	simm.s32 $0x9;
	_ =	strace $0x80000048  }
0xb4: {  	_ =	swait.ge [sflag:s29], $0x1  }
0xb5: {  	[sflag:s29] =	ssyncadd.s32 $0xFFFFFFFF  }
0xb6: {  	_ =	strace $0x90000048  }
0xb7: {  	_ =	sfence  }
0xb8: {  	s30 =	sld [smem:$0x0];
	_ =	sdelay $0x2  }
0xb9: {  	s31 =	sshll.u32 s1, $0xD;
	s1 =	sshrl.u32 s1, $0x2  }
0xba: {  	s3 =	sand.u32 $0x4000, s31;
	s1 =	sadd.s32 s1, s30  }
0xbb: {  	s0 =	sor.u32 s3, s0;
	s1 =	sshll.u32 s1, $0x11  }
0xbc: {  	s0 =	sor.u32 s1, s0  }
0xbd: {  	s0 =	sadd.s32 $0x8F2B, s0  }
0xbe: {  	[sflag:s0] =	ssyncadd.remote.s32 $0x1  }
0xbf: {  	_ =	sfence.sel $0xFFFF  }
0xc0: {  	[dreg:$0x0] =	wrdreg $0xFFFFFFFF;
	(pc) =	sbr.abs _section_cstart, $3  }
0xc1: {  	[dreg:$0x1] =	wrdreg $0xFFFFFFFF  }
0xc2: {  	_ =	task.clear_ibuf [dreg:s7], $0x2FFFF;
	_ =	strace $0x9FFFFFFF  }
0xc3: {  	(tm) =	ssettm $0x7FFFFFFF  }
tec
execute0_lowered:
.L_overlay_start_1:
0x0: {  	(tag) =	ssettag $0x1  }
0x1: {  	s0 =	rddreg [dreg:$0x0]  }
0x2: {  	s1 =	rddreg [dreg:$0x1]  }
0x3: {  	s2 =	rddreg [dreg:$0x2];
	s4 =	srdreg.scid  }
0x4: {  	s14 =	stileid.u32;
	s3 =	simm.s32 $0x0;
	s21 =	simm.s32 $0x4C  }
0x5: {  	s29 =	simm.s32 $0x200;
	s30 =	simm.s32 $0x4;
	s31 =	simm.s32 $0x1C200  }
0x6: {  	s7 =	sand.u32 $0x1, s4;
	s8 =	smul.u32 $0x280, s14;
	[smem:$0x7FF] =	sst s3  }
0x7: {  	s4 =	sadd.s32 $0x16600, s0;
	s5 =	sadd.s32 $0xC800, s0;
	s6 =	sadd.s32 $0x2A00, s0  }
0x8: {  	s10 =	sadd.s32 $0x3E600, s0;
	s13 =	sadd.s32 $0x3EE00, s0;
	s11 =	smul.u32 $0x50000, s14  }
0x9: {  	s9 =	smul.u32 $0x2800, s7;
	_ =	strace $0x80000047;
	[dreg:$0x4] =	wrdreg s10  }
0xa: {  	[dreg:$0x5] =	wrdreg s13;
	s15 =	ssub.s32 $0x2, s7;
	s7 =	sshll.u32 s7, $0x4  }
0xb: {  	s16 =	sshrl.u32 s15, $0x1;
	s7 =	sor.u32 s14, s7;
	s11 =	sshrl.u32 s11, $0x2  }
0xc: {  	s8 =	sadd.s32 s8, s9;
	s17 =	ssub.s32 s15, s16;
	s18 =	smin.u32 s7, $0x12  }
0xd: {  	s19 =	smul.u32 $0x2680, s7;
	p0 =	sgt.u32 s7, $0x11;
	s9 =	sadd.s32 s11, s2  }
0xe: {  	s7 =	sshrl.u32 s7, $0x3;
	s16 =	sshll.u32 s14, $0x7;
	s8 =	sshll.u32 s8, $0x4  }
0xf: {  	s12 =	sshll.u32 s18, $0x8;
	s11 =	sadd.s32 $0x4000, s9;
	s13 =	sadd.s32 $0xC000, s9  }
0x10: {  	s7 =	smul.u32 $0x14000, s7;
	s21 =	simm.s32 @!p0 $0x4E;
	s16 =	sand.u32 $0x380, s16  }
0x11: {  	s18 =	simm.s32 $0x0;
	s0 =	sadd.s32 s8, s0;
	s10 =	sadd.s32 s19, s12  }
0x12: {  	s12 =	sadd.s32 $0x8000, s9;
	s8 =	simm.s32 $0x80;
	s15 =	sshrl.u32 s10, $0x3  }
0x13: {  	s7 =	sor.u32 s16, s7;
	s25 =	sadd.s32 $0x3F400, s0;
	s26 =	sadd.s32 $0x3FC00, s0  }
0x14: {  	s28 =	sadd.s32 $0x40400, s0;
	s16 =	simm.s32 $0x2;
	[dreg:$0xb] =	wrdreg s25  }
0x15: {  	s20 =	sadd.s32 s5, s15;
	s22 =	sadd.s32 s6, s15;
	[dreg:$0xc] =	wrdreg s26  }
0x16: {  	s15 =	sadd.s32 $0x10, s15;
	s7 =	sshrl.u32 s7, $0x3;
	[dreg:$0xd] =	wrdreg s28  }
0x17: {  	s25 =	smax.u32 s17, $0x1;
	s26 =	sadd.s32 $0x10000, s9;
	[dreg:$0x6] =	wrdreg s20  }
0x18: {  	s17 =	simm.s32 $0x4200;
	[dreg:$0x7] =	wrdreg s22;
	s23 =	sadd.s32 s5, s15  }
0x19: {  	s24 =	sadd.s32 s6, s15;
	s1 =	sadd.s32 s1, s7;
	[dreg:$0x8] =	wrdreg s23  }
0x1a: {  	s20 =	sshrl.u32 s21, $0x1;
	s7 =	simm.s32 $0x1;
	[dreg:$0x9] =	wrdreg s24  }
0x1b: {  	s15 =	simm.s32 $0x180;
	[dreg:$0xa] =	wrdreg s1;
	s23 =	sadd.s32 $0x40C00, s0  }
0x1c: {  	v0 =	vimm.f32 $1.000000000e+00;
	s24 =	sadd.s32 $0x41400, s0;
	s0 =	simm.s32 $0x3;
	s1 =	simm.s32 $0x100  }
.LBB2_1:
0x1d: {  	s14 =	rddreg [dreg:$0x4]  }
0x1e: {  	[tilespmem:s29], [sflag:$0x4] =	stream.linear.gather [hbm4b:s14+s3], $0x4000, $0x38;
	[tilespmem:$0x1EA00] =	vst v63  }
0x1f: {  	_ =	swait.ge [sflag:s30], $0x4000  }
0x20: {  	[sflag:s30] =	ssyncset.done $0x0  }
0x21: {  	[sflag:s30] =	ssyncadd.s32 $0xFFFFC000  }
0x22: {  	[spmem:s9] =	stream.linear.scatter [tilespmem:s29], [sflag:$0x3], $0x4000, $0x38;
	[tilespmem:$0x1EA00] =	vst v63  }
0x23: {  	_ = 	snop  }
0x24: {  	[spmem:s11] =	stream.linear.scatter [tilespmem:s29], [sflag:$0x3], $0x4000, $0x38;
	[tilespmem:$0x1EA00] =	vst v63  }
0x25: {  	_ = 	snop  }
0x26: {  	[spmem:s12] =	stream.linear.scatter [tilespmem:s29], [sflag:$0x3], $0x4000, $0x38;
	[tilespmem:$0x1EA00] =	vst v63  }
0x27: {  	_ = 	snop  }
0x28: {  	[spmem:s13] =	stream.linear.scatter [tilespmem:s29], [sflag:$0x3], $0x4000, $0x38;
	[tilespmem:$0x1EA00] =	vst v63  }
0x29: {  	_ = 	snop  }
0x2a: {  	[spmem:s26] =	stream.linear.scatter [tilespmem:s29], [sflag:$0x3], $0x4000, $0x38;
	[tilespmem:$0x1EA00] =	vst v63  }
0x2b: {  	s22 =	rddreg [dreg:$0x5]  }
0x2c: {  	[tilespmem:s31], [sflag:$0x4] =	stream.linear.gather [hbm4b:s22+s3], $0x2800, $0x38;
	[tilespmem:$0x1EA00] =	vst v63  }
0x2d: {  	_ =	swait.ge [sflag:s30], $0x2800  }
0x2e: {  	[sflag:s30] =	ssyncset.done $0x0  }
0x2f: {  	[sflag:s30] =	ssyncadd.s32 $0xFFFFD800  }
0x30: {  	_ =	swait.ge [sflag:s0], $0x4000  }
0x31: {  	[sflag:s0] =	ssyncset.done $0x0  }
0x32: {  	[sflag:s0] =	ssyncadd.s32 $0xFFFFC000  }
0x33: {  	_ =	swait.ge [sflag:s0], $0x4000  }
0x34: {  	[sflag:s0] =	ssyncset.done $0x0  }
0x35: {  	[sflag:s0] =	ssyncadd.s32 $0xFFFFC000  }
0x36: {  	_ =	swait.ge [sflag:s0], $0x4000  }
0x37: {  	[sflag:s0] =	ssyncset.done $0x0  }
0x38: {  	[sflag:s0] =	ssyncadd.s32 $0xFFFFC000  }
0x39: {  	_ =	swait.ge [sflag:s0], $0x4000  }
0x3a: {  	[sflag:s0] =	ssyncset.done $0x0  }
0x3b: {  	[sflag:s0] =	ssyncadd.s32 $0xFFFFC000  }
0x3c: {  	_ =	swait.ge [sflag:s0], $0x4000  }
0x3d: {  	[sflag:s0] =	ssyncset.done $0x0  }
0x3e: {  	[sflag:s0] =	ssyncadd.s32 $0xFFFFC000  }
0x3f: {  	[bflag:$0x0] =	sbarrier.arrive $0xFFFF  }
0x40: {  	s19 =	rddreg [dreg:$0x6]  }
0x41: {  	[tilespmem:s3], [sflag:$0x1] =	stream.linear.gather [hbm4b:s19+s3], $0x80, $0x38;
	[tilespmem:$0x1EA00] =	vst v63  }
0x42: {  	s22 =	rddreg [dreg:$0x7]  }
0x43: {  	[tilespmem:s1], [sflag:$0x1] =	stream.linear.gather [hbm4b:s22+s3], $0x80, $0x38;
	[tilespmem:$0x1EA00] =	vst v63  }
0x44: {  	_ =	swait.ge [sflag:s7], $0x80  }
0x45: {  	[sflag:s7] =	ssyncset.done $0x0  }
0x46: {  	[sflag:s7] =	ssyncadd.s32 $0xFFFFFF80  }
0x47: {  	_ =	swait.ge [sflag:s7], $0x80  }
0x48: {  	[sflag:s7] =	ssyncset.done $0x0  }
0x49: {  	[sflag:s7] =	ssyncadd.s32 $0xFFFFFF80  }
0x4a: {  	[tilespmem:s29], [sflag:$0x2] =	stream.indirect.gather [hbm4b:s4+s8], $0x80, s3, s8, $0xb8;
	[tilespmem:$0x1EA00] =	vst v63  }
0x4b: {  	s19 =	rddreg [dreg:$0x8]  }
0x4c: {  	[tilespmem:s8], [sflag:$0x1] =	stream.linear.gather [hbm4b:s19+s3], $0x80, $0x38;
	[tilespmem:$0x1EA00] =	vst v63  }
0x4d: {  	s28 =	smov.u32 s20;
	s22 =	rddreg [dreg:$0x9];
	s19 =	simm.s32 $0x2  }
0x4e: {  	[tilespmem:s15], [sflag:$0x1] =	stream.linear.gather [hbm4b:s22+s3], $0x80, $0x38;
	[tilespmem:$0x1EA00] =	vst v63  }
.LBB2_2:
0x4f: {  	_ =	swait.ge [sflag:s16], $0x4000  }
0x50: {  	[sflag:s16] =	ssyncset.done $0x0  }
0x51: {  	[sflag:s16] =	ssyncadd.s32 $0xFFFFC000  }
0x52: {  	_ =	swait.ge [sflag:s7], $0x80  }
0x53: {  	[sflag:s7] =	ssyncset.done $0x0  }
0x54: {  	[sflag:s7] =	ssyncadd.s32 $0xFFFFFF80  }
0x55: {  	_ =	swait.ge [sflag:s7], $0x80  }
0x56: {  	[sflag:s7] =	ssyncset.done $0x0  }
0x57: {  	[sflag:s7] =	ssyncadd.s32 $0xFFFFFF80  }
0x58: {  	[tilespmem:s17], [sflag:$0x2] =	stream.indirect.gather [hbm4b:s4+s8], $0x80, s8, s8, $0xb8;
	[tilespmem:$0x1EA00] =	vst v63  }
0x59: {  	_ = 	snop  }
0x5a: {  	[spmem:s2] =	stream.indirect.scatter.add.f32 [tilespmem:s29], [sflag:$0x3], $0x80, s1, s8, $0xb8;
	[tilespmem:$0x1EA00] =	vst v63  }
0x5b: {  	v1 =	vld [tilespmem:$0x100];
	_ =	sdelay $0x7  }
0x5c: {  	[tilespmem:v1+s31+$0x0] =	vst.idx.add.f32.msk $0xffff, v0  }
0x5d: {  	v1 =	vld [tilespmem:$0x110];
	_ =	sdelay $0x7  }
0x5e: {  	[tilespmem:v1+s31+$0x0] =	vst.idx.add.f32.msk $0xffff, v0  }
0x5f: {  	v1 =	vld [tilespmem:$0x120];
	_ =	sdelay $0x7  }
0x60: {  	[tilespmem:v1+s31+$0x0] =	vst.idx.add.f32.msk $0xffff, v0  }
0x61: {  	v1 =	vld [tilespmem:$0x130];
	_ =	sdelay $0x7  }
0x62: {  	[tilespmem:v1+s31+$0x0] =	vst.idx.add.f32.msk $0xffff, v0  }
0x63: {  	v1 =	vld [tilespmem:$0x140];
	_ =	sdelay $0x7  }
0x64: {  	[tilespmem:v1+s31+$0x0] =	vst.idx.add.f32.msk $0xffff, v0  }
0x65: {  	v1 =	vld [tilespmem:$0x150];
	_ =	sdelay $0x7  }
0x66: {  	[tilespmem:v1+s31+$0x0] =	vst.idx.add.f32.msk $0xffff, v0  }
0x67: {  	v1 =	vld [tilespmem:$0x160];
	_ =	sdelay $0x7  }
0x68: {  	[tilespmem:v1+s31+$0x0] =	vst.idx.add.f32.msk $0xffff, v0  }
0x69: {  	v1 =	vld [tilespmem:$0x170];
	_ =	sdelay $0x5  }
0x6a: {  	p0 =	slt.s32 s19, s21;
	s14 =	smov.u32 s21  }
0x6b: {  	s14 =	smov.u32 @p0 s19  }
0x6c: {  	s14 =	sshll.u32 s14, $0x7;
	[tilespmem:v1+s31+$0x0] =	vst.idx.add.f32.msk $0xffff, v0  }
0x6d: {  	s14 =	sadd.s32 s10, s14;
	_ =	swait.ge [sflag:s0], $0x4000  }
0x6e: {  	s14 =	sshrl.u32 s14, $0x3;
	[sflag:s0] =	ssyncset.done $0x0  }
0x6f: {  	s22 =	sadd.s32 s5, s14;
	[sflag:s0] =	ssyncadd.s32 $0xFFFFC000  }
0x70: {  	[tilespmem:s3], [sflag:$0x1] =	stream.linear.gather [hbm4b:s22+s3], $0x80, $0x38;
	[tilespmem:$0x1EA00] =	vst v63  }
0x71: {  	s14 =	sadd.s32 s6, s14  }
0x72: {  	[tilespmem:s1], [sflag:$0x1] =	stream.linear.gather [hbm4b:s14+s3], $0x80, $0x38;
	[tilespmem:$0x1EA00] =	vst v63  }
0x73: {  	_ =	swait.ge [sflag:s16], $0x4000  }
0x74: {  	[sflag:s16] =	ssyncset.done $0x0  }
0x75: {  	[sflag:s16] =	ssyncadd.s32 $0xFFFFC000  }
0x76: {  	_ =	swait.ge [sflag:s7], $0x80  }
0x77: {  	[sflag:s7] =	ssyncset.done $0x0  }
0x78: {  	[sflag:s7] =	ssyncadd.s32 $0xFFFFFF80  }
0x79: {  	_ =	swait.ge [sflag:s7], $0x80  }
0x7a: {  	[sflag:s7] =	ssyncset.done $0x0  }
0x7b: {  	[sflag:s7] =	ssyncadd.s32 $0xFFFFFF80  }
0x7c: {  	[tilespmem:s29], [sflag:$0x2] =	stream.indirect.gather [hbm4b:s4+s8], $0x80, s3, s8, $0xb8;
	[tilespmem:$0x1EA00] =	vst v63  }
0x7d: {  	_ = 	snop  }
0x7e: {  	[spmem:s2] =	stream.indirect.scatter.add.f32 [tilespmem:s17], [sflag:$0x3], $0x80, s15, s8, $0xb8;
	[tilespmem:$0x1EA00] =	vst v63  }
0x7f: {  	v1 =	vld [tilespmem:$0x180];
	_ =	sdelay $0x7  }
0x80: {  	[tilespmem:v1+s31+$0x0] =	vst.idx.add.f32.msk $0xffff, v0  }
0x81: {  	v1 =	vld [tilespmem:$0x190];
	_ =	sdelay $0x7  }
0x82: {  	[tilespmem:v1+s31+$0x0] =	vst.idx.add.f32.msk $0xffff, v0  }
0x83: {  	v1 =	vld [tilespmem:$0x1A0];
	_ =	sdelay $0x7  }
0x84: {  	[tilespmem:v1+s31+$0x0] =	vst.idx.add.f32.msk $0xffff, v0  }
0x85: {  	v1 =	vld [tilespmem:$0x1B0];
	_ =	sdelay $0x7  }
0x86: {  	[tilespmem:v1+s31+$0x0] =	vst.idx.add.f32.msk $0xffff, v0  }
0x87: {  	v1 =	vld [tilespmem:$0x1C0];
	_ =	sdelay $0x7  }
0x88: {  	[tilespmem:v1+s31+$0x0] =	vst.idx.add.f32.msk $0xffff, v0  }
0x89: {  	v1 =	vld [tilespmem:$0x1D0];
	_ =	sdelay $0x7  }
0x8a: {  	[tilespmem:v1+s31+$0x0] =	vst.idx.add.f32.msk $0xffff, v0  }
0x8b: {  	v1 =	vld [tilespmem:$0x1E0];
	_ =	sdelay $0x7  }
0x8c: {  	[tilespmem:v1+s31+$0x0] =	vst.idx.add.f32.msk $0xffff, v0  }
0x8d: {  	v1 =	vld [tilespmem:$0x1F0];
	_ =	sdelay $0x4  }
0x8e: {  	s14 =	sadd.s32 $0x1, s19  }
0x8f: {  	s22 =	smov.u32 s21;
	p0 =	slt.s32 s14, s21  }
0x90: {  	s22 =	smov.u32 @p0 s14  }
0x91: {  	s14 =	sshll.u32 s22, $0x7;
	[tilespmem:v1+s31+$0x0] =	vst.idx.add.f32.msk $0xffff, v0  }
0x92: {  	p0 =	sne.s32 s28, $0x1;
	s14 =	sadd.s32 s10, s14;
	_ =	swait.ge [sflag:s0], $0x4000  }
.Ltmp0:
0x93: {  	s14 =	sshrl.u32 s14, $0x3;
	[sflag:s0] =	ssyncset.done $0x0;
	(pc) =	sbr.rel @p0 .LBB2_2-.Ltmp0, $4  }
0x94: {  	s22 =	sadd.s32 s5, s14;
	[sflag:s0] =	ssyncadd.s32 $0xFFFFC000  }
0x95: {  	[tilespmem:s8], [sflag:$0x1] =	stream.linear.gather [hbm4b:s22+s3], $0x80, $0x38;
	[tilespmem:$0x1EA00] =	vst v63  }
0x96: {  	s19 =	sadd.s32 $0x2, s19;
	s28 =	sadd.s32 $0xFFFFFFFF, s28;
	s14 =	sadd.s32 s6, s14  }
0x97: {  	[tilespmem:s15], [sflag:$0x1] =	stream.linear.gather [hbm4b:s14+s3], $0x80, $0x38;
	[tilespmem:$0x1EA00] =	vst v63  }
0x98: {  	_ =	swait.ge [sflag:s16], $0x4000  }
0x99: {  	[sflag:s16] =	ssyncset.done $0x0  }
0x9a: {  	[sflag:s16] =	ssyncadd.s32 $0xFFFFC000  }
0x9b: {  	_ =	swait.ge [sflag:s7], $0x80  }
0x9c: {  	[sflag:s7] =	ssyncset.done $0x0  }
0x9d: {  	[sflag:s7] =	ssyncadd.s32 $0xFFFFFF80  }
0x9e: {  	_ =	swait.ge [sflag:s7], $0x80  }
0x9f: {  	[sflag:s7] =	ssyncset.done $0x0  }
0xa0: {  	[sflag:s7] =	ssyncadd.s32 $0xFFFFFF80  }
0xa1: {  	[spmem:s2] =	stream.indirect.scatter.add.f32 [tilespmem:s29], [sflag:$0x3], $0x80, s1, s8, $0xb8;
	[tilespmem:$0x1EA00] =	vst v63  }
0xa2: {  	v1 =	vld [tilespmem:$0x100];
	_ =	sdelay $0x7  }
0xa3: {  	[tilespmem:v1+s31+$0x0] =	vst.idx.add.f32.msk $0xffff, v0  }
0xa4: {  	v1 =	vld [tilespmem:$0x110];
	_ =	sdelay $0x7  }
0xa5: {  	[tilespmem:v1+s31+$0x0] =	vst.idx.add.f32.msk $0xffff, v0  }
0xa6: {  	v1 =	vld [tilespmem:$0x120];
	_ =	sdelay $0x7  }
0xa7: {  	[tilespmem:v1+s31+$0x0] =	vst.idx.add.f32.msk $0xffff, v0  }
0xa8: {  	v1 =	vld [tilespmem:$0x130];
	_ =	sdelay $0x7  }
0xa9: {  	[tilespmem:v1+s31+$0x0] =	vst.idx.add.f32.msk $0xffff, v0  }
0xaa: {  	v1 =	vld [tilespmem:$0x140];
	_ =	sdelay $0x7  }
0xab: {  	[tilespmem:v1+s31+$0x0] =	vst.idx.add.f32.msk $0xffff, v0  }
0xac: {  	v1 =	vld [tilespmem:$0x150];
	_ =	sdelay $0x7  }
0xad: {  	[tilespmem:v1+s31+$0x0] =	vst.idx.add.f32.msk $0xffff, v0  }
0xae: {  	v1 =	vld [tilespmem:$0x160];
	_ =	sdelay $0x7  }
0xaf: {  	[tilespmem:v1+s31+$0x0] =	vst.idx.add.f32.msk $0xffff, v0  }
0xb0: {  	v1 =	vld [tilespmem:$0x170];
	_ =	sdelay $0x7  }
0xb1: {  	[tilespmem:v1+s31+$0x0] =	vst.idx.add.f32.msk $0xffff, v0  }
0xb2: {  	_ =	swait.ge [sflag:s0], $0x4000  }
0xb3: {  	[sflag:s0] =	ssyncset.done $0x0  }
0xb4: {  	s19 =	simm.s32 $0x400;
	s14 =	rddreg [dreg:$0xa];
	[sflag:s0] =	ssyncadd.s32 $0xFFFFC000  }
0xb5: {  	[hbm4b:s14+s8] =	stream.strided.scatter [tilespmem:s31], [sflag:$0x4], $0x2800, s19, s8, $0x38;
	[tilespmem:$0x1EA00] =	vst v63  }
0xb6: {  	_ =	swait.ge [sflag:s30], $0x2800  }
0xb7: {  	[sflag:s30] =	ssyncset.done $0x0  }
0xb8: {  	[sflag:s30] =	ssyncadd.s32 $0xFFFFD800  }
0xb9: {  	[bflag:$0x0] =	sbarrier.arrive $0xFFFF  }
0xba: {  	[tilespmem:s29], [sflag:$0x2] =	stream.linear.gather [spmem:s9], $0x4000, $0x38;
	[tilespmem:$0x1EA00] =	vst v63  }
0xbb: {  	_ =	swait.ge [sflag:s16], $0x4000  }
0xbc: {  	[sflag:s16] =	ssyncset.done $0x0  }
0xbd: {  	[sflag:s16] =	ssyncadd.s32 $0xFFFFC000  }
0xbe: {  	[tilespmem:s17], [sflag:$0x2] =	stream.linear.gather [spmem:s11], $0x4000, $0x38;
	[tilespmem:$0x1EA00] =	vst v63  }
0xbf: {  	s19 =	rddreg [dreg:$0xb]  }
0xc0: {  	[hbm4b:s19+s3] =	stream.linear.scatter [tilespmem:s29], [sflag:$0x3], $0x4000, $0x38;
	[tilespmem:$0x1EA00] =	vst v63  }
0xc1: {  	_ =	swait.ge [sflag:s0], $0x4000  }
0xc2: {  	[sflag:s0] =	ssyncset.done $0x0  }
0xc3: {  	[sflag:s0] =	ssyncadd.s32 $0xFFFFC000  }
0xc4: {  	_ =	swait.ge [sflag:s16], $0x4000  }
0xc5: {  	[sflag:s16] =	ssyncset.done $0x0  }
0xc6: {  	[sflag:s16] =	ssyncadd.s32 $0xFFFFC000  }
0xc7: {  	[tilespmem:s29], [sflag:$0x2] =	stream.linear.gather [spmem:s12], $0x4000, $0x38;
	[tilespmem:$0x1EA00] =	vst v63  }
0xc8: {  	s22 =	rddreg [dreg:$0xc]  }
0xc9: {  	[hbm4b:s22+s3] =	stream.linear.scatter [tilespmem:s17], [sflag:$0x3], $0x4000, $0x38;
	[tilespmem:$0x1EA00] =	vst v63  }
0xca: {  	_ =	swait.ge [sflag:s0], $0x4000  }
0xcb: {  	[sflag:s0] =	ssyncset.done $0x0  }
0xcc: {  	[sflag:s0] =	ssyncadd.s32 $0xFFFFC000  }
0xcd: {  	_ =	swait.ge [sflag:s16], $0x4000  }
0xce: {  	[sflag:s16] =	ssyncset.done $0x0  }
0xcf: {  	[sflag:s16] =	ssyncadd.s32 $0xFFFFC000  }
0xd0: {  	[tilespmem:s17], [sflag:$0x2] =	stream.linear.gather [spmem:s13], $0x4000, $0x38;
	[tilespmem:$0x1EA00] =	vst v63  }
0xd1: {  	s28 =	rddreg [dreg:$0xd]  }
0xd2: {  	[hbm4b:s28+s3] =	stream.linear.scatter [tilespmem:s29], [sflag:$0x3], $0x4000, $0x38;
	[tilespmem:$0x1EA00] =	vst v63  }
0xd3: {  	_ =	swait.ge [sflag:s0], $0x4000  }
0xd4: {  	[sflag:s0] =	ssyncset.done $0x0  }
0xd5: {  	[sflag:s0] =	ssyncadd.s32 $0xFFFFC000  }
0xd6: {  	_ =	swait.ge [sflag:s16], $0x4000  }
0xd7: {  	[sflag:s16] =	ssyncset.done $0x0  }
0xd8: {  	[sflag:s16] =	ssyncadd.s32 $0xFFFFC000  }
0xd9: {  	[tilespmem:s29], [sflag:$0x2] =	stream.linear.gather [spmem:s26], $0x4000, $0x38;
	[tilespmem:$0x1EA00] =	vst v63  }
0xda: {  	_ = 	snop  }
0xdb: {  	[hbm4b:s23+s3] =	stream.linear.scatter [tilespmem:s17], [sflag:$0x3], $0x4000, $0x38;
	[tilespmem:$0x1EA00] =	vst v63  }
0xdc: {  	_ =	swait.ge [sflag:s0], $0x4000  }
0xdd: {  	[sflag:s0] =	ssyncset.done $0x0  }
0xde: {  	[sflag:s0] =	ssyncadd.s32 $0xFFFFC000  }
0xdf: {  	s18 =	sadd.s32 $0x1, s18;
	_ =	swait.ge [sflag:s16], $0x4000  }
0xe0: {  	p0 =	sne.s32 s18, s25;
	[sflag:s16] =	ssyncset.done $0x0  }
.Ltmp1:
0xe1: {  	[sflag:s16] =	ssyncadd.s32 $0xFFFFC000;
	(pc) =	sbr.rel @p0 .LBB2_1-.Ltmp1, $4  }
0xe2: {  	[hbm4b:s24+s3] =	stream.linear.scatter [tilespmem:s29], [sflag:$0x3], $0x4000, $0x38;
	[tilespmem:$0x1EA00] =	vst v63  }
0xe3: {  	_ =	swait.ge [sflag:s0], $0x4000  }
0xe4: {  	[sflag:s0] =	ssyncset.done $0x0  }
0xe5: {  	[sflag:s0] =	ssyncadd.s32 $0xFFFFC000  }
0xe6: {  	_ =	sfence.sel $0x180000  }
0xe7: {  	[bflag:$0x0] =	sbarrier.arrive $0xFFFF  }
0xe8: {  	_ =	strace $0x90000047  }
0xe9: {  	s0 =	stileid.u32;
	[bflag:$0x2] =	sbarrier.arrive $0xFFFF  }
0xea: {  	p0 =	sne.s32 s0, $0x0;
	s0 =	rddreg [dreg:$0x3]  }
0xeb: {  	s0 =	sadd.s32 @!p0 $0x100000, s0  }
0xec: {  	[sflag:s0] =	ssyncadd.tile.s32 @!p0 $0x1;
	_ =	shalt  }
.Lfunc_end2:
_tile_overlayer_lowered:
.L_overlay_start_2:
0xed: {  	(tag) =	ssettag $0x2  }
0xee: {  	s0 =	rddreg [dreg:$0x0];
	s2 =	stileid.u32  }
0xef: {  	s1 =	rddreg [dreg:$0x1];
	p0 =	sne.s32 s2, $0x0  }
0xf0: {  	s3 =	rddreg [dreg:$0x2];
	[bflag:$0x3] =	sbarrier.arrive $0xFFFF;
	s2 =	simm.s32 @!p0 $0x1C04  }
0xf1: {  	[timem:s3], [sflag:s2] =	dma.local @!p0 [hbm:s0], s1  }
0xf2: {  	s0 =	simm.s32 @!p0 $0x4  }
0xf3: {  	_ =	swait.ge @!p0 [sflag:s0], s1  }
0xf4: {  	s1 =	ssub.s32 @!p0 $0x0, s1;
	[sflag:s0] =	ssyncset.done @!p0 $0x0  }
0xf5: {  	[sflag:s0] =	ssyncadd.s32 @!p0 s1  }
0xf6: {  	[bflag:$0x3] =	sbarrier.arrive $0xFFFF  }
0xf7: {  	_ =	shalt  }

</sc_bundles>
